<compile_context>
chip_gen: v7x
topology: tpu7x:2x2x1
jax: 0.10.2.dev20260603
libtpu: 0.0.44.dev20260713+nightly
codegen_flags: <defaults>
</compile_context>

<pallas_src>
import functools

import jax
import jax.numpy as jnp
from jax import lax
from jax.experimental import pallas as pl
from jax.experimental.pallas import tpu as pltpu
from jax.experimental.pallas import tpu_sc as plsc

N = 10000
E = 320000
D = 128

NC = 2
NS = 16
NW = NC * NS
EPW = E // NW
KC = 80
KN = 100
NP = 10240
RPT = NP // NS

_SC_PARAMS = pltpu.CompilerParams(use_tc_tiling_on_sc=False,
                                  needs_layout_passes=False)
ZCH = 80


def _zero_agg(rows, agg_sh, s):
    z16 = jnp.zeros((16,), jnp.float32)

    def zrow(r, carry):
        for g in range(D // 16):
            rows[r, pl.ds(g * 16, 16)] = z16
        return carry

    lax.fori_loop(0, ZCH, zrow, 0)
    zsrc = rows.at[pl.ds(0, ZCH)]
    for k in range(RPT // ZCH):
        pltpu.sync_copy(zsrc, agg_sh.at[pl.ds(s * RPT + k * ZCH, ZCH)])


@functools.lru_cache(maxsize=None)
def _make_sc_agg(with_cnt: bool):
    K = KC
    NCHUNK = EPW // K
    NB = 3
    NGRP = (NCHUNK - 5) // NB
    out_type = [jax.ShapeDtypeStruct((NC, NP, D), jnp.float32)]
    scratch = (
        [pltpu.VMEM((K,), jnp.int32) for _ in range(NB)]
        + [pltpu.VMEM((K,), jnp.int32) for _ in range(NB)]
        + [pltpu.VMEM((K, D), jnp.float32) for _ in range(NB)]
        + [pltpu.VMEM_SHARED((NP, D), jnp.float32)]
        + [pltpu.SemaphoreType.DMA] * (4 * NB)
    )
    if with_cnt:
        out_type.append(jax.ShapeDtypeStruct((NW, N), jnp.float32))
        scratch.append(pltpu.VMEM((N,), jnp.float32))

    def body(src_hbm, dst_hbm, y_hbm, agg_out, *rest):
        if with_cnt:
            cnt_out = rest[0]
            rest = rest[1:]
        sb = rest[0:NB]
        db = rest[NB:2 * NB]
        rows = rest[2 * NB:3 * NB]
        agg_sh = rest[3 * NB]
        gsem = rest[3 * NB + 1:3 * NB + 1 + NB]
        ssem = rest[3 * NB + 1 + NB:3 * NB + 1 + 2 * NB]
        iss = rest[3 * NB + 1 + 2 * NB:3 * NB + 1 + 3 * NB]
        isd = rest[3 * NB + 1 + 3 * NB:3 * NB + 1 + 4 * NB]
        if with_cnt:
            cnt_v = rest[3 * NB + 1 + 4 * NB]
        c = lax.axis_index("c")
        s = lax.axis_index("s")
        wid = c * NS + s
        ebase = wid * EPW

        def start_is(i, b):
            pltpu.async_copy(src_hbm.at[pl.ds(ebase + i * K, K)], sb[b], iss[b])

        def wait_is(i, b):
            pltpu.make_async_copy(src_hbm.at[pl.ds(ebase + i * K, K)],
                                  sb[b], iss[b]).wait()

        def start_id(i, b):
            pltpu.async_copy(dst_hbm.at[pl.ds(ebase + i * K, K)], db[b], isd[b])

        def wait_id(i, b):
            pltpu.make_async_copy(dst_hbm.at[pl.ds(ebase + i * K, K)],
                                  db[b], isd[b]).wait()

        def start_g(b):
            pltpu.async_copy(y_hbm.at[sb[b]], rows[b], gsem[b])

        def wait_g(b):
            pltpu.make_async_copy(y_hbm.at[sb[b]], rows[b], gsem[b]).wait()

        def start_scat(b):
            pltpu.async_copy(rows[b], agg_sh.at[db[b]], ssem[b], add=True)

        def wait_scat(b):
            pltpu.make_async_copy(rows[b], agg_sh.at[db[b]], ssem[b]).wait()

        ones16 = jnp.ones((16,), jnp.float32)

        def cnt_upd(b):
            if with_cnt:
                for g in range(K // 16):
                    plsc.addupdate_scatter(cnt_v, [db[b][pl.ds(g * 16, 16)]],
                                           ones16)

        for b in range(NB):
            start_is(b, b)
        start_id(0, 0)
        start_id(1, 1)
        if with_cnt:
            z16 = jnp.zeros((16,), jnp.float32)

            def zcnt(t, carry):
                cnt_v[pl.ds(t * 16, 16)] = z16
                return carry

            lax.fori_loop(0, N // 16, zcnt, 0)
        _zero_agg(rows[0], agg_sh, s)
        wait_is(0, 0)
        start_g(0)
        wait_is(1, 1)
        start_g(1)
        plsc.subcore_barrier()

        def slot(i, b0, first=False):
            b2 = (b0 + 2) % NB
            wait_g(b0)
            wait_id(i, b0)
            cnt_upd(b0)
            start_scat(b0)
            start_is(i + NB, b0)
            if not first:
                wait_scat(b2)
            start_id(i + 2, b2)
            wait_is(i + 2, b2)
            start_g(b2)

        slot(0, 0, first=True)
        slot(1, 1)

        def grp(g, carry):
            base = NB * g + 2
            for q in range(NB):
                slot(base + q, (2 + q) % NB)
            return carry

        lax.fori_loop(0, NGRP, grp, 0)

        i = NCHUNK - 3
        wait_g(2)
        wait_id(i, 2)
        cnt_upd(2)
        start_scat(2)
        wait_scat(1)
        start_id(i + 2, 1)
        wait_is(i + 2, 1)
        start_g(1)
        wait_g(0)
        wait_id(i + 1, 0)
        cnt_upd(0)
        start_scat(0)
        wait_scat(2)
        wait_g(1)
        wait_id(i + 2, 1)
        cnt_upd(1)
        start_scat(1)
        wait_scat(0)
        wait_scat(1)
        plsc.subcore_barrier()

        sl = pl.ds(s * RPT, RPT)
        pltpu.sync_copy(agg_sh.at[sl], agg_out.at[c, sl])
        if with_cnt:
            pltpu.sync_copy(cnt_v, cnt_out.at[wid])

    ot = out_type if with_cnt else out_type[0]
    mesh = plsc.VectorSubcoreMesh(core_axis_name="c", subcore_axis_name="s")
    return pl.kernel(body, mesh=mesh, out_type=ot,
                     scratch_types=scratch, compiler_params=_SC_PARAMS)



BR = 2000


def _ln_relu(x, g, b):
    m = jnp.mean(x, axis=-1, keepdims=True)
    v = jnp.mean((x - m) ** 2, axis=-1, keepdims=True)
    h = (x - m) * lax.rsqrt(v + 1e-5) * g + b
    return jnp.maximum(h, 0.0)


def _tc_pre_body(x_ref, g_ref, b_ref, wlt_ref, y_ref):
    h = _ln_relu(x_ref[...], g_ref[...], b_ref[...])
    y_ref[...] = jnp.dot(h, wlt_ref[...], preferred_element_type=jnp.float32)


def _tc_mm_body(h_ref, w_ref, o_ref):
    o_ref[...] = jnp.dot(h_ref[...], w_ref[...],
                         preferred_element_type=jnp.float32)


def _mean_from_partials(agg, cnt):
    a = agg[0] + agg[1]
    c = jnp.sum(cnt, axis=-1, keepdims=True)
    return a / jnp.maximum(c, 1.0)


def _tc_mid_body(agg_ref, cnt_ref, s0_ref, b0l_ref, g_ref, b_ref,
                 wlt_ref, y_ref, h_ref):
    t = _mean_from_partials(agg_ref[...], cnt_ref[...]) + b0l_ref[...] + s0_ref[...]
    h = _ln_relu(t, g_ref[...], b_ref[...])
    y_ref[...] = jnp.dot(h, wlt_ref[...], preferred_element_type=jnp.float32)
    h_ref[...] = h


def _tc_post_body(x_ref, agg_ref, cnt_ref, s1_ref, b1l_ref, out_ref):
    t = _mean_from_partials(agg_ref[...], cnt_ref[...]) + b1l_ref[...] + s1_ref[...]
    out_ref[...] = x_ref[...] + t


_row_spec = pl.BlockSpec((BR, D), lambda i: (i, 0))
_vec_spec = pl.BlockSpec((1, D), lambda i: (0, 0))
_w_spec = pl.BlockSpec((D, D), lambda i: (0, 0))
_agg_spec = pl.BlockSpec((NC, BR, D), lambda i: (0, i, 0))
_cnt_spec = pl.BlockSpec((BR, NW), lambda i: (i, 0))
_GRID = (N // BR,)

_tc_pre = pl.pallas_call(
    _tc_pre_body,
    grid=_GRID,
    in_specs=[_row_spec, _vec_spec, _vec_spec, _w_spec],
    out_specs=_row_spec,
    out_shape=jax.ShapeDtypeStruct((N, D), jnp.float32),
)

_tc_preh = pl.pallas_call(
    _tc_pre_body,
    grid=_GRID,
    in_specs=[_row_spec, _vec_spec, _vec_spec, _w_spec],
    out_specs=_row_spec,
    out_shape=jax.ShapeDtypeStruct((N, D), jnp.float32),
)

_tc_mm = pl.pallas_call(
    _tc_mm_body,
    grid=_GRID,
    in_specs=[_row_spec, _w_spec],
    out_specs=_row_spec,
    out_shape=jax.ShapeDtypeStruct((N, D), jnp.float32),
)

_tc_mid = pl.pallas_call(
    _tc_mid_body,
    grid=_GRID,
    in_specs=[_agg_spec, _cnt_spec, _row_spec, _vec_spec, _vec_spec,
              _vec_spec, _w_spec],
    out_specs=[_row_spec, _row_spec],
    out_shape=[jax.ShapeDtypeStruct((N, D), jnp.float32)] * 2,
)

_tc_post = pl.pallas_call(
    _tc_post_body,
    grid=_GRID,
    in_specs=[_row_spec, _agg_spec, _cnt_spec, _row_spec, _vec_spec],
    out_specs=_row_spec,
    out_shape=jax.ShapeDtypeStruct((N, D), jnp.float32),
)


def kernel(x, edge_index, ln0_g, ln0_b, w0l, b0l, w0r, ln1_g, ln1_b,
           w1l, b1l, w1r):
    src = edge_index[0]
    dst = edge_index[1]
    g0 = ln0_g.reshape(1, D)
    b0 = ln0_b.reshape(1, D)
    g1 = ln1_g.reshape(1, D)
    b1 = ln1_b.reshape(1, D)
    b0l2 = b0l.reshape(1, D)
    b1l2 = b1l.reshape(1, D)
    y0 = _tc_pre(x, g0, b0, w0l.T)
    agg0, cnt_p = _make_sc_agg(True)(src, dst, y0)
    s0 = _tc_preh(x, g0, b0, w0r.T)
    cnt = cnt_p.T
    y1, h1 = _tc_mid(agg0, cnt, s0, b0l2, g1, b1, w1l.T)
    agg1 = _make_sc_agg(False)(src, dst, y1)
    s1 = _tc_mm(h1, w1r.T)
    return _tc_post(x, agg1, cnt, s1, b1l2)

# --- scband reference (transcript-rebuilt; emitter-appended) ---
"""Pipeline reference for scband-gres-net-block-13099650253560 (READ-ONLY COPY).

The authoritative reference and input builder live on the scoring server;
editing this copy changes nothing except your own understanding.
"""

import jax, jax.numpy as jnp
import numpy as np

N = 10000
E = 320000
D = 128


def _layernorm(h, g, b):
    m = jnp.mean(h, axis=-1, keepdims=True)
    v = jnp.mean((h - m) ** 2, axis=-1, keepdims=True)
    return (h - m) / jnp.sqrt(v + 1e-5) * g + b


def _sage_conv(h, src, dst, Wl, bl, Wr):
    # PyG SAGEConv (aggr='mean'): out = lin_l(mean_{j in N(i)} x_j) + lin_r(x_i)
    msg = h[src]
    agg = jax.ops.segment_sum(msg, dst, num_segments=N)
    cnt = jax.ops.segment_sum(jnp.ones((src.shape[0], 1), h.dtype), dst, num_segments=N)
    mean = agg / jnp.clip(cnt, 1.0)
    return mean @ Wl.T + bl + h @ Wr.T


def setup_inputs(seed: int = 0) -> dict:
    key = jax.random.key(seed)
    ks = jax.random.split(key, 12)
    s = 1.0 / np.sqrt(D)
    x = jax.random.normal(ks[0], (N, D), dtype=jnp.float32)
    edge_index = jax.random.randint(ks[1], (2, E), 0, N, dtype=jnp.int32)
    return {
        "x": x,
        "edge_index": edge_index,
        "ln0_g": jnp.ones((D,), jnp.float32),
        "ln0_b": jnp.zeros((D,), jnp.float32),
        "w0l": jax.random.uniform(ks[2], (D, D), jnp.float32, -s, s),
        "b0l": jax.random.uniform(ks[3], (D,), jnp.float32, -s, s),
        "w0r": jax.random.uniform(ks[4], (D, D), jnp.float32, -s, s),
        "ln1_g": jnp.ones((D,), jnp.float32),
        "ln1_b": jnp.zeros((D,), jnp.float32),
        "w1l": jax.random.uniform(ks[5], (D, D), jnp.float32, -s, s),
        "b1l": jax.random.uniform(ks[6], (D,), jnp.float32, -s, s),
        "w1r": jax.random.uniform(ks[7], (D, D), jnp.float32, -s, s),
    }


def reference(x, edge_index, ln0_g, ln0_b, w0l, b0l, w0r, ln1_g, ln1_b, w1l, b1l, w1r):
    src = edge_index[0]
    dst = edge_index[1]
    h = _layernorm(x, ln0_g, ln0_b)
    h = jax.nn.relu(h)
    h = _sage_conv(h, src, dst, w0l, b0l, w0r)
    h = _layernorm(h, ln1_g, ln1_b)
    h = jax.nn.relu(h)
    h = _sage_conv(h, src, dst, w1l, b1l, w1r)
    return x + h

if __name__ == "__main__":
    import jax
    _d = setup_inputs()
    print(jax.jit(kernel)(*tuple(_d.values())))

</pallas_src>

<mosaic_0001>
#map = affine_map<(d0, d1) -> (0)>
#map1 = affine_map<(d0, d1) -> (0, 0)>
#map2 = affine_map<(d0, d1) -> (0, 0, 0)>
module attributes {stable_mosaic.version = 14 : i64} {
  func.func @body(%arg0: i32, %arg1: i32, %arg2: memref<320000xi32, #tpu.memory_space<hbm>>, %arg3: memref<320000xi32, #tpu.memory_space<hbm>>, %arg4: memref<10000x128xf32, #tpu.memory_space<hbm>>, %arg5: memref<2x10240x128xf32, #tpu.memory_space<hbm>>, %arg6: memref<32x10000xf32, #tpu.memory_space<hbm>>, %arg7: memref<80xi32, #tpu.memory_space<vmem>>, %arg8: memref<80xi32, #tpu.memory_space<vmem>>, %arg9: memref<80xi32, #tpu.memory_space<vmem>>, %arg10: memref<80xi32, #tpu.memory_space<vmem>>, %arg11: memref<80xi32, #tpu.memory_space<vmem>>, %arg12: memref<80xi32, #tpu.memory_space<vmem>>, %arg13: memref<80x128xf32, #tpu.memory_space<vmem>>, %arg14: memref<80x128xf32, #tpu.memory_space<vmem>>, %arg15: memref<80x128xf32, #tpu.memory_space<vmem>>, %arg16: memref<10240x128xf32, #tpu.memory_space<vmem_shared>>, %arg17: memref<!tpu.dma_semaphore, #tpu.memory_space<semaphore_mem>>, %arg18: memref<!tpu.dma_semaphore, #tpu.memory_space<semaphore_mem>>, %arg19: memref<!tpu.dma_semaphore, #tpu.memory_space<semaphore_mem>>, %arg20: memref<!tpu.dma_semaphore, #tpu.memory_space<semaphore_mem>>, %arg21: memref<!tpu.dma_semaphore, #tpu.memory_space<semaphore_mem>>, %arg22: memref<!tpu.dma_semaphore, #tpu.memory_space<semaphore_mem>>, %arg23: memref<!tpu.dma_semaphore, #tpu.memory_space<semaphore_mem>>, %arg24: memref<!tpu.dma_semaphore, #tpu.memory_space<semaphore_mem>>, %arg25: memref<!tpu.dma_semaphore, #tpu.memory_space<semaphore_mem>>, %arg26: memref<!tpu.dma_semaphore, #tpu.memory_space<semaphore_mem>>, %arg27: memref<!tpu.dma_semaphore, #tpu.memory_space<semaphore_mem>>, %arg28: memref<!tpu.dma_semaphore, #tpu.memory_space<semaphore_mem>>, %arg29: memref<10000xf32, #tpu.memory_space<vmem>>) attributes {dimension_semantics = [#tpu.dimension_semantics<core_parallel>, #tpu.dimension_semantics<subcore_parallel>], iteration_bounds = array<i64: 2, 16>, scalar_prefetch = 0 : i64, scratch_operands = 23 : i64, tpu.core_type = #tpu.core_type<sc_vector_subcore>, window_params = [{transform_indices = #map}, {transform_indices = #map}, {transform_indices = #map1}, {transform_indices = #map2}, {transform_indices = #map1}]} {
    %mul3A = arith.constant 16 : i32
    %mul3A_0 = arith.muli %arg0, %mul3A : i32
    %add3A = arith.addi %mul3A_0, %arg1 : i32
    %mul3A_1 = arith.constant 10000 : i32
    %mul3A_2 = arith.muli %add3A, %mul3A_1 : i32
    %broadcast_in_dim3A = arith.constant 1.000000e+00 : f32
    %broadcast_in_dim3A_3 = vector.broadcast %broadcast_in_dim3A : f32 to vector<16xf32>
    %add3A_4 = arith.constant 0 : i32
    %add3A_5 = arith.addi %mul3A_2, %add3A_4 : i32
    %dma_start3A = tpu.memref_slice %arg2[%add3A_5] : memref<320000xi32, #tpu.memory_space<hbm>> -> memref<80xi32, #tpu.memory_space<hbm>>
    %dma_start3A_6 = tpu.memref_slice %arg2[%add3A_5] : memref<320000xi32, #tpu.memory_space<hbm>> -> memref<80xi32, #tpu.memory_space<hbm>>
    tpu.enqueue_dma source(%dma_start3A_6 : memref<80xi32, #tpu.memory_space<hbm>>) target(%arg7 : memref<80xi32, #tpu.memory_space<vmem>>) target_semaphore(%arg23 : memref<!tpu.dma_semaphore, #tpu.memory_space<semaphore_mem>>)
    %add3A_7 = arith.constant 80 : i32
    %add3A_8 = arith.addi %mul3A_2, %add3A_7 : i32
    %dma_start3A_9 = tpu.memref_slice %arg2[%add3A_8] : memref<320000xi32, #tpu.memory_space<hbm>> -> memref<80xi32, #tpu.memory_space<hbm>>
    %dma_start3A_10 = tpu.memref_slice %arg2[%add3A_8] : memref<320000xi32, #tpu.memory_space<hbm>> -> memref<80xi32, #tpu.memory_space<hbm>>
    tpu.enqueue_dma source(%dma_start3A_10 : memref<80xi32, #tpu.memory_space<hbm>>) target(%arg8 : memref<80xi32, #tpu.memory_space<vmem>>) target_semaphore(%arg24 : memref<!tpu.dma_semaphore, #tpu.memory_space<semaphore_mem>>)
    %add3A_11 = arith.constant 160 : i32
    %add3A_12 = arith.addi %mul3A_2, %add3A_11 : i32
    %dma_start3A_13 = tpu.memref_slice %arg2[%add3A_12] : memref<320000xi32, #tpu.memory_space<hbm>> -> memref<80xi32, #tpu.memory_space<hbm>>
    %dma_start3A_14 = tpu.memref_slice %arg2[%add3A_12] : memref<320000xi32, #tpu.memory_space<hbm>> -> memref<80xi32, #tpu.memory_space<hbm>>
    tpu.enqueue_dma source(%dma_start3A_14 : memref<80xi32, #tpu.memory_space<hbm>>) target(%arg9 : memref<80xi32, #tpu.memory_space<vmem>>) target_semaphore(%arg25 : memref<!tpu.dma_semaphore, #tpu.memory_space<semaphore_mem>>)
    %add3A_15 = arith.constant 0 : i32
    %add3A_16 = arith.addi %mul3A_2, %add3A_15 : i32
    %dma_start3A_17 = tpu.memref_slice %arg3[%add3A_16] : memref<320000xi32, #tpu.memory_space<hbm>> -> memref<80xi32, #tpu.memory_space<hbm>>
    %dma_start3A_18 = tpu.memref_slice %arg3[%add3A_16] : memref<320000xi32, #tpu.memory_space<hbm>> -> memref<80xi32, #tpu.memory_space<hbm>>
    tpu.enqueue_dma source(%dma_start3A_18 : memref<80xi32, #tpu.memory_space<hbm>>) target(%arg10 : memref<80xi32, #tpu.memory_space<vmem>>) target_semaphore(%arg26 : memref<!tpu.dma_semaphore, #tpu.memory_space<semaphore_mem>>)
    %add3A_19 = arith.constant 80 : i32
    %add3A_20 = arith.addi %mul3A_2, %add3A_19 : i32
    %dma_start3A_21 = tpu.memref_slice %arg3[%add3A_20] : memref<320000xi32, #tpu.memory_space<hbm>> -> memref<80xi32, #tpu.memory_space<hbm>>
    %dma_start3A_22 = tpu.memref_slice %arg3[%add3A_20] : memref<320000xi32, #tpu.memory_space<hbm>> -> memref<80xi32, #tpu.memory_space<hbm>>
    tpu.enqueue_dma source(%dma_start3A_22 : memref<80xi32, #tpu.memory_space<hbm>>) target(%arg11 : memref<80xi32, #tpu.memory_space<vmem>>) target_semaphore(%arg27 : memref<!tpu.dma_semaphore, #tpu.memory_space<semaphore_mem>>)
    %broadcast_in_dim3A_23 = arith.constant 0.000000e+00 : f32
    %broadcast_in_dim3A_24 = vector.broadcast %broadcast_in_dim3A_23 : f32 to vector<16xf32>
    %scan3A = arith.constant 0 : i32
    %scan3A_25 = arith.constant 0 : i32
    %scan3A_26 = arith.constant 625 : i32
    %scan3A_27 = arith.addi %scan3A_25, %scan3A_26 : i32
    %scan3A_28 = arith.constant 1 : i32
    scf.for %scan3A_247 = %scan3A_25 to %scan3A_27 step %scan3A_28  : i32 {
      %mul3A_248 = arith.constant 16 : i32
      %mul3A_249 = arith.muli %scan3A_247, %mul3A_248 : i32
      %swap3A = arith.index_cast %mul3A_249 : i32 to index
      %swap3A_250 = tpu.vector_load %arg29[%swap3A] {strides = array<i32>} : memref<10000xf32, #tpu.memory_space<vmem>>, vector<16xf32>,
      tpu.vector_store %arg29[%swap3A], %broadcast_in_dim3A_24 {strides = array<i32>} : memref<10000xf32, #tpu.memory_space<vmem>>, vector<16xf32>,
    }
    %scan3A_29 = arith.constant 625 : i32
    %broadcast_in_dim3A_30 = arith.constant 0.000000e+00 : f32
    %broadcast_in_dim3A_31 = vector.broadcast %broadcast_in_dim3A_30 : f32 to vector<16xf32>
    %scan3A_32 = arith.constant 0 : i32
    %scan3A_33 = arith.constant 0 : i32
    %scan3A_34 = arith.constant 80 : i32
    %scan3A_35 = arith.addi %scan3A_33, %scan3A_34 : i32
    %scan3A_36 = arith.constant 1 : i32
    scf.for %scan3A_247 = %scan3A_33 to %scan3A_35 step %scan3A_36  : i32 {
      %swap3A = arith.index_cast %scan3A_247 : i32 to index
      %swap3A_248 = arith.constant 0 : index
      %swap3A_249 = tpu.vector_load %arg13[%swap3A, %swap3A_248] {strides = array<i32>} : memref<80x128xf32, #tpu.memory_space<vmem>>, vector<16xf32>,
      tpu.vector_store %arg13[%swap3A, %swap3A_248], %broadcast_in_dim3A_31 {strides = array<i32>} : memref<80x128xf32, #tpu.memory_space<vmem>>, vector<16xf32>,
      %swap3A_250 = arith.index_cast %scan3A_247 : i32 to index
      %swap3A_251 = arith.constant 16 : index
      %swap3A_252 = tpu.vector_load %arg13[%swap3A_250, %swap3A_251] {strides = array<i32>} : memref<80x128xf32, #tpu.memory_space<vmem>>, vector<16xf32>,
      tpu.vector_store %arg13[%swap3A_250, %swap3A_251], %broadcast_in_dim3A_31 {strides = array<i32>} : memref<80x128xf32, #tpu.memory_space<vmem>>, vector<16xf32>,
      %swap3A_253 = arith.index_cast %scan3A_247 : i32 to index
      %swap3A_254 = arith.constant 32 : index
      %swap3A_255 = tpu.vector_load %arg13[%swap3A_253, %swap3A_254] {strides = array<i32>} : memref<80x128xf32, #tpu.memory_space<vmem>>, vector<16xf32>,
      tpu.vector_store %arg13[%swap3A_253, %swap3A_254], %broadcast_in_dim3A_31 {strides = array<i32>} : memref<80x128xf32, #tpu.memory_space<vmem>>, vector<16xf32>,
      %swap3A_256 = arith.index_cast %scan3A_247 : i32 to index
      %swap3A_257 = arith.constant 48 : index
      %swap3A_258 = tpu.vector_load %arg13[%swap3A_256, %swap3A_257] {strides = array<i32>} : memref<80x128xf32, #tpu.memory_space<vmem>>, vector<16xf32>,
      tpu.vector_store %arg13[%swap3A_256, %swap3A_257], %broadcast_in_dim3A_31 {strides = array<i32>} : memref<80x128xf32, #tpu.memory_space<vmem>>, vector<16xf32>,
      %swap3A_259 = arith.index_cast %scan3A_247 : i32 to index
      %swap3A_260 = arith.constant 64 : index
      %swap3A_261 = tpu.vector_load %arg13[%swap3A_259, %swap3A_260] {strides = array<i32>} : memref<80x128xf32, #tpu.memory_space<vmem>>, vector<16xf32>,
      tpu.vector_store %arg13[%swap3A_259, %swap3A_260], %broadcast_in_dim3A_31 {strides = array<i32>} : memref<80x128xf32, #tpu.memory_space<vmem>>, vector<16xf32>,
      %swap3A_262 = arith.index_cast %scan3A_247 : i32 to index
      %swap3A_263 = arith.constant 80 : index
      %swap3A_264 = tpu.vector_load %arg13[%swap3A_262, %swap3A_263] {strides = array<i32>} : memref<80x128xf32, #tpu.memory_space<vmem>>, vector<16xf32>,
      tpu.vector_store %arg13[%swap3A_262, %swap3A_263], %broadcast_in_dim3A_31 {strides = array<i32>} : memref<80x128xf32, #tpu.memory_space<vmem>>, vector<16xf32>,
      %swap3A_265 = arith.index_cast %scan3A_247 : i32 to index
      %swap3A_266 = arith.constant 96 : index
      %swap3A_267 = tpu.vector_load %arg13[%swap3A_265, %swap3A_266] {strides = array<i32>} : memref<80x128xf32, #tpu.memory_space<vmem>>, vector<16xf32>,
      tpu.vector_store %arg13[%swap3A_265, %swap3A_266], %broadcast_in_dim3A_31 {strides = array<i32>} : memref<80x128xf32, #tpu.memory_space<vmem>>, vector<16xf32>,
      %swap3A_268 = arith.index_cast %scan3A_247 : i32 to index
      %swap3A_269 = arith.constant 112 : index
      %swap3A_270 = tpu.vector_load %arg13[%swap3A_268, %swap3A_269] {strides = array<i32>} : memref<80x128xf32, #tpu.memory_space<vmem>>, vector<16xf32>,
      tpu.vector_store %arg13[%swap3A_268, %swap3A_269], %broadcast_in_dim3A_31 {strides = array<i32>} : memref<80x128xf32, #tpu.memory_space<vmem>>, vector<16xf32>,
    }
    %scan3A_37 = arith.constant 80 : i32
    %mul3A_38 = arith.constant 640 : i32
    %mul3A_39 = arith.muli %arg1, %mul3A_38 : i32
    %add3A_40 = arith.constant 0 : i32
    %add3A_41 = arith.addi %mul3A_39, %add3A_40 : i32
    "tpu.region"() ({
      %run_scoped3A = tpu.sem_alloc : memref<!tpu.dma_semaphore, #tpu.memory_space<semaphore_mem>>
      %dma_start3A_247 = arith.constant 0 : i32
      %dma_start3A_248 = arith.constant 0 : i32
      %dma_start3A_249 = tpu.memref_slice %arg13[%dma_start3A_247, %dma_start3A_248] : memref<80x128xf32, #tpu.memory_space<vmem>> -> memref<80x128xf32, #tpu.memory_space<vmem>>
      %dma_start3A_250 = arith.constant 0 : i32
      %dma_start3A_251 = tpu.memref_slice %arg16[%add3A_41, %dma_start3A_250] : memref<10240x128xf32, #tpu.memory_space<vmem_shared>> -> memref<80x128xf32, #tpu.memory_space<vmem_shared>>
      %dma_start3A_252 = arith.constant 0 : i32
      %dma_start3A_253 = tpu.memref_slice %arg16[%add3A_41, %dma_start3A_252] : memref<10240x128xf32, #tpu.memory_space<vmem_shared>> -> memref<80x128xf32, #tpu.memory_space<vmem_shared>>
      %dma_start3A_254 = arith.constant 0 : i32
      %dma_start3A_255 = arith.constant 0 : i32
      %dma_start3A_256 = tpu.memref_slice %arg13[%dma_start3A_254, %dma_start3A_255] : memref<80x128xf32, #tpu.memory_space<vmem>> -> memref<80x128xf32, #tpu.memory_space<vmem>>
      tpu.enqueue_dma source(%dma_start3A_256 : memref<80x128xf32, #tpu.memory_space<vmem>>) target(%dma_start3A_253 : memref<80x128xf32, #tpu.memory_space<vmem_shared>>) target_semaphore(%run_scoped3A : memref<!tpu.dma_semaphore, #tpu.memory_space<semaphore_mem>>)
      %dma_wait3A_257 = arith.constant 0 : i32
      %dma_wait3A_258 = arith.constant 0 : i32
      %dma_wait3A_259 = tpu.memref_slice %arg13[%dma_wait3A_257, %dma_wait3A_258] : memref<80x128xf32, #tpu.memory_space<vmem>> -> memref<80x128xf32, #tpu.memory_space<vmem>>
      %dma_wait3A_260 = arith.constant 0 : i32
      %dma_wait3A_261 = tpu.memref_slice %arg16[%add3A_41, %dma_wait3A_260] : memref<10240x128xf32, #tpu.memory_space<vmem_shared>> -> memref<80x128xf32, #tpu.memory_space<vmem_shared>>
      %dma_wait3A_262 = arith.constant 0 : i32
      %dma_wait3A_263 = tpu.memref_slice %arg16[%add3A_41, %dma_wait3A_262] : memref<10240x128xf32, #tpu.memory_space<vmem_shared>> -> memref<80x128xf32, #tpu.memory_space<vmem_shared>>
      %dma_wait3A_264 = arith.constant 0 : i32
      %dma_wait3A_265 = arith.constant 0 : i32
      %dma_wait3A_266 = tpu.memref_slice %arg13[%dma_wait3A_264, %dma_wait3A_265] : memref<80x128xf32, #tpu.memory_space<vmem>> -> memref<80x128xf32, #tpu.memory_space<vmem>>
      tpu.wait_dma2 semaphore(%run_scoped3A : memref<!tpu.dma_semaphore, #tpu.memory_space<semaphore_mem>>) src(%dma_wait3A_266 : memref<80x128xf32, #tpu.memory_space<vmem>>) dst(%dma_wait3A_263 : memref<80x128xf32, #tpu.memory_space<vmem_shared>>)
      tpu.yield
    }) : () -> ()
    %mul3A_42 = arith.constant 640 : i32
    %mul3A_43 = arith.muli %arg1, %mul3A_42 : i32
    %add3A_44 = arith.constant 80 : i32
    %add3A_45 = arith.addi %mul3A_43, %add3A_44 : i32
    "tpu.region"() ({
      %run_scoped3A = tpu.sem_alloc : memref<!tpu.dma_semaphore, #tpu.memory_space<semaphore_mem>>
      %dma_start3A_247 = arith.constant 0 : i32
      %dma_start3A_248 = arith.constant 0 : i32
      %dma_start3A_249 = tpu.memref_slice %arg13[%dma_start3A_247, %dma_start3A_248] : memref<80x128xf32, #tpu.memory_space<vmem>> -> memref<80x128xf32, #tpu.memory_space<vmem>>
      %dma_start3A_250 = arith.constant 0 : i32
      %dma_start3A_251 = tpu.memref_slice %arg16[%add3A_45, %dma_start3A_250] : memref<10240x128xf32, #tpu.memory_space<vmem_shared>> -> memref<80x128xf32, #tpu.memory_space<vmem_shared>>
      %dma_start3A_252 = arith.constant 0 : i32
      %dma_start3A_253 = tpu.memref_slice %arg16[%add3A_45, %dma_start3A_252] : memref<10240x128xf32, #tpu.memory_space<vmem_shared>> -> memref<80x128xf32, #tpu.memory_space<vmem_shared>>
      %dma_start3A_254 = arith.constant 0 : i32
      %dma_start3A_255 = arith.constant 0 : i32
      %dma_start3A_256 = tpu.memref_slice %arg13[%dma_start3A_254, %dma_start3A_255] : memref<80x128xf32, #tpu.memory_space<vmem>> -> memref<80x128xf32, #tpu.memory_space<vmem>>
      tpu.enqueue_dma source(%dma_start3A_256 : memref<80x128xf32, #tpu.memory_space<vmem>>) target(%dma_start3A_253 : memref<80x128xf32, #tpu.memory_space<vmem_shared>>) target_semaphore(%run_scoped3A : memref<!tpu.dma_semaphore, #tpu.memory_space<semaphore_mem>>)
      %dma_wait3A_257 = arith.constant 0 : i32
      %dma_wait3A_258 = arith.constant 0 : i32
      %dma_wait3A_259 = tpu.memref_slice %arg13[%dma_wait3A_257, %dma_wait3A_258] : memref<80x128xf32, #tpu.memory_space<vmem>> -> memref<80x128xf32, #tpu.memory_space<vmem>>
      %dma_wait3A_260 = arith.constant 0 : i32
      %dma_wait3A_261 = tpu.memref_slice %arg16[%add3A_45, %dma_wait3A_260] : memref<10240x128xf32, #tpu.memory_space<vmem_shared>> -> memref<80x128xf32, #tpu.memory_space<vmem_shared>>
      %dma_wait3A_262 = arith.constant 0 : i32
      %dma_wait3A_263 = tpu.memref_slice %arg16[%add3A_45, %dma_wait3A_262] : memref<10240x128xf32, #tpu.memory_space<vmem_shared>> -> memref<80x128xf32, #tpu.memory_space<vmem_shared>>
      %dma_wait3A_264 = arith.constant 0 : i32
      %dma_wait3A_265 = arith.constant 0 : i32
      %dma_wait3A_266 = tpu.memref_slice %arg13[%dma_wait3A_264, %dma_wait3A_265] : memref<80x128xf32, #tpu.memory_space<vmem>> -> memref<80x128xf32, #tpu.memory_space<vmem>>
      tpu.wait_dma2 semaphore(%run_scoped3A : memref<!tpu.dma_semaphore, #tpu.memory_space<semaphore_mem>>) src(%dma_wait3A_266 : memref<80x128xf32, #tpu.memory_space<vmem>>) dst(%dma_wait3A_263 : memref<80x128xf32, #tpu.memory_space<vmem_shared>>)
      tpu.yield
    }) : () -> ()
    %mul3A_46 = arith.constant 640 : i32
    %mul3A_47 = arith.muli %arg1, %mul3A_46 : i32
    %add3A_48 = arith.constant 160 : i32
    %add3A_49 = arith.addi %mul3A_47, %add3A_48 : i32
    "tpu.region"() ({
      %run_scoped3A = tpu.sem_alloc : memref<!tpu.dma_semaphore, #tpu.memory_space<semaphore_mem>>
      %dma_start3A_247 = arith.constant 0 : i32
      %dma_start3A_248 = arith.constant 0 : i32
      %dma_start3A_249 = tpu.memref_slice %arg13[%dma_start3A_247, %dma_start3A_248] : memref<80x128xf32, #tpu.memory_space<vmem>> -> memref<80x128xf32, #tpu.memory_space<vmem>>
      %dma_start3A_250 = arith.constant 0 : i32
      %dma_start3A_251 = tpu.memref_slice %arg16[%add3A_49, %dma_start3A_250] : memref<10240x128xf32, #tpu.memory_space<vmem_shared>> -> memref<80x128xf32, #tpu.memory_space<vmem_shared>>
      %dma_start3A_252 = arith.constant 0 : i32
      %dma_start3A_253 = tpu.memref_slice %arg16[%add3A_49, %dma_start3A_252] : memref<10240x128xf32, #tpu.memory_space<vmem_shared>> -> memref<80x128xf32, #tpu.memory_space<vmem_shared>>
      %dma_start3A_254 = arith.constant 0 : i32
      %dma_start3A_255 = arith.constant 0 : i32
      %dma_start3A_256 = tpu.memref_slice %arg13[%dma_start3A_254, %dma_start3A_255] : memref<80x128xf32, #tpu.memory_space<vmem>> -> memref<80x128xf32, #tpu.memory_space<vmem>>
      tpu.enqueue_dma source(%dma_start3A_256 : memref<80x128xf32, #tpu.memory_space<vmem>>) target(%dma_start3A_253 : memref<80x128xf32, #tpu.memory_space<vmem_shared>>) target_semaphore(%run_scoped3A : memref<!tpu.dma_semaphore, #tpu.memory_space<semaphore_mem>>)
      %dma_wait3A_257 = arith.constant 0 : i32
      %dma_wait3A_258 = arith.constant 0 : i32
      %dma_wait3A_259 = tpu.memref_slice %arg13[%dma_wait3A_257, %dma_wait3A_258] : memref<80x128xf32, #tpu.memory_space<vmem>> -> memref<80x128xf32, #tpu.memory_space<vmem>>
      %dma_wait3A_260 = arith.constant 0 : i32
      %dma_wait3A_261 = tpu.memref_slice %arg16[%add3A_49, %dma_wait3A_260] : memref<10240x128xf32, #tpu.memory_space<vmem_shared>> -> memref<80x128xf32, #tpu.memory_space<vmem_shared>>
      %dma_wait3A_262 = arith.constant 0 : i32
      %dma_wait3A_263 = tpu.memref_slice %arg16[%add3A_49, %dma_wait3A_262] : memref<10240x128xf32, #tpu.memory_space<vmem_shared>> -> memref<80x128xf32, #tpu.memory_space<vmem_shared>>
      %dma_wait3A_264 = arith.constant 0 : i32
      %dma_wait3A_265 = arith.constant 0 : i32
      %dma_wait3A_266 = tpu.memref_slice %arg13[%dma_wait3A_264, %dma_wait3A_265] : memref<80x128xf32, #tpu.memory_space<vmem>> -> memref<80x128xf32, #tpu.memory_space<vmem>>
      tpu.wait_dma2 semaphore(%run_scoped3A : memref<!tpu.dma_semaphore, #tpu.memory_space<semaphore_mem>>) src(%dma_wait3A_266 : memref<80x128xf32, #tpu.memory_space<vmem>>) dst(%dma_wait3A_263 : memref<80x128xf32, #tpu.memory_space<vmem_shared>>)
      tpu.yield
    }) : () -> ()
    %mul3A_50 = arith.constant 640 : i32
    %mul3A_51 = arith.muli %arg1, %mul3A_50 : i32
    %add3A_52 = arith.constant 240 : i32
    %add3A_53 = arith.addi %mul3A_51, %add3A_52 : i32
    "tpu.region"() ({
      %run_scoped3A = tpu.sem_alloc : memref<!tpu.dma_semaphore, #tpu.memory_space<semaphore_mem>>
      %dma_start3A_247 = arith.constant 0 : i32
      %dma_start3A_248 = arith.constant 0 : i32
      %dma_start3A_249 = tpu.memref_slice %arg13[%dma_start3A_247, %dma_start3A_248] : memref<80x128xf32, #tpu.memory_space<vmem>> -> memref<80x128xf32, #tpu.memory_space<vmem>>
      %dma_start3A_250 = arith.constant 0 : i32
      %dma_start3A_251 = tpu.memref_slice %arg16[%add3A_53, %dma_start3A_250] : memref<10240x128xf32, #tpu.memory_space<vmem_shared>> -> memref<80x128xf32, #tpu.memory_space<vmem_shared>>
      %dma_start3A_252 = arith.constant 0 : i32
      %dma_start3A_253 = tpu.memref_slice %arg16[%add3A_53, %dma_start3A_252] : memref<10240x128xf32, #tpu.memory_space<vmem_shared>> -> memref<80x128xf32, #tpu.memory_space<vmem_shared>>
      %dma_start3A_254 = arith.constant 0 : i32
      %dma_start3A_255 = arith.constant 0 : i32
      %dma_start3A_256 = tpu.memref_slice %arg13[%dma_start3A_254, %dma_start3A_255] : memref<80x128xf32, #tpu.memory_space<vmem>> -> memref<80x128xf32, #tpu.memory_space<vmem>>
      tpu.enqueue_dma source(%dma_start3A_256 : memref<80x128xf32, #tpu.memory_space<vmem>>) target(%dma_start3A_253 : memref<80x128xf32, #tpu.memory_space<vmem_shared>>) target_semaphore(%run_scoped3A : memref<!tpu.dma_semaphore, #tpu.memory_space<semaphore_mem>>)
      %dma_wait3A_257 = arith.constant 0 : i32
      %dma_wait3A_258 = arith.constant 0 : i32
      %dma_wait3A_259 = tpu.memref_slice %arg13[%dma_wait3A_257, %dma_wait3A_258] : memref<80x128xf32, #tpu.memory_space<vmem>> -> memref<80x128xf32, #tpu.memory_space<vmem>>
      %dma_wait3A_260 = arith.constant 0 : i32
      %dma_wait3A_261 = tpu.memref_slice %arg16[%add3A_53, %dma_wait3A_260] : memref<10240x128xf32, #tpu.memory_space<vmem_shared>> -> memref<80x128xf32, #tpu.memory_space<vmem_shared>>
      %dma_wait3A_262 = arith.constant 0 : i32
      %dma_wait3A_263 = tpu.memref_slice %arg16[%add3A_53, %dma_wait3A_262] : memref<10240x128xf32, #tpu.memory_space<vmem_shared>> -> memref<80x128xf32, #tpu.memory_space<vmem_shared>>
      %dma_wait3A_264 = arith.constant 0 : i32
      %dma_wait3A_265 = arith.constant 0 : i32
      %dma_wait3A_266 = tpu.memref_slice %arg13[%dma_wait3A_264, %dma_wait3A_265] : memref<80x128xf32, #tpu.memory_space<vmem>> -> memref<80x128xf32, #tpu.memory_space<vmem>>
      tpu.wait_dma2 semaphore(%run_scoped3A : memref<!tpu.dma_semaphore, #tpu.memory_space<semaphore_mem>>) src(%dma_wait3A_266 : memref<80x128xf32, #tpu.memory_space<vmem>>) dst(%dma_wait3A_263 : memref<80x128xf32, #tpu.memory_space<vmem_shared>>)
      tpu.yield
    }) : () -> ()
    %mul3A_54 = arith.constant 640 : i32
    %mul3A_55 = arith.muli %arg1, %mul3A_54 : i32
    %add3A_56 = arith.constant 320 : i32
    %add3A_57 = arith.addi %mul3A_55, %add3A_56 : i32
    "tpu.region"() ({
      %run_scoped3A = tpu.sem_alloc : memref<!tpu.dma_semaphore, #tpu.memory_space<semaphore_mem>>
      %dma_start3A_247 = arith.constant 0 : i32
      %dma_start3A_248 = arith.constant 0 : i32
      %dma_start3A_249 = tpu.memref_slice %arg13[%dma_start3A_247, %dma_start3A_248] : memref<80x128xf32, #tpu.memory_space<vmem>> -> memref<80x128xf32, #tpu.memory_space<vmem>>
      %dma_start3A_250 = arith.constant 0 : i32
      %dma_start3A_251 = tpu.memref_slice %arg16[%add3A_57, %dma_start3A_250] : memref<10240x128xf32, #tpu.memory_space<vmem_shared>> -> memref<80x128xf32, #tpu.memory_space<vmem_shared>>
      %dma_start3A_252 = arith.constant 0 : i32
      %dma_start3A_253 = tpu.memref_slice %arg16[%add3A_57, %dma_start3A_252] : memref<10240x128xf32, #tpu.memory_space<vmem_shared>> -> memref<80x128xf32, #tpu.memory_space<vmem_shared>>
      %dma_start3A_254 = arith.constant 0 : i32
      %dma_start3A_255 = arith.constant 0 : i32
      %dma_start3A_256 = tpu.memref_slice %arg13[%dma_start3A_254, %dma_start3A_255] : memref<80x128xf32, #tpu.memory_space<vmem>> -> memref<80x128xf32, #tpu.memory_space<vmem>>
      tpu.enqueue_dma source(%dma_start3A_256 : memref<80x128xf32, #tpu.memory_space<vmem>>) target(%dma_start3A_253 : memref<80x128xf32, #tpu.memory_space<vmem_shared>>) target_semaphore(%run_scoped3A : memref<!tpu.dma_semaphore, #tpu.memory_space<semaphore_mem>>)
      %dma_wait3A_257 = arith.constant 0 : i32
      %dma_wait3A_258 = arith.constant 0 : i32
      %dma_wait3A_259 = tpu.memref_slice %arg13[%dma_wait3A_257, %dma_wait3A_258] : memref<80x128xf32, #tpu.memory_space<vmem>> -> memref<80x128xf32, #tpu.memory_space<vmem>>
      %dma_wait3A_260 = arith.constant 0 : i32
      %dma_wait3A_261 = tpu.memref_slice %arg16[%add3A_57, %dma_wait3A_260] : memref<10240x128xf32, #tpu.memory_space<vmem_shared>> -> memref<80x128xf32, #tpu.memory_space<vmem_shared>>
      %dma_wait3A_262 = arith.constant 0 : i32
      %dma_wait3A_263 = tpu.memref_slice %arg16[%add3A_57, %dma_wait3A_262] : memref<10240x128xf32, #tpu.memory_space<vmem_shared>> -> memref<80x128xf32, #tpu.memory_space<vmem_shared>>
      %dma_wait3A_264 = arith.constant 0 : i32
      %dma_wait3A_265 = arith.constant 0 : i32
      %dma_wait3A_266 = tpu.memref_slice %arg13[%dma_wait3A_264, %dma_wait3A_265] : memref<80x128xf32, #tpu.memory_space<vmem>> -> memref<80x128xf32, #tpu.memory_space<vmem>>
      tpu.wait_dma2 semaphore(%run_scoped3A : memref<!tpu.dma_semaphore, #tpu.memory_space<semaphore_mem>>) src(%dma_wait3A_266 : memref<80x128xf32, #tpu.memory_space<vmem>>) dst(%dma_wait3A_263 : memref<80x128xf32, #tpu.memory_space<vmem_shared>>)
      tpu.yield
    }) : () -> ()
    %mul3A_58 = arith.constant 640 : i32
    %mul3A_59 = arith.muli %arg1, %mul3A_58 : i32
    %add3A_60 = arith.constant 400 : i32
    %add3A_61 = arith.addi %mul3A_59, %add3A_60 : i32
    "tpu.region"() ({
      %run_scoped3A = tpu.sem_alloc : memref<!tpu.dma_semaphore, #tpu.memory_space<semaphore_mem>>
      %dma_start3A_247 = arith.constant 0 : i32
      %dma_start3A_248 = arith.constant 0 : i32
      %dma_start3A_249 = tpu.memref_slice %arg13[%dma_start3A_247, %dma_start3A_248] : memref<80x128xf32, #tpu.memory_space<vmem>> -> memref<80x128xf32, #tpu.memory_space<vmem>>
      %dma_start3A_250 = arith.constant 0 : i32
      %dma_start3A_251 = tpu.memref_slice %arg16[%add3A_61, %dma_start3A_250] : memref<10240x128xf32, #tpu.memory_space<vmem_shared>> -> memref<80x128xf32, #tpu.memory_space<vmem_shared>>
      %dma_start3A_252 = arith.constant 0 : i32
      %dma_start3A_253 = tpu.memref_slice %arg16[%add3A_61, %dma_start3A_252] : memref<10240x128xf32, #tpu.memory_space<vmem_shared>> -> memref<80x128xf32, #tpu.memory_space<vmem_shared>>
      %dma_start3A_254 = arith.constant 0 : i32
      %dma_start3A_255 = arith.constant 0 : i32
      %dma_start3A_256 = tpu.memref_slice %arg13[%dma_start3A_254, %dma_start3A_255] : memref<80x128xf32, #tpu.memory_space<vmem>> -> memref<80x128xf32, #tpu.memory_space<vmem>>
      tpu.enqueue_dma source(%dma_start3A_256 : memref<80x128xf32, #tpu.memory_space<vmem>>) target(%dma_start3A_253 : memref<80x128xf32, #tpu.memory_space<vmem_shared>>) target_semaphore(%run_scoped3A : memref<!tpu.dma_semaphore, #tpu.memory_space<semaphore_mem>>)
      %dma_wait3A_257 = arith.constant 0 : i32
      %dma_wait3A_258 = arith.constant 0 : i32
      %dma_wait3A_259 = tpu.memref_slice %arg13[%dma_wait3A_257, %dma_wait3A_258] : memref<80x128xf32, #tpu.memory_space<vmem>> -> memref<80x128xf32, #tpu.memory_space<vmem>>
      %dma_wait3A_260 = arith.constant 0 : i32
      %dma_wait3A_261 = tpu.memref_slice %arg16[%add3A_61, %dma_wait3A_260] : memref<10240x128xf32, #tpu.memory_space<vmem_shared>> -> memref<80x128xf32, #tpu.memory_space<vmem_shared>>
      %dma_wait3A_262 = arith.constant 0 : i32
      %dma_wait3A_263 = tpu.memref_slice %arg16[%add3A_61, %dma_wait3A_262] : memref<10240x128xf32, #tpu.memory_space<vmem_shared>> -> memref<80x128xf32, #tpu.memory_space<vmem_shared>>
      %dma_wait3A_264 = arith.constant 0 : i32
      %dma_wait3A_265 = arith.constant 0 : i32
      %dma_wait3A_266 = tpu.memref_slice %arg13[%dma_wait3A_264, %dma_wait3A_265] : memref<80x128xf32, #tpu.memory_space<vmem>> -> memref<80x128xf32, #tpu.memory_space<vmem>>
      tpu.wait_dma2 semaphore(%run_scoped3A : memref<!tpu.dma_semaphore, #tpu.memory_space<semaphore_mem>>) src(%dma_wait3A_266 : memref<80x128xf32, #tpu.memory_space<vmem>>) dst(%dma_wait3A_263 : memref<80x128xf32, #tpu.memory_space<vmem_shared>>)
      tpu.yield
    }) : () -> ()
    %mul3A_62 = arith.constant 640 : i32
    %mul3A_63 = arith.muli %arg1, %mul3A_62 : i32
    %add3A_64 = arith.constant 480 : i32
    %add3A_65 = arith.addi %mul3A_63, %add3A_64 : i32
    "tpu.region"() ({
      %run_scoped3A = tpu.sem_alloc : memref<!tpu.dma_semaphore, #tpu.memory_space<semaphore_mem>>
      %dma_start3A_247 = arith.constant 0 : i32
      %dma_start3A_248 = arith.constant 0 : i32
      %dma_start3A_249 = tpu.memref_slice %arg13[%dma_start3A_247, %dma_start3A_248] : memref<80x128xf32, #tpu.memory_space<vmem>> -> memref<80x128xf32, #tpu.memory_space<vmem>>
      %dma_start3A_250 = arith.constant 0 : i32
      %dma_start3A_251 = tpu.memref_slice %arg16[%add3A_65, %dma_start3A_250] : memref<10240x128xf32, #tpu.memory_space<vmem_shared>> -> memref<80x128xf32, #tpu.memory_space<vmem_shared>>
      %dma_start3A_252 = arith.constant 0 : i32
      %dma_start3A_253 = tpu.memref_slice %arg16[%add3A_65, %dma_start3A_252] : memref<10240x128xf32, #tpu.memory_space<vmem_shared>> -> memref<80x128xf32, #tpu.memory_space<vmem_shared>>
      %dma_start3A_254 = arith.constant 0 : i32
      %dma_start3A_255 = arith.constant 0 : i32
      %dma_start3A_256 = tpu.memref_slice %arg13[%dma_start3A_254, %dma_start3A_255] : memref<80x128xf32, #tpu.memory_space<vmem>> -> memref<80x128xf32, #tpu.memory_space<vmem>>
      tpu.enqueue_dma source(%dma_start3A_256 : memref<80x128xf32, #tpu.memory_space<vmem>>) target(%dma_start3A_253 : memref<80x128xf32, #tpu.memory_space<vmem_shared>>) target_semaphore(%run_scoped3A : memref<!tpu.dma_semaphore, #tpu.memory_space<semaphore_mem>>)
      %dma_wait3A_257 = arith.constant 0 : i32
      %dma_wait3A_258 = arith.constant 0 : i32
      %dma_wait3A_259 = tpu.memref_slice %arg13[%dma_wait3A_257, %dma_wait3A_258] : memref<80x128xf32, #tpu.memory_space<vmem>> -> memref<80x128xf32, #tpu.memory_space<vmem>>
      %dma_wait3A_260 = arith.constant 0 : i32
      %dma_wait3A_261 = tpu.memref_slice %arg16[%add3A_65, %dma_wait3A_260] : memref<10240x128xf32, #tpu.memory_space<vmem_shared>> -> memref<80x128xf32, #tpu.memory_space<vmem_shared>>
      %dma_wait3A_262 = arith.constant 0 : i32
      %dma_wait3A_263 = tpu.memref_slice %arg16[%add3A_65, %dma_wait3A_262] : memref<10240x128xf32, #tpu.memory_space<vmem_shared>> -> memref<80x128xf32, #tpu.memory_space<vmem_shared>>
      %dma_wait3A_264 = arith.constant 0 : i32
      %dma_wait3A_265 = arith.constant 0 : i32
      %dma_wait3A_266 = tpu.memref_slice %arg13[%dma_wait3A_264, %dma_wait3A_265] : memref<80x128xf32, #tpu.memory_space<vmem>> -> memref<80x128xf32, #tpu.memory_space<vmem>>
      tpu.wait_dma2 semaphore(%run_scoped3A : memref<!tpu.dma_semaphore, #tpu.memory_space<semaphore_mem>>) src(%dma_wait3A_266 : memref<80x128xf32, #tpu.memory_space<vmem>>) dst(%dma_wait3A_263 : memref<80x128xf32, #tpu.memory_space<vmem_shared>>)
      tpu.yield
    }) : () -> ()
    %mul3A_66 = arith.constant 640 : i32
    %mul3A_67 = arith.muli %arg1, %mul3A_66 : i32
    %add3A_68 = arith.constant 560 : i32
    %add3A_69 = arith.addi %mul3A_67, %add3A_68 : i32
    "tpu.region"() ({
      %run_scoped3A = tpu.sem_alloc : memref<!tpu.dma_semaphore, #tpu.memory_space<semaphore_mem>>
      %dma_start3A_247 = arith.constant 0 : i32
      %dma_start3A_248 = arith.constant 0 : i32
      %dma_start3A_249 = tpu.memref_slice %arg13[%dma_start3A_247, %dma_start3A_248] : memref<80x128xf32, #tpu.memory_space<vmem>> -> memref<80x128xf32, #tpu.memory_space<vmem>>
      %dma_start3A_250 = arith.constant 0 : i32
      %dma_start3A_251 = tpu.memref_slice %arg16[%add3A_69, %dma_start3A_250] : memref<10240x128xf32, #tpu.memory_space<vmem_shared>> -> memref<80x128xf32, #tpu.memory_space<vmem_shared>>
      %dma_start3A_252 = arith.constant 0 : i32
      %dma_start3A_253 = tpu.memref_slice %arg16[%add3A_69, %dma_start3A_252] : memref<10240x128xf32, #tpu.memory_space<vmem_shared>> -> memref<80x128xf32, #tpu.memory_space<vmem_shared>>
      %dma_start3A_254 = arith.constant 0 : i32
      %dma_start3A_255 = arith.constant 0 : i32
      %dma_start3A_256 = tpu.memref_slice %arg13[%dma_start3A_254, %dma_start3A_255] : memref<80x128xf32, #tpu.memory_space<vmem>> -> memref<80x128xf32, #tpu.memory_space<vmem>>
      tpu.enqueue_dma source(%dma_start3A_256 : memref<80x128xf32, #tpu.memory_space<vmem>>) target(%dma_start3A_253 : memref<80x128xf32, #tpu.memory_space<vmem_shared>>) target_semaphore(%run_scoped3A : memref<!tpu.dma_semaphore, #tpu.memory_space<semaphore_mem>>)
      %dma_wait3A_257 = arith.constant 0 : i32
      %dma_wait3A_258 = arith.constant 0 : i32
      %dma_wait3A_259 = tpu.memref_slice %arg13[%dma_wait3A_257, %dma_wait3A_258] : memref<80x128xf32, #tpu.memory_space<vmem>> -> memref<80x128xf32, #tpu.memory_space<vmem>>
      %dma_wait3A_260 = arith.constant 0 : i32
      %dma_wait3A_261 = tpu.memref_slice %arg16[%add3A_69, %dma_wait3A_260] : memref<10240x128xf32, #tpu.memory_space<vmem_shared>> -> memref<80x128xf32, #tpu.memory_space<vmem_shared>>
      %dma_wait3A_262 = arith.constant 0 : i32
      %dma_wait3A_263 = tpu.memref_slice %arg16[%add3A_69, %dma_wait3A_262] : memref<10240x128xf32, #tpu.memory_space<vmem_shared>> -> memref<80x128xf32, #tpu.memory_space<vmem_shared>>
      %dma_wait3A_264 = arith.constant 0 : i32
      %dma_wait3A_265 = arith.constant 0 : i32
      %dma_wait3A_266 = tpu.memref_slice %arg13[%dma_wait3A_264, %dma_wait3A_265] : memref<80x128xf32, #tpu.memory_space<vmem>> -> memref<80x128xf32, #tpu.memory_space<vmem>>
      tpu.wait_dma2 semaphore(%run_scoped3A : memref<!tpu.dma_semaphore, #tpu.memory_space<semaphore_mem>>) src(%dma_wait3A_266 : memref<80x128xf32, #tpu.memory_space<vmem>>) dst(%dma_wait3A_263 : memref<80x128xf32, #tpu.memory_space<vmem_shared>>)
      tpu.yield
    }) : () -> ()
    %add3A_70 = arith.constant 0 : i32
    %add3A_71 = arith.addi %mul3A_2, %add3A_70 : i32
    %dma_wait3A = tpu.memref_slice %arg2[%add3A_71] : memref<320000xi32, #tpu.memory_space<hbm>> -> memref<80xi32, #tpu.memory_space<hbm>>
    %dma_wait3A_72 = tpu.memref_slice %arg2[%add3A_71] : memref<320000xi32, #tpu.memory_space<hbm>> -> memref<80xi32, #tpu.memory_space<hbm>>
    tpu.wait_dma2 semaphore(%arg23 : memref<!tpu.dma_semaphore, #tpu.memory_space<semaphore_mem>>) src(%dma_wait3A_72 : memref<80xi32, #tpu.memory_space<hbm>>) dst(%arg7 : memref<80xi32, #tpu.memory_space<vmem>>)
    %dma_start3A_73 = arith.constant 0 : i32
    %dma_start3A_74 = arith.constant 0 : i32
    %dma_start3A_75 = tpu.memref_slice %arg4[%dma_start3A_73, %dma_start3A_74] : memref<10000x128xf32, #tpu.memory_space<hbm>> -> memref<10000x128xf32, #tpu.memory_space<hbm>>
    tpu.enqueue_indirect_dma source(%dma_start3A_75 : memref<10000x128xf32, #tpu.memory_space<hbm>>) target(%arg13 : memref<80x128xf32, #tpu.memory_space<vmem>>) offsets(%arg7 : memref<80xi32, #tpu.memory_space<vmem>>) semaphore(%arg17 : memref<!tpu.dma_semaphore, #tpu.memory_space<semaphore_mem>>)
    %add3A_76 = arith.constant 80 : i32
    %add3A_77 = arith.addi %mul3A_2, %add3A_76 : i32
    %dma_wait3A_78 = tpu.memref_slice %arg2[%add3A_77] : memref<320000xi32, #tpu.memory_space<hbm>> -> memref<80xi32, #tpu.memory_space<hbm>>
    %dma_wait3A_79 = tpu.memref_slice %arg2[%add3A_77] : memref<320000xi32, #tpu.memory_space<hbm>> -> memref<80xi32, #tpu.memory_space<hbm>>
    tpu.wait_dma2 semaphore(%arg24 : memref<!tpu.dma_semaphore, #tpu.memory_space<semaphore_mem>>) src(%dma_wait3A_79 : memref<80xi32, #tpu.memory_space<hbm>>) dst(%arg8 : memref<80xi32, #tpu.memory_space<vmem>>)
    %dma_start3A_80 = arith.constant 0 : i32
    %dma_start3A_81 = arith.constant 0 : i32
    %dma_start3A_82 = tpu.memref_slice %arg4[%dma_start3A_80, %dma_start3A_81] : memref<10000x128xf32, #tpu.memory_space<hbm>> -> memref<10000x128xf32, #tpu.memory_space<hbm>>
    tpu.enqueue_indirect_dma source(%dma_start3A_82 : memref<10000x128xf32, #tpu.memory_space<hbm>>) target(%arg14 : memref<80x128xf32, #tpu.memory_space<vmem>>) offsets(%arg8 : memref<80xi32, #tpu.memory_space<vmem>>) semaphore(%arg18 : memref<!tpu.dma_semaphore, #tpu.memory_space<semaphore_mem>>)
    %barrier3A = arith.constant 0 : index
    tpu.barrier barrier_id(%barrier3A)
    %dma_wait3A_83 = arith.constant 0 : i32
    %dma_wait3A_84 = arith.constant 0 : i32
    %dma_wait3A_85 = tpu.memref_slice %arg4[%dma_wait3A_83, %dma_wait3A_84] : memref<10000x128xf32, #tpu.memory_space<hbm>> -> memref<10000x128xf32, #tpu.memory_space<hbm>>
    tpu.wait_indirect_dma semaphore(%arg17 : memref<!tpu.dma_semaphore, #tpu.memory_space<semaphore_mem>>) src(%dma_wait3A_85 : memref<10000x128xf32, #tpu.memory_space<hbm>>) dst(%arg13 : memref<80x128xf32, #tpu.memory_space<vmem>>)
    %add3A_86 = arith.constant 0 : i32
    %add3A_87 = arith.addi %mul3A_2, %add3A_86 : i32
    %dma_wait3A_88 = tpu.memref_slice %arg3[%add3A_87] : memref<320000xi32, #tpu.memory_space<hbm>> -> memref<80xi32, #tpu.memory_space<hbm>>
    %dma_wait3A_89 = tpu.memref_slice %arg3[%add3A_87] : memref<320000xi32, #tpu.memory_space<hbm>> -> memref<80xi32, #tpu.memory_space<hbm>>
    tpu.wait_dma2 semaphore(%arg26 : memref<!tpu.dma_semaphore, #tpu.memory_space<semaphore_mem>>) src(%dma_wait3A_89 : memref<80xi32, #tpu.memory_space<hbm>>) dst(%arg10 : memref<80xi32, #tpu.memory_space<vmem>>)
    %get3A = arith.constant 0 : index
    %get3A_90 = tpu.vector_load %arg10[%get3A] {strides = array<i32>} : memref<80xi32, #tpu.memory_space<vmem>>, vector<16xi32>,
    tpu.vector_store_idx %arg29[%get3A_90], %broadcast_in_dim3A_3 {add = true} : memref<10000xf32, #tpu.memory_space<vmem>>[vector<16xi32>], vector<16xf32>,
    %get3A_91 = arith.constant 16 : index
    %get3A_92 = tpu.vector_load %arg10[%get3A_91] {strides = array<i32>} : memref<80xi32, #tpu.memory_space<vmem>>, vector<16xi32>,
    tpu.vector_store_idx %arg29[%get3A_92], %broadcast_in_dim3A_3 {add = true} : memref<10000xf32, #tpu.memory_space<vmem>>[vector<16xi32>], vector<16xf32>,
    %get3A_93 = arith.constant 32 : index
    %get3A_94 = tpu.vector_load %arg10[%get3A_93] {strides = array<i32>} : memref<80xi32, #tpu.memory_space<vmem>>, vector<16xi32>,
    tpu.vector_store_idx %arg29[%get3A_94], %broadcast_in_dim3A_3 {add = true} : memref<10000xf32, #tpu.memory_space<vmem>>[vector<16xi32>], vector<16xf32>,
    %get3A_95 = arith.constant 48 : index
    %get3A_96 = tpu.vector_load %arg10[%get3A_95] {strides = array<i32>} : memref<80xi32, #tpu.memory_space<vmem>>, vector<16xi32>,
    tpu.vector_store_idx %arg29[%get3A_96], %broadcast_in_dim3A_3 {add = true} : memref<10000xf32, #tpu.memory_space<vmem>>[vector<16xi32>], vector<16xf32>,
    %get3A_97 = arith.constant 64 : index
    %get3A_98 = tpu.vector_load %arg10[%get3A_97] {strides = array<i32>} : memref<80xi32, #tpu.memory_space<vmem>>, vector<16xi32>,
    tpu.vector_store_idx %arg29[%get3A_98], %broadcast_in_dim3A_3 {add = true} : memref<10000xf32, #tpu.memory_space<vmem>>[vector<16xi32>], vector<16xf32>,
    %dma_start3A_99 = arith.constant 0 : i32
    %dma_start3A_100 = arith.constant 0 : i32
    %dma_start3A_101 = tpu.memref_slice %arg16[%dma_start3A_99, %dma_start3A_100] : memref<10240x128xf32, #tpu.memory_space<vmem_shared>> -> memref<10240x128xf32, #tpu.memory_space<vmem_shared>>
    tpu.enqueue_indirect_dma source(%arg13 : memref<80x128xf32, #tpu.memory_space<vmem>>) target(%dma_start3A_101 : memref<10240x128xf32, #tpu.memory_space<vmem_shared>>) offsets(%arg10 : memref<80xi32, #tpu.memory_space<vmem>>) semaphore(%arg20 : memref<!tpu.dma_semaphore, #tpu.memory_space<semaphore_mem>>) {add = true}
    %add3A_102 = arith.constant 240 : i32
    %add3A_103 = arith.addi %mul3A_2, %add3A_102 : i32
    %dma_start3A_104 = tpu.memref_slice %arg2[%add3A_103] : memref<320000xi32, #tpu.memory_space<hbm>> -> memref<80xi32, #tpu.memory_space<hbm>>
    %dma_start3A_105 = tpu.memref_slice %arg2[%add3A_103] : memref<320000xi32, #tpu.memory_space<hbm>> -> memref<80xi32, #tpu.memory_space<hbm>>
    tpu.enqueue_dma source(%dma_start3A_105 : memref<80xi32, #tpu.memory_space<hbm>>) target(%arg7 : memref<80xi32, #tpu.memory_space<vmem>>) target_semaphore(%arg23 : memref<!tpu.dma_semaphore, #tpu.memory_space<semaphore_mem>>)
    %add3A_106 = arith.constant 160 : i32
    %add3A_107 = arith.addi %mul3A_2, %add3A_106 : i32
    %dma_start3A_108 = tpu.memref_slice %arg3[%add3A_107] : memref<320000xi32, #tpu.memory_space<hbm>> -> memref<80xi32, #tpu.memory_space<hbm>>
    %dma_start3A_109 = tpu.memref_slice %arg3[%add3A_107] : memref<320000xi32, #tpu.memory_space<hbm>> -> memref<80xi32, #tpu.memory_space<hbm>>
    tpu.enqueue_dma source(%dma_start3A_109 : memref<80xi32, #tpu.memory_space<hbm>>) target(%arg12 : memref<80xi32, #tpu.memory_space<vmem>>) target_semaphore(%arg28 : memref<!tpu.dma_semaphore, #tpu.memory_space<semaphore_mem>>)
    %add3A_110 = arith.constant 160 : i32
    %add3A_111 = arith.addi %mul3A_2, %add3A_110 : i32
    %dma_wait3A_112 = tpu.memref_slice %arg2[%add3A_111] : memref<320000xi32, #tpu.memory_space<hbm>> -> memref<80xi32, #tpu.memory_space<hbm>>
    %dma_wait3A_113 = tpu.memref_slice %arg2[%add3A_111] : memref<320000xi32, #tpu.memory_space<hbm>> -> memref<80xi32, #tpu.memory_space<hbm>>
    tpu.wait_dma2 semaphore(%arg25 : memref<!tpu.dma_semaphore, #tpu.memory_space<semaphore_mem>>) src(%dma_wait3A_113 : memref<80xi32, #tpu.memory_space<hbm>>) dst(%arg9 : memref<80xi32, #tpu.memory_space<vmem>>)
    %dma_start3A_114 = arith.constant 0 : i32
    %dma_start3A_115 = arith.constant 0 : i32
    %dma_start3A_116 = tpu.memref_slice %arg4[%dma_start3A_114, %dma_start3A_115] : memref<10000x128xf32, #tpu.memory_space<hbm>> -> memref<10000x128xf32, #tpu.memory_space<hbm>>
    tpu.enqueue_indirect_dma source(%dma_start3A_116 : memref<10000x128xf32, #tpu.memory_space<hbm>>) target(%arg15 : memref<80x128xf32, #tpu.memory_space<vmem>>) offsets(%arg9 : memref<80xi32, #tpu.memory_space<vmem>>) semaphore(%arg19 : memref<!tpu.dma_semaphore, #tpu.memory_space<semaphore_mem>>)
    %dma_wait3A_117 = arith.constant 0 : i32
    %dma_wait3A_118 = arith.constant 0 : i32
    %dma_wait3A_119 = tpu.memref_slice %arg4[%dma_wait3A_117, %dma_wait3A_118] : memref<10000x128xf32, #tpu.memory_space<hbm>> -> memref<10000x128xf32, #tpu.memory_space<hbm>>
    tpu.wait_indirect_dma semaphore(%arg18 : memref<!tpu.dma_semaphore, #tpu.memory_space<semaphore_mem>>) src(%dma_wait3A_119 : memref<10000x128xf32, #tpu.memory_space<hbm>>) dst(%arg14 : memref<80x128xf32, #tpu.memory_space<vmem>>)
    %add3A_120 = arith.constant 80 : i32
    %add3A_121 = arith.addi %mul3A_2, %add3A_120 : i32
    %dma_wait3A_122 = tpu.memref_slice %arg3[%add3A_121] : memref<320000xi32, #tpu.memory_space<hbm>> -> memref<80xi32, #tpu.memory_space<hbm>>
    %dma_wait3A_123 = tpu.memref_slice %arg3[%add3A_121] : memref<320000xi32, #tpu.memory_space<hbm>> -> memref<80xi32, #tpu.memory_space<hbm>>
    tpu.wait_dma2 semaphore(%arg27 : memref<!tpu.dma_semaphore, #tpu.memory_space<semaphore_mem>>) src(%dma_wait3A_123 : memref<80xi32, #tpu.memory_space<hbm>>) dst(%arg11 : memref<80xi32, #tpu.memory_space<vmem>>)
    %get3A_124 = arith.constant 0 : index
    %get3A_125 = tpu.vector_load %arg11[%get3A_124] {strides = array<i32>} : memref<80xi32, #tpu.memory_space<vmem>>, vector<16xi32>,
    tpu.vector_store_idx %arg29[%get3A_125], %broadcast_in_dim3A_3 {add = true} : memref<10000xf32, #tpu.memory_space<vmem>>[vector<16xi32>], vector<16xf32>,
    %get3A_126 = arith.constant 16 : index
    %get3A_127 = tpu.vector_load %arg11[%get3A_126] {strides = array<i32>} : memref<80xi32, #tpu.memory_space<vmem>>, vector<16xi32>,
    tpu.vector_store_idx %arg29[%get3A_127], %broadcast_in_dim3A_3 {add = true} : memref<10000xf32, #tpu.memory_space<vmem>>[vector<16xi32>], vector<16xf32>,
    %get3A_128 = arith.constant 32 : index
    %get3A_129 = tpu.vector_load %arg11[%get3A_128] {strides = array<i32>} : memref<80xi32, #tpu.memory_space<vmem>>, vector<16xi32>,
    tpu.vector_store_idx %arg29[%get3A_129], %broadcast_in_dim3A_3 {add = true} : memref<10000xf32, #tpu.memory_space<vmem>>[vector<16xi32>], vector<16xf32>,
    %get3A_130 = arith.constant 48 : index
    %get3A_131 = tpu.vector_load %arg11[%get3A_130] {strides = array<i32>} : memref<80xi32, #tpu.memory_space<vmem>>, vector<16xi32>,
    tpu.vector_store_idx %arg29[%get3A_131], %broadcast_in_dim3A_3 {add = true} : memref<10000xf32, #tpu.memory_space<vmem>>[vector<16xi32>], vector<16xf32>,
    %get3A_132 = arith.constant 64 : index
    %get3A_133 = tpu.vector_load %arg11[%get3A_132] {strides = array<i32>} : memref<80xi32, #tpu.memory_space<vmem>>, vector<16xi32>,
    tpu.vector_store_idx %arg29[%get3A_133], %broadcast_in_dim3A_3 {add = true} : memref<10000xf32, #tpu.memory_space<vmem>>[vector<16xi32>], vector<16xf32>,
    %dma_start3A_134 = arith.constant 0 : i32
    %dma_start3A_135 = arith.constant 0 : i32
    %dma_start3A_136 = tpu.memref_slice %arg16[%dma_start3A_134, %dma_start3A_135] : memref<10240x128xf32, #tpu.memory_space<vmem_shared>> -> memref<10240x128xf32, #tpu.memory_space<vmem_shared>>
    tpu.enqueue_indirect_dma source(%arg14 : memref<80x128xf32, #tpu.memory_space<vmem>>) target(%dma_start3A_136 : memref<10240x128xf32, #tpu.memory_space<vmem_shared>>) offsets(%arg11 : memref<80xi32, #tpu.memory_space<vmem>>) semaphore(%arg21 : memref<!tpu.dma_semaphore, #tpu.memory_space<semaphore_mem>>) {add = true}
    %add3A_137 = arith.constant 320 : i32
    %add3A_138 = arith.addi %mul3A_2, %add3A_137 : i32
    %dma_start3A_139 = tpu.memref_slice %arg2[%add3A_138] : memref<320000xi32, #tpu.memory_space<hbm>> -> memref<80xi32, #tpu.memory_space<hbm>>
    %dma_start3A_140 = tpu.memref_slice %arg2[%add3A_138] : memref<320000xi32, #tpu.memory_space<hbm>> -> memref<80xi32, #tpu.memory_space<hbm>>
    tpu.enqueue_dma source(%dma_start3A_140 : memref<80xi32, #tpu.memory_space<hbm>>) target(%arg8 : memref<80xi32, #tpu.memory_space<vmem>>) target_semaphore(%arg24 : memref<!tpu.dma_semaphore, #tpu.memory_space<semaphore_mem>>)
    %dma_wait3A_141 = arith.constant 0 : i32
    %dma_wait3A_142 = arith.constant 0 : i32
    %dma_wait3A_143 = tpu.memref_slice %arg16[%dma_wait3A_141, %dma_wait3A_142] : memref<10240x128xf32, #tpu.memory_space<vmem_shared>> -> memref<10240x128xf32, #tpu.memory_space<vmem_shared>>
    tpu.wait_indirect_dma semaphore(%arg20 : memref<!tpu.dma_semaphore, #tpu.memory_space<semaphore_mem>>) src(%arg13 : memref<80x128xf32, #tpu.memory_space<vmem>>) dst(%dma_wait3A_143 : memref<10240x128xf32, #tpu.memory_space<vmem_shared>>)
    %add3A_144 = arith.constant 240 : i32
    %add3A_145 = arith.addi %mul3A_2, %add3A_144 : i32
    %dma_start3A_146 = tpu.memref_slice %arg3[%add3A_145] : memref<320000xi32, #tpu.memory_space<hbm>> -> memref<80xi32, #tpu.memory_space<hbm>>
    %dma_start3A_147 = tpu.memref_slice %arg3[%add3A_145] : memref<320000xi32, #tpu.memory_space<hbm>> -> memref<80xi32, #tpu.memory_space<hbm>>
    tpu.enqueue_dma source(%dma_start3A_147 : memref<80xi32, #tpu.memory_space<hbm>>) target(%arg10 : memref<80xi32, #tpu.memory_space<vmem>>) target_semaphore(%arg26 : memref<!tpu.dma_semaphore, #tpu.memory_space<semaphore_mem>>)
    %add3A_148 = arith.constant 240 : i32
    %add3A_149 = arith.addi %mul3A_2, %add3A_148 : i32
    %dma_wait3A_150 = tpu.memref_slice %arg2[%add3A_149] : memref<320000xi32, #tpu.memory_space<hbm>> -> memref<80xi32, #tpu.memory_space<hbm>>
    %dma_wait3A_151 = tpu.memref_slice %arg2[%add3A_149] : memref<320000xi32, #tpu.memory_space<hbm>> -> memref<80xi32, #tpu.memory_space<hbm>>
    tpu.wait_dma2 semaphore(%arg23 : memref<!tpu.dma_semaphore, #tpu.memory_space<semaphore_mem>>) src(%dma_wait3A_151 : memref<80xi32, #tpu.memory_space<hbm>>) dst(%arg7 : memref<80xi32, #tpu.memory_space<vmem>>)
    %dma_start3A_152 = arith.constant 0 : i32
    %dma_start3A_153 = arith.constant 0 : i32
    %dma_start3A_154 = tpu.memref_slice %arg4[%dma_start3A_152, %dma_start3A_153] : memref<10000x128xf32, #tpu.memory_space<hbm>> -> memref<10000x128xf32, #tpu.memory_space<hbm>>
    tpu.enqueue_indirect_dma source(%dma_start3A_154 : memref<10000x128xf32, #tpu.memory_space<hbm>>) target(%arg13 : memref<80x128xf32, #tpu.memory_space<vmem>>) offsets(%arg7 : memref<80xi32, #tpu.memory_space<vmem>>) semaphore(%arg17 : memref<!tpu.dma_semaphore, #tpu.memory_space<semaphore_mem>>)
    %scan3A_155 = arith.constant 0 : i32
    %scan3A_156 = arith.constant 0 : i32
    %scan3A_157 = arith.constant 40 : i32
    %scan3A_158 = arith.addi %scan3A_156, %scan3A_157 : i32
    %scan3A_159 = arith.constant 1 : i32
    scf.for %scan3A_247 = %scan3A_156 to %scan3A_158 step %scan3A_159  : i32 {
      %mul3A_248 = arith.constant 3 : i32
      %mul3A_249 = arith.muli %mul3A_248, %scan3A_247 : i32
      %add3A_250 = arith.constant 2 : i32
      %add3A_251 = arith.addi %mul3A_249, %add3A_250 : i32
      %add3A_252 = arith.constant 0 : i32
      %add3A_253 = arith.addi %add3A_251, %add3A_252 : i32
      %dma_wait3A_254 = arith.constant 0 : i32
      %dma_wait3A_255 = arith.constant 0 : i32
      %dma_wait3A_256 = tpu.memref_slice %arg4[%dma_wait3A_254, %dma_wait3A_255] : memref<10000x128xf32, #tpu.memory_space<hbm>> -> memref<10000x128xf32, #tpu.memory_space<hbm>>
      tpu.wait_indirect_dma semaphore(%arg19 : memref<!tpu.dma_semaphore, #tpu.memory_space<semaphore_mem>>) src(%dma_wait3A_256 : memref<10000x128xf32, #tpu.memory_space<hbm>>) dst(%arg15 : memref<80x128xf32, #tpu.memory_space<vmem>>)
      %mul3A_257 = arith.constant 80 : i32
      %mul3A_258 = arith.muli %add3A_253, %mul3A_257 : i32
      %add3A_259 = arith.addi %mul3A_2, %mul3A_258 : i32
      %dma_wait3A_260 = tpu.memref_slice %arg3[%add3A_259] : memref<320000xi32, #tpu.memory_space<hbm>> -> memref<80xi32, #tpu.memory_space<hbm>>
      %dma_wait3A_261 = tpu.memref_slice %arg3[%add3A_259] : memref<320000xi32, #tpu.memory_space<hbm>> -> memref<80xi32, #tpu.memory_space<hbm>>
      tpu.wait_dma2 semaphore(%arg28 : memref<!tpu.dma_semaphore, #tpu.memory_space<semaphore_mem>>) src(%dma_wait3A_261 : memref<80xi32, #tpu.memory_space<hbm>>) dst(%arg12 : memref<80xi32, #tpu.memory_space<vmem>>)
      %get3A_262 = arith.constant 0 : index
      %get3A_263 = tpu.vector_load %arg12[%get3A_262] {strides = array<i32>} : memref<80xi32, #tpu.memory_space<vmem>>, vector<16xi32>,
      tpu.vector_store_idx %arg29[%get3A_263], %broadcast_in_dim3A_3 {add = true} : memref<10000xf32, #tpu.memory_space<vmem>>[vector<16xi32>], vector<16xf32>,
      %get3A_264 = arith.constant 16 : index
      %get3A_265 = tpu.vector_load %arg12[%get3A_264] {strides = array<i32>} : memref<80xi32, #tpu.memory_space<vmem>>, vector<16xi32>,
      tpu.vector_store_idx %arg29[%get3A_265], %broadcast_in_dim3A_3 {add = true} : memref<10000xf32, #tpu.memory_space<vmem>>[vector<16xi32>], vector<16xf32>,
      %get3A_266 = arith.constant 32 : index
      %get3A_267 = tpu.vector_load %arg12[%get3A_266] {strides = array<i32>} : memref<80xi32, #tpu.memory_space<vmem>>, vector<16xi32>,
      tpu.vector_store_idx %arg29[%get3A_267], %broadcast_in_dim3A_3 {add = true} : memref<10000xf32, #tpu.memory_space<vmem>>[vector<16xi32>], vector<16xf32>,
      %get3A_268 = arith.constant 48 : index
      %get3A_269 = tpu.vector_load %arg12[%get3A_268] {strides = array<i32>} : memref<80xi32, #tpu.memory_space<vmem>>, vector<16xi32>,
      tpu.vector_store_idx %arg29[%get3A_269], %broadcast_in_dim3A_3 {add = true} : memref<10000xf32, #tpu.memory_space<vmem>>[vector<16xi32>], vector<16xf32>,
      %get3A_270 = arith.constant 64 : index
      %get3A_271 = tpu.vector_load %arg12[%get3A_270] {strides = array<i32>} : memref<80xi32, #tpu.memory_space<vmem>>, vector<16xi32>,
      tpu.vector_store_idx %arg29[%get3A_271], %broadcast_in_dim3A_3 {add = true} : memref<10000xf32, #tpu.memory_space<vmem>>[vector<16xi32>], vector<16xf32>,
      %dma_start3A_272 = arith.constant 0 : i32
      %dma_start3A_273 = arith.constant 0 : i32
      %dma_start3A_274 = tpu.memref_slice %arg16[%dma_start3A_272, %dma_start3A_273] : memref<10240x128xf32, #tpu.memory_space<vmem_shared>> -> memref<10240x128xf32, #tpu.memory_space<vmem_shared>>
      tpu.enqueue_indirect_dma source(%arg15 : memref<80x128xf32, #tpu.memory_space<vmem>>) target(%dma_start3A_274 : memref<10240x128xf32, #tpu.memory_space<vmem_shared>>) offsets(%arg12 : memref<80xi32, #tpu.memory_space<vmem>>) semaphore(%arg22 : memref<!tpu.dma_semaphore, #tpu.memory_space<semaphore_mem>>) {add = true}
      %add3A_275 = arith.constant 3 : i32
      %add3A_276 = arith.addi %add3A_253, %add3A_275 : i32
      %mul3A_277 = arith.constant 80 : i32
      %mul3A_278 = arith.muli %add3A_276, %mul3A_277 : i32
      %add3A_279 = arith.addi %mul3A_2, %mul3A_278 : i32
      %dma_start3A_280 = tpu.memref_slice %arg2[%add3A_279] : memref<320000xi32, #tpu.memory_space<hbm>> -> memref<80xi32, #tpu.memory_space<hbm>>
      %dma_start3A_281 = tpu.memref_slice %arg2[%add3A_279] : memref<320000xi32, #tpu.memory_space<hbm>> -> memref<80xi32, #tpu.memory_space<hbm>>
      tpu.enqueue_dma source(%dma_start3A_281 : memref<80xi32, #tpu.memory_space<hbm>>) target(%arg9 : memref<80xi32, #tpu.memory_space<vmem>>) target_semaphore(%arg25 : memref<!tpu.dma_semaphore, #tpu.memory_space<semaphore_mem>>)
      %dma_wait3A_282 = arith.constant 0 : i32
      %dma_wait3A_283 = arith.constant 0 : i32
      %dma_wait3A_284 = tpu.memref_slice %arg16[%dma_wait3A_282, %dma_wait3A_283] : memref<10240x128xf32, #tpu.memory_space<vmem_shared>> -> memref<10240x128xf32, #tpu.memory_space<vmem_shared>>
      tpu.wait_indirect_dma semaphore(%arg21 : memref<!tpu.dma_semaphore, #tpu.memory_space<semaphore_mem>>) src(%arg14 : memref<80x128xf32, #tpu.memory_space<vmem>>) dst(%dma_wait3A_284 : memref<10240x128xf32, #tpu.memory_space<vmem_shared>>)
      %add3A_285 = arith.constant 2 : i32
      %add3A_286 = arith.addi %add3A_253, %add3A_285 : i32
      %mul3A_287 = arith.constant 80 : i32
      %mul3A_288 = arith.muli %add3A_286, %mul3A_287 : i32
      %add3A_289 = arith.addi %mul3A_2, %mul3A_288 : i32
      %dma_start3A_290 = tpu.memref_slice %arg3[%add3A_289] : memref<320000xi32, #tpu.memory_space<hbm>> -> memref<80xi32, #tpu.memory_space<hbm>>
      %dma_start3A_291 = tpu.memref_slice %arg3[%add3A_289] : memref<320000xi32, #tpu.memory_space<hbm>> -> memref<80xi32, #tpu.memory_space<hbm>>
      tpu.enqueue_dma source(%dma_start3A_291 : memref<80xi32, #tpu.memory_space<hbm>>) target(%arg11 : memref<80xi32, #tpu.memory_space<vmem>>) target_semaphore(%arg27 : memref<!tpu.dma_semaphore, #tpu.memory_space<semaphore_mem>>)
      %add3A_292 = arith.constant 2 : i32
      %add3A_293 = arith.addi %add3A_253, %add3A_292 : i32
      %mul3A_294 = arith.constant 80 : i32
      %mul3A_295 = arith.muli %add3A_293, %mul3A_294 : i32
      %add3A_296 = arith.addi %mul3A_2, %mul3A_295 : i32
      %dma_wait3A_297 = tpu.memref_slice %arg2[%add3A_296] : memref<320000xi32, #tpu.memory_space<hbm>> -> memref<80xi32, #tpu.memory_space<hbm>>
      %dma_wait3A_298 = tpu.memref_slice %arg2[%add3A_296] : memref<320000xi32, #tpu.memory_space<hbm>> -> memref<80xi32, #tpu.memory_space<hbm>>
      tpu.wait_dma2 semaphore(%arg24 : memref<!tpu.dma_semaphore, #tpu.memory_space<semaphore_mem>>) src(%dma_wait3A_298 : memref<80xi32, #tpu.memory_space<hbm>>) dst(%arg8 : memref<80xi32, #tpu.memory_space<vmem>>)
      %dma_start3A_299 = arith.constant 0 : i32
      %dma_start3A_300 = arith.constant 0 : i32
      %dma_start3A_301 = tpu.memref_slice %arg4[%dma_start3A_299, %dma_start3A_300] : memref<10000x128xf32, #tpu.memory_space<hbm>> -> memref<10000x128xf32, #tpu.memory_space<hbm>>
      tpu.enqueue_indirect_dma source(%dma_start3A_301 : memref<10000x128xf32, #tpu.memory_space<hbm>>) target(%arg14 : memref<80x128xf32, #tpu.memory_space<vmem>>) offsets(%arg8 : memref<80xi32, #tpu.memory_space<vmem>>) semaphore(%arg18 : memref<!tpu.dma_semaphore, #tpu.memory_space<semaphore_mem>>)
      %add3A_302 = arith.constant 1 : i32
      %add3A_303 = arith.addi %add3A_251, %add3A_302 : i32
      %dma_wait3A_304 = arith.constant 0 : i32
      %dma_wait3A_305 = arith.constant 0 : i32
      %dma_wait3A_306 = tpu.memref_slice %arg4[%dma_wait3A_304, %dma_wait3A_305] : memref<10000x128xf32, #tpu.memory_space<hbm>> -> memref<10000x128xf32, #tpu.memory_space<hbm>>
      tpu.wait_indirect_dma semaphore(%arg17 : memref<!tpu.dma_semaphore, #tpu.memory_space<semaphore_mem>>) src(%dma_wait3A_306 : memref<10000x128xf32, #tpu.memory_space<hbm>>) dst(%arg13 : memref<80x128xf32, #tpu.memory_space<vmem>>)
      %mul3A_307 = arith.constant 80 : i32
      %mul3A_308 = arith.muli %add3A_303, %mul3A_307 : i32
      %add3A_309 = arith.addi %mul3A_2, %mul3A_308 : i32
      %dma_wait3A_310 = tpu.memref_slice %arg3[%add3A_309] : memref<320000xi32, #tpu.memory_space<hbm>> -> memref<80xi32, #tpu.memory_space<hbm>>
      %dma_wait3A_311 = tpu.memref_slice %arg3[%add3A_309] : memref<320000xi32, #tpu.memory_space<hbm>> -> memref<80xi32, #tpu.memory_space<hbm>>
      tpu.wait_dma2 semaphore(%arg26 : memref<!tpu.dma_semaphore, #tpu.memory_space<semaphore_mem>>) src(%dma_wait3A_311 : memref<80xi32, #tpu.memory_space<hbm>>) dst(%arg10 : memref<80xi32, #tpu.memory_space<vmem>>)
      %get3A_312 = arith.constant 0 : index
      %get3A_313 = tpu.vector_load %arg10[%get3A_312] {strides = array<i32>} : memref<80xi32, #tpu.memory_space<vmem>>, vector<16xi32>,
      tpu.vector_store_idx %arg29[%get3A_313], %broadcast_in_dim3A_3 {add = true} : memref<10000xf32, #tpu.memory_space<vmem>>[vector<16xi32>], vector<16xf32>,
      %get3A_314 = arith.constant 16 : index
      %get3A_315 = tpu.vector_load %arg10[%get3A_314] {strides = array<i32>} : memref<80xi32, #tpu.memory_space<vmem>>, vector<16xi32>,
      tpu.vector_store_idx %arg29[%get3A_315], %broadcast_in_dim3A_3 {add = true} : memref<10000xf32, #tpu.memory_space<vmem>>[vector<16xi32>], vector<16xf32>,
      %get3A_316 = arith.constant 32 : index
      %get3A_317 = tpu.vector_load %arg10[%get3A_316] {strides = array<i32>} : memref<80xi32, #tpu.memory_space<vmem>>, vector<16xi32>,
      tpu.vector_store_idx %arg29[%get3A_317], %broadcast_in_dim3A_3 {add = true} : memref<10000xf32, #tpu.memory_space<vmem>>[vector<16xi32>], vector<16xf32>,
      %get3A_318 = arith.constant 48 : index
      %get3A_319 = tpu.vector_load %arg10[%get3A_318] {strides = array<i32>} : memref<80xi32, #tpu.memory_space<vmem>>, vector<16xi32>,
      tpu.vector_store_idx %arg29[%get3A_319], %broadcast_in_dim3A_3 {add = true} : memref<10000xf32, #tpu.memory_space<vmem>>[vector<16xi32>], vector<16xf32>,
      %get3A_320 = arith.constant 64 : index
      %get3A_321 = tpu.vector_load %arg10[%get3A_320] {strides = array<i32>} : memref<80xi32, #tpu.memory_space<vmem>>, vector<16xi32>,
      tpu.vector_store_idx %arg29[%get3A_321], %broadcast_in_dim3A_3 {add = true} : memref<10000xf32, #tpu.memory_space<vmem>>[vector<16xi32>], vector<16xf32>,
      %dma_start3A_322 = arith.constant 0 : i32
      %dma_start3A_323 = arith.constant 0 : i32
      %dma_start3A_324 = tpu.memref_slice %arg16[%dma_start3A_322, %dma_start3A_323] : memref<10240x128xf32, #tpu.memory_space<vmem_shared>> -> memref<10240x128xf32, #tpu.memory_space<vmem_shared>>
      tpu.enqueue_indirect_dma source(%arg13 : memref<80x128xf32, #tpu.memory_space<vmem>>) target(%dma_start3A_324 : memref<10240x128xf32, #tpu.memory_space<vmem_shared>>) offsets(%arg10 : memref<80xi32, #tpu.memory_space<vmem>>) semaphore(%arg20 : memref<!tpu.dma_semaphore, #tpu.memory_space<semaphore_mem>>) {add = true}
      %add3A_325 = arith.constant 3 : i32
      %add3A_326 = arith.addi %add3A_303, %add3A_325 : i32
      %mul3A_327 = arith.constant 80 : i32
      %mul3A_328 = arith.muli %add3A_326, %mul3A_327 : i32
      %add3A_329 = arith.addi %mul3A_2, %mul3A_328 : i32
      %dma_start3A_330 = tpu.memref_slice %arg2[%add3A_329] : memref<320000xi32, #tpu.memory_space<hbm>> -> memref<80xi32, #tpu.memory_space<hbm>>
      %dma_start3A_331 = tpu.memref_slice %arg2[%add3A_329] : memref<320000xi32, #tpu.memory_space<hbm>> -> memref<80xi32, #tpu.memory_space<hbm>>
      tpu.enqueue_dma source(%dma_start3A_331 : memref<80xi32, #tpu.memory_space<hbm>>) target(%arg7 : memref<80xi32, #tpu.memory_space<vmem>>) target_semaphore(%arg23 : memref<!tpu.dma_semaphore, #tpu.memory_space<semaphore_mem>>)
      %dma_wait3A_332 = arith.constant 0 : i32
      %dma_wait3A_333 = arith.constant 0 : i32
      %dma_wait3A_334 = tpu.memref_slice %arg16[%dma_wait3A_332, %dma_wait3A_333] : memref<10240x128xf32, #tpu.memory_space<vmem_shared>> -> memref<10240x128xf32, #tpu.memory_space<vmem_shared>>
      tpu.wait_indirect_dma semaphore(%arg22 : memref<!tpu.dma_semaphore, #tpu.memory_space<semaphore_mem>>) src(%arg15 : memref<80x128xf32, #tpu.memory_space<vmem>>) dst(%dma_wait3A_334 : memref<10240x128xf32, #tpu.memory_space<vmem_shared>>)
      %add3A_335 = arith.constant 2 : i32
      %add3A_336 = arith.addi %add3A_303, %add3A_335 : i32
      %mul3A_337 = arith.constant 80 : i32
      %mul3A_338 = arith.muli %add3A_336, %mul3A_337 : i32
      %add3A_339 = arith.addi %mul3A_2, %mul3A_338 : i32
      %dma_start3A_340 = tpu.memref_slice %arg3[%add3A_339] : memref<320000xi32, #tpu.memory_space<hbm>> -> memref<80xi32, #tpu.memory_space<hbm>>
      %dma_start3A_341 = tpu.memref_slice %arg3[%add3A_339] : memref<320000xi32, #tpu.memory_space<hbm>> -> memref<80xi32, #tpu.memory_space<hbm>>
      tpu.enqueue_dma source(%dma_start3A_341 : memref<80xi32, #tpu.memory_space<hbm>>) target(%arg12 : memref<80xi32, #tpu.memory_space<vmem>>) target_semaphore(%arg28 : memref<!tpu.dma_semaphore, #tpu.memory_space<semaphore_mem>>)
      %add3A_342 = arith.constant 2 : i32
      %add3A_343 = arith.addi %add3A_303, %add3A_342 : i32
      %mul3A_344 = arith.constant 80 : i32
      %mul3A_345 = arith.muli %add3A_343, %mul3A_344 : i32
      %add3A_346 = arith.addi %mul3A_2, %mul3A_345 : i32
      %dma_wait3A_347 = tpu.memref_slice %arg2[%add3A_346] : memref<320000xi32, #tpu.memory_space<hbm>> -> memref<80xi32, #tpu.memory_space<hbm>>
      %dma_wait3A_348 = tpu.memref_slice %arg2[%add3A_346] : memref<320000xi32, #tpu.memory_space<hbm>> -> memref<80xi32, #tpu.memory_space<hbm>>
      tpu.wait_dma2 semaphore(%arg25 : memref<!tpu.dma_semaphore, #tpu.memory_space<semaphore_mem>>) src(%dma_wait3A_348 : memref<80xi32, #tpu.memory_space<hbm>>) dst(%arg9 : memref<80xi32, #tpu.memory_space<vmem>>)
      %dma_start3A_349 = arith.constant 0 : i32
      %dma_start3A_350 = arith.constant 0 : i32
      %dma_start3A_351 = tpu.memref_slice %arg4[%dma_start3A_349, %dma_start3A_350] : memref<10000x128xf32, #tpu.memory_space<hbm>> -> memref<10000x128xf32, #tpu.memory_space<hbm>>
      tpu.enqueue_indirect_dma source(%dma_start3A_351 : memref<10000x128xf32, #tpu.memory_space<hbm>>) target(%arg15 : memref<80x128xf32, #tpu.memory_space<vmem>>) offsets(%arg9 : memref<80xi32, #tpu.memory_space<vmem>>) semaphore(%arg19 : memref<!tpu.dma_semaphore, #tpu.memory_space<semaphore_mem>>)
      %add3A_352 = arith.constant 2 : i32
      %add3A_353 = arith.addi %add3A_251, %add3A_352 : i32
      %dma_wait3A_354 = arith.constant 0 : i32
      %dma_wait3A_355 = arith.constant 0 : i32
      %dma_wait3A_356 = tpu.memref_slice %arg4[%dma_wait3A_354, %dma_wait3A_355] : memref<10000x128xf32, #tpu.memory_space<hbm>> -> memref<10000x128xf32, #tpu.memory_space<hbm>>
      tpu.wait_indirect_dma semaphore(%arg18 : memref<!tpu.dma_semaphore, #tpu.memory_space<semaphore_mem>>) src(%dma_wait3A_356 : memref<10000x128xf32, #tpu.memory_space<hbm>>) dst(%arg14 : memref<80x128xf32, #tpu.memory_space<vmem>>)
      %mul3A_357 = arith.constant 80 : i32
      %mul3A_358 = arith.muli %add3A_353, %mul3A_357 : i32
      %add3A_359 = arith.addi %mul3A_2, %mul3A_358 : i32
      %dma_wait3A_360 = tpu.memref_slice %arg3[%add3A_359] : memref<320000xi32, #tpu.memory_space<hbm>> -> memref<80xi32, #tpu.memory_space<hbm>>
      %dma_wait3A_361 = tpu.memref_slice %arg3[%add3A_359] : memref<320000xi32, #tpu.memory_space<hbm>> -> memref<80xi32, #tpu.memory_space<hbm>>
      tpu.wait_dma2 semaphore(%arg27 : memref<!tpu.dma_semaphore, #tpu.memory_space<semaphore_mem>>) src(%dma_wait3A_361 : memref<80xi32, #tpu.memory_space<hbm>>) dst(%arg11 : memref<80xi32, #tpu.memory_space<vmem>>)
      %get3A_362 = arith.constant 0 : index
      %get3A_363 = tpu.vector_load %arg11[%get3A_362] {strides = array<i32>} : memref<80xi32, #tpu.memory_space<vmem>>, vector<16xi32>,
      tpu.vector_store_idx %arg29[%get3A_363], %broadcast_in_dim3A_3 {add = true} : memref<10000xf32, #tpu.memory_space<vmem>>[vector<16xi32>], vector<16xf32>,
      %get3A_364 = arith.constant 16 : index
      %get3A_365 = tpu.vector_load %arg11[%get3A_364] {strides = array<i32>} : memref<80xi32, #tpu.memory_space<vmem>>, vector<16xi32>,
      tpu.vector_store_idx %arg29[%get3A_365], %broadcast_in_dim3A_3 {add = true} : memref<10000xf32, #tpu.memory_space<vmem>>[vector<16xi32>], vector<16xf32>,
      %get3A_366 = arith.constant 32 : index
      %get3A_367 = tpu.vector_load %arg11[%get3A_366] {strides = array<i32>} : memref<80xi32, #tpu.memory_space<vmem>>, vector<16xi32>,
      tpu.vector_store_idx %arg29[%get3A_367], %broadcast_in_dim3A_3 {add = true} : memref<10000xf32, #tpu.memory_space<vmem>>[vector<16xi32>], vector<16xf32>,
      %get3A_368 = arith.constant 48 : index
      %get3A_369 = tpu.vector_load %arg11[%get3A_368] {strides = array<i32>} : memref<80xi32, #tpu.memory_space<vmem>>, vector<16xi32>,
      tpu.vector_store_idx %arg29[%get3A_369], %broadcast_in_dim3A_3 {add = true} : memref<10000xf32, #tpu.memory_space<vmem>>[vector<16xi32>], vector<16xf32>,
      %get3A_370 = arith.constant 64 : index
      %get3A_371 = tpu.vector_load %arg11[%get3A_370] {strides = array<i32>} : memref<80xi32, #tpu.memory_space<vmem>>, vector<16xi32>,
      tpu.vector_store_idx %arg29[%get3A_371], %broadcast_in_dim3A_3 {add = true} : memref<10000xf32, #tpu.memory_space<vmem>>[vector<16xi32>], vector<16xf32>,
      %dma_start3A_372 = arith.constant 0 : i32
      %dma_start3A_373 = arith.constant 0 : i32
      %dma_start3A_374 = tpu.memref_slice %arg16[%dma_start3A_372, %dma_start3A_373] : memref<10240x128xf32, #tpu.memory_space<vmem_shared>> -> memref<10240x128xf32, #tpu.memory_space<vmem_shared>>
      tpu.enqueue_indirect_dma source(%arg14 : memref<80x128xf32, #tpu.memory_space<vmem>>) target(%dma_start3A_374 : memref<10240x128xf32, #tpu.memory_space<vmem_shared>>) offsets(%arg11 : memref<80xi32, #tpu.memory_space<vmem>>) semaphore(%arg21 : memref<!tpu.dma_semaphore, #tpu.memory_space<semaphore_mem>>) {add = true}
      %add3A_375 = arith.constant 3 : i32
      %add3A_376 = arith.addi %add3A_353, %add3A_375 : i32
      %mul3A_377 = arith.constant 80 : i32
      %mul3A_378 = arith.muli %add3A_376, %mul3A_377 : i32
      %add3A_379 = arith.addi %mul3A_2, %mul3A_378 : i32
      %dma_start3A_380 = tpu.memref_slice %arg2[%add3A_379] : memref<320000xi32, #tpu.memory_space<hbm>> -> memref<80xi32, #tpu.memory_space<hbm>>
      %dma_start3A_381 = tpu.memref_slice %arg2[%add3A_379] : memref<320000xi32, #tpu.memory_space<hbm>> -> memref<80xi32, #tpu.memory_space<hbm>>
      tpu.enqueue_dma source(%dma_start3A_381 : memref<80xi32, #tpu.memory_space<hbm>>) target(%arg8 : memref<80xi32, #tpu.memory_space<vmem>>) target_semaphore(%arg24 : memref<!tpu.dma_semaphore, #tpu.memory_space<semaphore_mem>>)
      %dma_wait3A_382 = arith.constant 0 : i32
      %dma_wait3A_383 = arith.constant 0 : i32
      %dma_wait3A_384 = tpu.memref_slice %arg16[%dma_wait3A_382, %dma_wait3A_383] : memref<10240x128xf32, #tpu.memory_space<vmem_shared>> -> memref<10240x128xf32, #tpu.memory_space<vmem_shared>>
      tpu.wait_indirect_dma semaphore(%arg20 : memref<!tpu.dma_semaphore, #tpu.memory_space<semaphore_mem>>) src(%arg13 : memref<80x128xf32, #tpu.memory_space<vmem>>) dst(%dma_wait3A_384 : memref<10240x128xf32, #tpu.memory_space<vmem_shared>>)
      %add3A_385 = arith.constant 2 : i32
      %add3A_386 = arith.addi %add3A_353, %add3A_385 : i32
      %mul3A_387 = arith.constant 80 : i32
      %mul3A_388 = arith.muli %add3A_386, %mul3A_387 : i32
      %add3A_389 = arith.addi %mul3A_2, %mul3A_388 : i32
      %dma_start3A_390 = tpu.memref_slice %arg3[%add3A_389] : memref<320000xi32, #tpu.memory_space<hbm>> -> memref<80xi32, #tpu.memory_space<hbm>>
      %dma_start3A_391 = tpu.memref_slice %arg3[%add3A_389] : memref<320000xi32, #tpu.memory_space<hbm>> -> memref<80xi32, #tpu.memory_space<hbm>>
      tpu.enqueue_dma source(%dma_start3A_391 : memref<80xi32, #tpu.memory_space<hbm>>) target(%arg10 : memref<80xi32, #tpu.memory_space<vmem>>) target_semaphore(%arg26 : memref<!tpu.dma_semaphore, #tpu.memory_space<semaphore_mem>>)
      %add3A_392 = arith.constant 2 : i32
      %add3A_393 = arith.addi %add3A_353, %add3A_392 : i32
      %mul3A_394 = arith.constant 80 : i32
      %mul3A_395 = arith.muli %add3A_393, %mul3A_394 : i32
      %add3A_396 = arith.addi %mul3A_2, %mul3A_395 : i32
      %dma_wait3A_397 = tpu.memref_slice %arg2[%add3A_396] : memref<320000xi32, #tpu.memory_space<hbm>> -> memref<80xi32, #tpu.memory_space<hbm>>
      %dma_wait3A_398 = tpu.memref_slice %arg2[%add3A_396] : memref<320000xi32, #tpu.memory_space<hbm>> -> memref<80xi32, #tpu.memory_space<hbm>>
      tpu.wait_dma2 semaphore(%arg23 : memref<!tpu.dma_semaphore, #tpu.memory_space<semaphore_mem>>) src(%dma_wait3A_398 : memref<80xi32, #tpu.memory_space<hbm>>) dst(%arg7 : memref<80xi32, #tpu.memory_space<vmem>>)
      %dma_start3A_399 = arith.constant 0 : i32
      %dma_start3A_400 = arith.constant 0 : i32
      %dma_start3A_401 = tpu.memref_slice %arg4[%dma_start3A_399, %dma_start3A_400] : memref<10000x128xf32, #tpu.memory_space<hbm>> -> memref<10000x128xf32, #tpu.memory_space<hbm>>
      tpu.enqueue_indirect_dma source(%dma_start3A_401 : memref<10000x128xf32, #tpu.memory_space<hbm>>) target(%arg13 : memref<80x128xf32, #tpu.memory_space<vmem>>) offsets(%arg7 : memref<80xi32, #tpu.memory_space<vmem>>) semaphore(%arg17 : memref<!tpu.dma_semaphore, #tpu.memory_space<semaphore_mem>>)
    }
    %scan3A_160 = arith.constant 40 : i32
    %dma_wait3A_161 = arith.constant 0 : i32
    %dma_wait3A_162 = arith.constant 0 : i32
    %dma_wait3A_163 = tpu.memref_slice %arg4[%dma_wait3A_161, %dma_wait3A_162] : memref<10000x128xf32, #tpu.memory_space<hbm>> -> memref<10000x128xf32, #tpu.memory_space<hbm>>
    tpu.wait_indirect_dma semaphore(%arg19 : memref<!tpu.dma_semaphore, #tpu.memory_space<semaphore_mem>>) src(%dma_wait3A_163 : memref<10000x128xf32, #tpu.memory_space<hbm>>) dst(%arg15 : memref<80x128xf32, #tpu.memory_space<vmem>>)
    %add3A_164 = arith.constant 9760 : i32
    %add3A_165 = arith.addi %mul3A_2, %add3A_164 : i32
    %dma_wait3A_166 = tpu.memref_slice %arg3[%add3A_165] : memref<320000xi32, #tpu.memory_space<hbm>> -> memref<80xi32, #tpu.memory_space<hbm>>
    %dma_wait3A_167 = tpu.memref_slice %arg3[%add3A_165] : memref<320000xi32, #tpu.memory_space<hbm>> -> memref<80xi32, #tpu.memory_space<hbm>>
    tpu.wait_dma2 semaphore(%arg28 : memref<!tpu.dma_semaphore, #tpu.memory_space<semaphore_mem>>) src(%dma_wait3A_167 : memref<80xi32, #tpu.memory_space<hbm>>) dst(%arg12 : memref<80xi32, #tpu.memory_space<vmem>>)
    %get3A_168 = arith.constant 0 : index
    %get3A_169 = tpu.vector_load %arg12[%get3A_168] {strides = array<i32>} : memref<80xi32, #tpu.memory_space<vmem>>, vector<16xi32>,
    tpu.vector_store_idx %arg29[%get3A_169], %broadcast_in_dim3A_3 {add = true} : memref<10000xf32, #tpu.memory_space<vmem>>[vector<16xi32>], vector<16xf32>,
    %get3A_170 = arith.constant 16 : index
    %get3A_171 = tpu.vector_load %arg12[%get3A_170] {strides = array<i32>} : memref<80xi32, #tpu.memory_space<vmem>>, vector<16xi32>,
    tpu.vector_store_idx %arg29[%get3A_171], %broadcast_in_dim3A_3 {add = true} : memref<10000xf32, #tpu.memory_space<vmem>>[vector<16xi32>], vector<16xf32>,
    %get3A_172 = arith.constant 32 : index
    %get3A_173 = tpu.vector_load %arg12[%get3A_172] {strides = array<i32>} : memref<80xi32, #tpu.memory_space<vmem>>, vector<16xi32>,
    tpu.vector_store_idx %arg29[%get3A_173], %broadcast_in_dim3A_3 {add = true} : memref<10000xf32, #tpu.memory_space<vmem>>[vector<16xi32>], vector<16xf32>,
    %get3A_174 = arith.constant 48 : index
    %get3A_175 = tpu.vector_load %arg12[%get3A_174] {strides = array<i32>} : memref<80xi32, #tpu.memory_space<vmem>>, vector<16xi32>,
    tpu.vector_store_idx %arg29[%get3A_175], %broadcast_in_dim3A_3 {add = true} : memref<10000xf32, #tpu.memory_space<vmem>>[vector<16xi32>], vector<16xf32>,
    %get3A_176 = arith.constant 64 : index
    %get3A_177 = tpu.vector_load %arg12[%get3A_176] {strides = array<i32>} : memref<80xi32, #tpu.memory_space<vmem>>, vector<16xi32>,
    tpu.vector_store_idx %arg29[%get3A_177], %broadcast_in_dim3A_3 {add = true} : memref<10000xf32, #tpu.memory_space<vmem>>[vector<16xi32>], vector<16xf32>,
    %dma_start3A_178 = arith.constant 0 : i32
    %dma_start3A_179 = arith.constant 0 : i32
    %dma_start3A_180 = tpu.memref_slice %arg16[%dma_start3A_178, %dma_start3A_179] : memref<10240x128xf32, #tpu.memory_space<vmem_shared>> -> memref<10240x128xf32, #tpu.memory_space<vmem_shared>>
    tpu.enqueue_indirect_dma source(%arg15 : memref<80x128xf32, #tpu.memory_space<vmem>>) target(%dma_start3A_180 : memref<10240x128xf32, #tpu.memory_space<vmem_shared>>) offsets(%arg12 : memref<80xi32, #tpu.memory_space<vmem>>) semaphore(%arg22 : memref<!tpu.dma_semaphore, #tpu.memory_space<semaphore_mem>>) {add = true}
    %dma_wait3A_181 = arith.constant 0 : i32
    %dma_wait3A_182 = arith.constant 0 : i32
    %dma_wait3A_183 = tpu.memref_slice %arg16[%dma_wait3A_181, %dma_wait3A_182] : memref<10240x128xf32, #tpu.memory_space<vmem_shared>> -> memref<10240x128xf32, #tpu.memory_space<vmem_shared>>
    tpu.wait_indirect_dma semaphore(%arg21 : memref<!tpu.dma_semaphore, #tpu.memory_space<semaphore_mem>>) src(%arg14 : memref<80x128xf32, #tpu.memory_space<vmem>>) dst(%dma_wait3A_183 : memref<10240x128xf32, #tpu.memory_space<vmem_shared>>)
    %add3A_184 = arith.constant 9920 : i32
    %add3A_185 = arith.addi %mul3A_2, %add3A_184 : i32
    %dma_start3A_186 = tpu.memref_slice %arg3[%add3A_185] : memref<320000xi32, #tpu.memory_space<hbm>> -> memref<80xi32, #tpu.memory_space<hbm>>
    %dma_start3A_187 = tpu.memref_slice %arg3[%add3A_185] : memref<320000xi32, #tpu.memory_space<hbm>> -> memref<80xi32, #tpu.memory_space<hbm>>
    tpu.enqueue_dma source(%dma_start3A_187 : memref<80xi32, #tpu.memory_space<hbm>>) target(%arg11 : memref<80xi32, #tpu.memory_space<vmem>>) target_semaphore(%arg27 : memref<!tpu.dma_semaphore, #tpu.memory_space<semaphore_mem>>)
    %add3A_188 = arith.constant 9920 : i32
    %add3A_189 = arith.addi %mul3A_2, %add3A_188 : i32
    %dma_wait3A_190 = tpu.memref_slice %arg2[%add3A_189] : memref<320000xi32, #tpu.memory_space<hbm>> -> memref<80xi32, #tpu.memory_space<hbm>>
    %dma_wait3A_191 = tpu.memref_slice %arg2[%add3A_189] : memref<320000xi32, #tpu.memory_space<hbm>> -> memref<80xi32, #tpu.memory_space<hbm>>
    tpu.wait_dma2 semaphore(%arg24 : memref<!tpu.dma_semaphore, #tpu.memory_space<semaphore_mem>>) src(%dma_wait3A_191 : memref<80xi32, #tpu.memory_space<hbm>>) dst(%arg8 : memref<80xi32, #tpu.memory_space<vmem>>)
    %dma_start3A_192 = arith.constant 0 : i32
    %dma_start3A_193 = arith.constant 0 : i32
    %dma_start3A_194 = tpu.memref_slice %arg4[%dma_start3A_192, %dma_start3A_193] : memref<10000x128xf32, #tpu.memory_space<hbm>> -> memref<10000x128xf32, #tpu.memory_space<hbm>>
    tpu.enqueue_indirect_dma source(%dma_start3A_194 : memref<10000x128xf32, #tpu.memory_space<hbm>>) target(%arg14 : memref<80x128xf32, #tpu.memory_space<vmem>>) offsets(%arg8 : memref<80xi32, #tpu.memory_space<vmem>>) semaphore(%arg18 : memref<!tpu.dma_semaphore, #tpu.memory_space<semaphore_mem>>)
    %dma_wait3A_195 = arith.constant 0 : i32
    %dma_wait3A_196 = arith.constant 0 : i32
    %dma_wait3A_197 = tpu.memref_slice %arg4[%dma_wait3A_195, %dma_wait3A_196] : memref<10000x128xf32, #tpu.memory_space<hbm>> -> memref<10000x128xf32, #tpu.memory_space<hbm>>
    tpu.wait_indirect_dma semaphore(%arg17 : memref<!tpu.dma_semaphore, #tpu.memory_space<semaphore_mem>>) src(%dma_wait3A_197 : memref<10000x128xf32, #tpu.memory_space<hbm>>) dst(%arg13 : memref<80x128xf32, #tpu.memory_space<vmem>>)
    %add3A_198 = arith.constant 9840 : i32
    %add3A_199 = arith.addi %mul3A_2, %add3A_198 : i32
    %dma_wait3A_200 = tpu.memref_slice %arg3[%add3A_199] : memref<320000xi32, #tpu.memory_space<hbm>> -> memref<80xi32, #tpu.memory_space<hbm>>
    %dma_wait3A_201 = tpu.memref_slice %arg3[%add3A_199] : memref<320000xi32, #tpu.memory_space<hbm>> -> memref<80xi32, #tpu.memory_space<hbm>>
    tpu.wait_dma2 semaphore(%arg26 : memref<!tpu.dma_semaphore, #tpu.memory_space<semaphore_mem>>) src(%dma_wait3A_201 : memref<80xi32, #tpu.memory_space<hbm>>) dst(%arg10 : memref<80xi32, #tpu.memory_space<vmem>>)
    %get3A_202 = arith.constant 0 : index
    %get3A_203 = tpu.vector_load %arg10[%get3A_202] {strides = array<i32>} : memref<80xi32, #tpu.memory_space<vmem>>, vector<16xi32>,
    tpu.vector_store_idx %arg29[%get3A_203], %broadcast_in_dim3A_3 {add = true} : memref<10000xf32, #tpu.memory_space<vmem>>[vector<16xi32>], vector<16xf32>,
    %get3A_204 = arith.constant 16 : index
    %get3A_205 = tpu.vector_load %arg10[%get3A_204] {strides = array<i32>} : memref<80xi32, #tpu.memory_space<vmem>>, vector<16xi32>,
    tpu.vector_store_idx %arg29[%get3A_205], %broadcast_in_dim3A_3 {add = true} : memref<10000xf32, #tpu.memory_space<vmem>>[vector<16xi32>], vector<16xf32>,
    %get3A_206 = arith.constant 32 : index
    %get3A_207 = tpu.vector_load %arg10[%get3A_206] {strides = array<i32>} : memref<80xi32, #tpu.memory_space<vmem>>, vector<16xi32>,
    tpu.vector_store_idx %arg29[%get3A_207], %broadcast_in_dim3A_3 {add = true} : memref<10000xf32, #tpu.memory_space<vmem>>[vector<16xi32>], vector<16xf32>,
    %get3A_208 = arith.constant 48 : index
    %get3A_209 = tpu.vector_load %arg10[%get3A_208] {strides = array<i32>} : memref<80xi32, #tpu.memory_space<vmem>>, vector<16xi32>,
    tpu.vector_store_idx %arg29[%get3A_209], %broadcast_in_dim3A_3 {add = true} : memref<10000xf32, #tpu.memory_space<vmem>>[vector<16xi32>], vector<16xf32>,
    %get3A_210 = arith.constant 64 : index
    %get3A_211 = tpu.vector_load %arg10[%get3A_210] {strides = array<i32>} : memref<80xi32, #tpu.memory_space<vmem>>, vector<16xi32>,
    tpu.vector_store_idx %arg29[%get3A_211], %broadcast_in_dim3A_3 {add = true} : memref<10000xf32, #tpu.memory_space<vmem>>[vector<16xi32>], vector<16xf32>,
    %dma_start3A_212 = arith.constant 0 : i32
    %dma_start3A_213 = arith.constant 0 : i32
    %dma_start3A_214 = tpu.memref_slice %arg16[%dma_start3A_212, %dma_start3A_213] : memref<10240x128xf32, #tpu.memory_space<vmem_shared>> -> memref<10240x128xf32, #tpu.memory_space<vmem_shared>>
    tpu.enqueue_indirect_dma source(%arg13 : memref<80x128xf32, #tpu.memory_space<vmem>>) target(%dma_start3A_214 : memref<10240x128xf32, #tpu.memory_space<vmem_shared>>) offsets(%arg10 : memref<80xi32, #tpu.memory_space<vmem>>) semaphore(%arg20 : memref<!tpu.dma_semaphore, #tpu.memory_space<semaphore_mem>>) {add = true}
    %dma_wait3A_215 = arith.constant 0 : i32
    %dma_wait3A_216 = arith.constant 0 : i32
    %dma_wait3A_217 = tpu.memref_slice %arg16[%dma_wait3A_215, %dma_wait3A_216] : memref<10240x128xf32, #tpu.memory_space<vmem_shared>> -> memref<10240x128xf32, #tpu.memory_space<vmem_shared>>
    tpu.wait_indirect_dma semaphore(%arg22 : memref<!tpu.dma_semaphore, #tpu.memory_space<semaphore_mem>>) src(%arg15 : memref<80x128xf32, #tpu.memory_space<vmem>>) dst(%dma_wait3A_217 : memref<10240x128xf32, #tpu.memory_space<vmem_shared>>)
    %dma_wait3A_218 = arith.constant 0 : i32
    %dma_wait3A_219 = arith.constant 0 : i32
    %dma_wait3A_220 = tpu.memref_slice %arg4[%dma_wait3A_218, %dma_wait3A_219] : memref<10000x128xf32, #tpu.memory_space<hbm>> -> memref<10000x128xf32, #tpu.memory_space<hbm>>
    tpu.wait_indirect_dma semaphore(%arg18 : memref<!tpu.dma_semaphore, #tpu.memory_space<semaphore_mem>>) src(%dma_wait3A_220 : memref<10000x128xf32, #tpu.memory_space<hbm>>) dst(%arg14 : memref<80x128xf32, #tpu.memory_space<vmem>>)
    %add3A_221 = arith.constant 9920 : i32
    %add3A_222 = arith.addi %mul3A_2, %add3A_221 : i32
    %dma_wait3A_223 = tpu.memref_slice %arg3[%add3A_222] : memref<320000xi32, #tpu.memory_space<hbm>> -> memref<80xi32, #tpu.memory_space<hbm>>
    %dma_wait3A_224 = tpu.memref_slice %arg3[%add3A_222] : memref<320000xi32, #tpu.memory_space<hbm>> -> memref<80xi32, #tpu.memory_space<hbm>>
    tpu.wait_dma2 semaphore(%arg27 : memref<!tpu.dma_semaphore, #tpu.memory_space<semaphore_mem>>) src(%dma_wait3A_224 : memref<80xi32, #tpu.memory_space<hbm>>) dst(%arg11 : memref<80xi32, #tpu.memory_space<vmem>>)
    %get3A_225 = arith.constant 0 : index
    %get3A_226 = tpu.vector_load %arg11[%get3A_225] {strides = array<i32>} : memref<80xi32, #tpu.memory_space<vmem>>, vector<16xi32>,
    tpu.vector_store_idx %arg29[%get3A_226], %broadcast_in_dim3A_3 {add = true} : memref<10000xf32, #tpu.memory_space<vmem>>[vector<16xi32>], vector<16xf32>,
    %get3A_227 = arith.constant 16 : index
    %get3A_228 = tpu.vector_load %arg11[%get3A_227] {strides = array<i32>} : memref<80xi32, #tpu.memory_space<vmem>>, vector<16xi32>,
    tpu.vector_store_idx %arg29[%get3A_228], %broadcast_in_dim3A_3 {add = true} : memref<10000xf32, #tpu.memory_space<vmem>>[vector<16xi32>], vector<16xf32>,
    %get3A_229 = arith.constant 32 : index
    %get3A_230 = tpu.vector_load %arg11[%get3A_229] {strides = array<i32>} : memref<80xi32, #tpu.memory_space<vmem>>, vector<16xi32>,
    tpu.vector_store_idx %arg29[%get3A_230], %broadcast_in_dim3A_3 {add = true} : memref<10000xf32, #tpu.memory_space<vmem>>[vector<16xi32>], vector<16xf32>,
    %get3A_231 = arith.constant 48 : index
    %get3A_232 = tpu.vector_load %arg11[%get3A_231] {strides = array<i32>} : memref<80xi32, #tpu.memory_space<vmem>>, vector<16xi32>,
    tpu.vector_store_idx %arg29[%get3A_232], %broadcast_in_dim3A_3 {add = true} : memref<10000xf32, #tpu.memory_space<vmem>>[vector<16xi32>], vector<16xf32>,
    %get3A_233 = arith.constant 64 : index
    %get3A_234 = tpu.vector_load %arg11[%get3A_233] {strides = array<i32>} : memref<80xi32, #tpu.memory_space<vmem>>, vector<16xi32>,
    tpu.vector_store_idx %arg29[%get3A_234], %broadcast_in_dim3A_3 {add = true} : memref<10000xf32, #tpu.memory_space<vmem>>[vector<16xi32>], vector<16xf32>,
    %dma_start3A_235 = arith.constant 0 : i32
    %dma_start3A_236 = arith.constant 0 : i32
    %dma_start3A_237 = tpu.memref_slice %arg16[%dma_start3A_235, %dma_start3A_236] : memref<10240x128xf32, #tpu.memory_space<vmem_shared>> -> memref<10240x128xf32, #tpu.memory_space<vmem_shared>>
    tpu.enqueue_indirect_dma source(%arg14 : memref<80x128xf32, #tpu.memory_space<vmem>>) target(%dma_start3A_237 : memref<10240x128xf32, #tpu.memory_space<vmem_shared>>) offsets(%arg11 : memref<80xi32, #tpu.memory_space<vmem>>) semaphore(%arg21 : memref<!tpu.dma_semaphore, #tpu.memory_space<semaphore_mem>>) {add = true}
    %dma_wait3A_238 = arith.constant 0 : i32
    %dma_wait3A_239 = arith.constant 0 : i32
    %dma_wait3A_240 = tpu.memref_slice %arg16[%dma_wait3A_238, %dma_wait3A_239] : memref<10240x128xf32, #tpu.memory_space<vmem_shared>> -> memref<10240x128xf32, #tpu.memory_space<vmem_shared>>
    tpu.wait_indirect_dma semaphore(%arg20 : memref<!tpu.dma_semaphore, #tpu.memory_space<semaphore_mem>>) src(%arg13 : memref<80x128xf32, #tpu.memory_space<vmem>>) dst(%dma_wait3A_240 : memref<10240x128xf32, #tpu.memory_space<vmem_shared>>)
    %dma_wait3A_241 = arith.constant 0 : i32
    %dma_wait3A_242 = arith.constant 0 : i32
    %dma_wait3A_243 = tpu.memref_slice %arg16[%dma_wait3A_241, %dma_wait3A_242] : memref<10240x128xf32, #tpu.memory_space<vmem_shared>> -> memref<10240x128xf32, #tpu.memory_space<vmem_shared>>
    tpu.wait_indirect_dma semaphore(%arg21 : memref<!tpu.dma_semaphore, #tpu.memory_space<semaphore_mem>>) src(%arg14 : memref<80x128xf32, #tpu.memory_space<vmem>>) dst(%dma_wait3A_243 : memref<10240x128xf32, #tpu.memory_space<vmem_shared>>)
    %barrier3A_244 = arith.constant 0 : index
    tpu.barrier barrier_id(%barrier3A_244)
    %mul3A_245 = arith.constant 640 : i32
    %mul3A_246 = arith.muli %arg1, %mul3A_245 : i32
    "tpu.region"() ({
      %run_scoped3A = tpu.sem_alloc : memref<!tpu.dma_semaphore, #tpu.memory_space<semaphore_mem>>
      %dma_start3A_247 = arith.constant 0 : i32
      %dma_start3A_248 = tpu.memref_slice %arg5[%arg0, %mul3A_246, %dma_start3A_247] : memref<2x10240x128xf32, #tpu.memory_space<hbm>> -> memref<1x640x128xf32, #tpu.memory_space<hbm>>
      %dma_start3A_249 = tpu.memref_squeeze %dma_start3A_248 : memref<1x640x128xf32, #tpu.memory_space<hbm>> -> memref<640x128xf32, #tpu.memory_space<hbm>>
      %dma_start3A_250 = arith.constant 0 : i32
      %dma_start3A_251 = tpu.memref_slice %arg16[%mul3A_246, %dma_start3A_250] : memref<10240x128xf32, #tpu.memory_space<vmem_shared>> -> memref<640x128xf32, #tpu.memory_space<vmem_shared>>
      tpu.enqueue_dma source(%dma_start3A_251 : memref<640x128xf32, #tpu.memory_space<vmem_shared>>) target(%dma_start3A_249 : memref<640x128xf32, #tpu.memory_space<hbm>>) target_semaphore(%run_scoped3A : memref<!tpu.dma_semaphore, #tpu.memory_space<semaphore_mem>>)
      %dma_wait3A_252 = arith.constant 0 : i32
      %dma_wait3A_253 = tpu.memref_slice %arg5[%arg0, %mul3A_246, %dma_wait3A_252] : memref<2x10240x128xf32, #tpu.memory_space<hbm>> -> memref<1x640x128xf32, #tpu.memory_space<hbm>>
      %dma_wait3A_254 = tpu.memref_squeeze %dma_wait3A_253 : memref<1x640x128xf32, #tpu.memory_space<hbm>> -> memref<640x128xf32, #tpu.memory_space<hbm>>
      %dma_wait3A_255 = arith.constant 0 : i32
      %dma_wait3A_256 = tpu.memref_slice %arg16[%mul3A_246, %dma_wait3A_255] : memref<10240x128xf32, #tpu.memory_space<vmem_shared>> -> memref<640x128xf32, #tpu.memory_space<vmem_shared>>
      tpu.wait_dma2 semaphore(%run_scoped3A : memref<!tpu.dma_semaphore, #tpu.memory_space<semaphore_mem>>) src(%dma_wait3A_256 : memref<640x128xf32, #tpu.memory_space<vmem_shared>>) dst(%dma_wait3A_254 : memref<640x128xf32, #tpu.memory_space<hbm>>)
      tpu.yield
    }) : () -> ()
    "tpu.region"() ({
      %run_scoped3A = tpu.sem_alloc : memref<!tpu.dma_semaphore, #tpu.memory_space<semaphore_mem>>
      %dma_start3A_247 = arith.constant 0 : i32
      %dma_start3A_248 = tpu.memref_slice %arg6[%add3A, %dma_start3A_247] : memref<32x10000xf32, #tpu.memory_space<hbm>> -> memref<1x10000xf32, #tpu.memory_space<hbm>>
      %dma_start3A_249 = tpu.memref_squeeze %dma_start3A_248 : memref<1x10000xf32, #tpu.memory_space<hbm>> -> memref<10000xf32, #tpu.memory_space<hbm>>
      %dma_start3A_250 = arith.constant 0 : i32
      %dma_start3A_251 = tpu.memref_slice %arg6[%add3A, %dma_start3A_250] : memref<32x10000xf32, #tpu.memory_space<hbm>> -> memref<1x10000xf32, #tpu.memory_space<hbm>>
      %dma_start3A_252 = tpu.memref_squeeze %dma_start3A_251 : memref<1x10000xf32, #tpu.memory_space<hbm>> -> memref<10000xf32, #tpu.memory_space<hbm>>
      tpu.enqueue_dma source(%arg29 : memref<10000xf32, #tpu.memory_space<vmem>>) target(%dma_start3A_252 : memref<10000xf32, #tpu.memory_space<hbm>>) target_semaphore(%run_scoped3A : memref<!tpu.dma_semaphore, #tpu.memory_space<semaphore_mem>>)
      %dma_wait3A_253 = arith.constant 0 : i32
      %dma_wait3A_254 = tpu.memref_slice %arg6[%add3A, %dma_wait3A_253] : memref<32x10000xf32, #tpu.memory_space<hbm>> -> memref<1x10000xf32, #tpu.memory_space<hbm>>
      %dma_wait3A_255 = tpu.memref_squeeze %dma_wait3A_254 : memref<1x10000xf32, #tpu.memory_space<hbm>> -> memref<10000xf32, #tpu.memory_space<hbm>>
      %dma_wait3A_256 = arith.constant 0 : i32
      %dma_wait3A_257 = tpu.memref_slice %arg6[%add3A, %dma_wait3A_256] : memref<32x10000xf32, #tpu.memory_space<hbm>> -> memref<1x10000xf32, #tpu.memory_space<hbm>>
      %dma_wait3A_258 = tpu.memref_squeeze %dma_wait3A_257 : memref<1x10000xf32, #tpu.memory_space<hbm>> -> memref<10000xf32, #tpu.memory_space<hbm>>
      tpu.wait_dma2 semaphore(%run_scoped3A : memref<!tpu.dma_semaphore, #tpu.memory_space<semaphore_mem>>) src(%arg29 : memref<10000xf32, #tpu.memory_space<vmem>>) dst(%dma_wait3A_258 : memref<10000xf32, #tpu.memory_space<hbm>>)
      tpu.yield
    }) : () -> ()
    return
  }
}

#map = affine_map<(d0, d1) -> (0)>
#map1 = affine_map<(d0, d1) -> (0, 0)>
#map2 = affine_map<(d0, d1) -> (0, 0, 0)>
module attributes {stable_mosaic.version = 14 : i64} {
  func.func @body(%arg0: i32, %arg1: i32, %arg2: memref<320000xi32, #tpu.memory_space<hbm>>, %arg3: memref<320000xi32, #tpu.memory_space<hbm>>, %arg4: memref<10000x128xf32, #tpu.memory_space<hbm>>, %arg5: memref<2x10240x128xf32, #tpu.memory_space<hbm>>, %arg6: memref<80xi32, #tpu.memory_space<vmem>>, %arg7: memref<80xi32, #tpu.memory_space<vmem>>, %arg8: memref<80xi32, #tpu.memory_space<vmem>>, %arg9: memref<80xi32, #tpu.memory_space<vmem>>, %arg10: memref<80xi32, #tpu.memory_space<vmem>>, %arg11: memref<80xi32, #tpu.memory_space<vmem>>, %arg12: memref<80x128xf32, #tpu.memory_space<vmem>>, %arg13: memref<80x128xf32, #tpu.memory_space<vmem>>, %arg14: memref<80x128xf32, #tpu.memory_space<vmem>>, %arg15: memref<10240x128xf32, #tpu.memory_space<vmem_shared>>, %arg16: memref<!tpu.dma_semaphore, #tpu.memory_space<semaphore_mem>>, %arg17: memref<!tpu.dma_semaphore, #tpu.memory_space<semaphore_mem>>, %arg18: memref<!tpu.dma_semaphore, #tpu.memory_space<semaphore_mem>>, %arg19: memref<!tpu.dma_semaphore, #tpu.memory_space<semaphore_mem>>, %arg20: memref<!tpu.dma_semaphore, #tpu.memory_space<semaphore_mem>>, %arg21: memref<!tpu.dma_semaphore, #tpu.memory_space<semaphore_mem>>, %arg22: memref<!tpu.dma_semaphore, #tpu.memory_space<semaphore_mem>>, %arg23: memref<!tpu.dma_semaphore, #tpu.memory_space<semaphore_mem>>, %arg24: memref<!tpu.dma_semaphore, #tpu.memory_space<semaphore_mem>>, %arg25: memref<!tpu.dma_semaphore, #tpu.memory_space<semaphore_mem>>, %arg26: memref<!tpu.dma_semaphore, #tpu.memory_space<semaphore_mem>>, %arg27: memref<!tpu.dma_semaphore, #tpu.memory_space<semaphore_mem>>) attributes {dimension_semantics = [#tpu.dimension_semantics<core_parallel>, #tpu.dimension_semantics<subcore_parallel>], iteration_bounds = array<i64: 2, 16>, scalar_prefetch = 0 : i64, scratch_operands = 22 : i64, tpu.core_type = #tpu.core_type<sc_vector_subcore>, window_params = [{transform_indices = #map}, {transform_indices = #map}, {transform_indices = #map1}, {transform_indices = #map2}]} {
    %mul3A = arith.constant 16 : i32
    %mul3A_0 = arith.muli %arg0, %mul3A : i32
    %add3A = arith.addi %mul3A_0, %arg1 : i32
    %mul3A_1 = arith.constant 10000 : i32
    %mul3A_2 = arith.muli %add3A, %mul3A_1 : i32
    %broadcast_in_dim3A = arith.constant 1.000000e+00 : f32
    %broadcast_in_dim3A_3 = vector.broadcast %broadcast_in_dim3A : f32 to vector<16xf32>
    %add3A_4 = arith.constant 0 : i32
    %add3A_5 = arith.addi %mul3A_2, %add3A_4 : i32
    %dma_start3A = tpu.memref_slice %arg2[%add3A_5] : memref<320000xi32, #tpu.memory_space<hbm>> -> memref<80xi32, #tpu.memory_space<hbm>>
    %dma_start3A_6 = tpu.memref_slice %arg2[%add3A_5] : memref<320000xi32, #tpu.memory_space<hbm>> -> memref<80xi32, #tpu.memory_space<hbm>>
    tpu.enqueue_dma source(%dma_start3A_6 : memref<80xi32, #tpu.memory_space<hbm>>) target(%arg6 : memref<80xi32, #tpu.memory_space<vmem>>) target_semaphore(%arg22 : memref<!tpu.dma_semaphore, #tpu.memory_space<semaphore_mem>>)
    %add3A_7 = arith.constant 80 : i32
    %add3A_8 = arith.addi %mul3A_2, %add3A_7 : i32
    %dma_start3A_9 = tpu.memref_slice %arg2[%add3A_8] : memref<320000xi32, #tpu.memory_space<hbm>> -> memref<80xi32, #tpu.memory_space<hbm>>
    %dma_start3A_10 = tpu.memref_slice %arg2[%add3A_8] : memref<320000xi32, #tpu.memory_space<hbm>> -> memref<80xi32, #tpu.memory_space<hbm>>
    tpu.enqueue_dma source(%dma_start3A_10 : memref<80xi32, #tpu.memory_space<hbm>>) target(%arg7 : memref<80xi32, #tpu.memory_space<vmem>>) target_semaphore(%arg23 : memref<!tpu.dma_semaphore, #tpu.memory_space<semaphore_mem>>)
    %add3A_11 = arith.constant 160 : i32
    %add3A_12 = arith.addi %mul3A_2, %add3A_11 : i32
    %dma_start3A_13 = tpu.memref_slice %arg2[%add3A_12] : memref<320000xi32, #tpu.memory_space<hbm>> -> memref<80xi32, #tpu.memory_space<hbm>>
    %dma_start3A_14 = tpu.memref_slice %arg2[%add3A_12] : memref<320000xi32, #tpu.memory_space<hbm>> -> memref<80xi32, #tpu.memory_space<hbm>>
    tpu.enqueue_dma source(%dma_start3A_14 : memref<80xi32, #tpu.memory_space<hbm>>) target(%arg8 : memref<80xi32, #tpu.memory_space<vmem>>) target_semaphore(%arg24 : memref<!tpu.dma_semaphore, #tpu.memory_space<semaphore_mem>>)
    %add3A_15 = arith.constant 0 : i32
    %add3A_16 = arith.addi %mul3A_2, %add3A_15 : i32
    %dma_start3A_17 = tpu.memref_slice %arg3[%add3A_16] : memref<320000xi32, #tpu.memory_space<hbm>> -> memref<80xi32, #tpu.memory_space<hbm>>
    %dma_start3A_18 = tpu.memref_slice %arg3[%add3A_16] : memref<320000xi32, #tpu.memory_space<hbm>> -> memref<80xi32, #tpu.memory_space<hbm>>
    tpu.enqueue_dma source(%dma_start3A_18 : memref<80xi32, #tpu.memory_space<hbm>>) target(%arg9 : memref<80xi32, #tpu.memory_space<vmem>>) target_semaphore(%arg25 : memref<!tpu.dma_semaphore, #tpu.memory_space<semaphore_mem>>)
    %add3A_19 = arith.constant 80 : i32
    %add3A_20 = arith.addi %mul3A_2, %add3A_19 : i32
    %dma_start3A_21 = tpu.memref_slice %arg3[%add3A_20] : memref<320000xi32, #tpu.memory_space<hbm>> -> memref<80xi32, #tpu.memory_space<hbm>>
    %dma_start3A_22 = tpu.memref_slice %arg3[%add3A_20] : memref<320000xi32, #tpu.memory_space<hbm>> -> memref<80xi32, #tpu.memory_space<hbm>>
    tpu.enqueue_dma source(%dma_start3A_22 : memref<80xi32, #tpu.memory_space<hbm>>) target(%arg10 : memref<80xi32, #tpu.memory_space<vmem>>) target_semaphore(%arg26 : memref<!tpu.dma_semaphore, #tpu.memory_space<semaphore_mem>>)
    %broadcast_in_dim3A_23 = arith.constant 0.000000e+00 : f32
    %broadcast_in_dim3A_24 = vector.broadcast %broadcast_in_dim3A_23 : f32 to vector<16xf32>
    %scan3A = arith.constant 0 : i32
    %scan3A_25 = arith.constant 0 : i32
    %scan3A_26 = arith.constant 80 : i32
    %scan3A_27 = arith.addi %scan3A_25, %scan3A_26 : i32
    %scan3A_28 = arith.constant 1 : i32
    scf.for %scan3A_190 = %scan3A_25 to %scan3A_27 step %scan3A_28  : i32 {
      %swap3A = arith.index_cast %scan3A_190 : i32 to index
      %swap3A_191 = arith.constant 0 : index
      %swap3A_192 = tpu.vector_load %arg12[%swap3A, %swap3A_191] {strides = array<i32>} : memref<80x128xf32, #tpu.memory_space<vmem>>, vector<16xf32>,
      tpu.vector_store %arg12[%swap3A, %swap3A_191], %broadcast_in_dim3A_24 {strides = array<i32>} : memref<80x128xf32, #tpu.memory_space<vmem>>, vector<16xf32>,
      %swap3A_193 = arith.index_cast %scan3A_190 : i32 to index
      %swap3A_194 = arith.constant 16 : index
      %swap3A_195 = tpu.vector_load %arg12[%swap3A_193, %swap3A_194] {strides = array<i32>} : memref<80x128xf32, #tpu.memory_space<vmem>>, vector<16xf32>,
      tpu.vector_store %arg12[%swap3A_193, %swap3A_194], %broadcast_in_dim3A_24 {strides = array<i32>} : memref<80x128xf32, #tpu.memory_space<vmem>>, vector<16xf32>,
      %swap3A_196 = arith.index_cast %scan3A_190 : i32 to index
      %swap3A_197 = arith.constant 32 : index
      %swap3A_198 = tpu.vector_load %arg12[%swap3A_196, %swap3A_197] {strides = array<i32>} : memref<80x128xf32, #tpu.memory_space<vmem>>, vector<16xf32>,
      tpu.vector_store %arg12[%swap3A_196, %swap3A_197], %broadcast_in_dim3A_24 {strides = array<i32>} : memref<80x128xf32, #tpu.memory_space<vmem>>, vector<16xf32>,
      %swap3A_199 = arith.index_cast %scan3A_190 : i32 to index
      %swap3A_200 = arith.constant 48 : index
      %swap3A_201 = tpu.vector_load %arg12[%swap3A_199, %swap3A_200] {strides = array<i32>} : memref<80x128xf32, #tpu.memory_space<vmem>>, vector<16xf32>,
      tpu.vector_store %arg12[%swap3A_199, %swap3A_200], %broadcast_in_dim3A_24 {strides = array<i32>} : memref<80x128xf32, #tpu.memory_space<vmem>>, vector<16xf32>,
      %swap3A_202 = arith.index_cast %scan3A_190 : i32 to index
      %swap3A_203 = arith.constant 64 : index
      %swap3A_204 = tpu.vector_load %arg12[%swap3A_202, %swap3A_203] {strides = array<i32>} : memref<80x128xf32, #tpu.memory_space<vmem>>, vector<16xf32>,
      tpu.vector_store %arg12[%swap3A_202, %swap3A_203], %broadcast_in_dim3A_24 {strides = array<i32>} : memref<80x128xf32, #tpu.memory_space<vmem>>, vector<16xf32>,
      %swap3A_205 = arith.index_cast %scan3A_190 : i32 to index
      %swap3A_206 = arith.constant 80 : index
      %swap3A_207 = tpu.vector_load %arg12[%swap3A_205, %swap3A_206] {strides = array<i32>} : memref<80x128xf32, #tpu.memory_space<vmem>>, vector<16xf32>,
      tpu.vector_store %arg12[%swap3A_205, %swap3A_206], %broadcast_in_dim3A_24 {strides = array<i32>} : memref<80x128xf32, #tpu.memory_space<vmem>>, vector<16xf32>,
      %swap3A_208 = arith.index_cast %scan3A_190 : i32 to index
      %swap3A_209 = arith.constant 96 : index
      %swap3A_210 = tpu.vector_load %arg12[%swap3A_208, %swap3A_209] {strides = array<i32>} : memref<80x128xf32, #tpu.memory_space<vmem>>, vector<16xf32>,
      tpu.vector_store %arg12[%swap3A_208, %swap3A_209], %broadcast_in_dim3A_24 {strides = array<i32>} : memref<80x128xf32, #tpu.memory_space<vmem>>, vector<16xf32>,
      %swap3A_211 = arith.index_cast %scan3A_190 : i32 to index
      %swap3A_212 = arith.constant 112 : index
      %swap3A_213 = tpu.vector_load %arg12[%swap3A_211, %swap3A_212] {strides = array<i32>} : memref<80x128xf32, #tpu.memory_space<vmem>>, vector<16xf32>,
      tpu.vector_store %arg12[%swap3A_211, %swap3A_212], %broadcast_in_dim3A_24 {strides = array<i32>} : memref<80x128xf32, #tpu.memory_space<vmem>>, vector<16xf32>,
    }
    %scan3A_29 = arith.constant 80 : i32
    %mul3A_30 = arith.constant 640 : i32
    %mul3A_31 = arith.muli %arg1, %mul3A_30 : i32
    %add3A_32 = arith.constant 0 : i32
    %add3A_33 = arith.addi %mul3A_31, %add3A_32 : i32
    "tpu.region"() ({
      %run_scoped3A = tpu.sem_alloc : memref<!tpu.dma_semaphore, #tpu.memory_space<semaphore_mem>>
      %dma_start3A_190 = arith.constant 0 : i32
      %dma_start3A_191 = arith.constant 0 : i32
      %dma_start3A_192 = tpu.memref_slice %arg12[%dma_start3A_190, %dma_start3A_191] : memref<80x128xf32, #tpu.memory_space<vmem>> -> memref<80x128xf32, #tpu.memory_space<vmem>>
      %dma_start3A_193 = arith.constant 0 : i32
      %dma_start3A_194 = tpu.memref_slice %arg15[%add3A_33, %dma_start3A_193] : memref<10240x128xf32, #tpu.memory_space<vmem_shared>> -> memref<80x128xf32, #tpu.memory_space<vmem_shared>>
      %dma_start3A_195 = arith.constant 0 : i32
      %dma_start3A_196 = tpu.memref_slice %arg15[%add3A_33, %dma_start3A_195] : memref<10240x128xf32, #tpu.memory_space<vmem_shared>> -> memref<80x128xf32, #tpu.memory_space<vmem_shared>>
      %dma_start3A_197 = arith.constant 0 : i32
      %dma_start3A_198 = arith.constant 0 : i32
      %dma_start3A_199 = tpu.memref_slice %arg12[%dma_start3A_197, %dma_start3A_198] : memref<80x128xf32, #tpu.memory_space<vmem>> -> memref<80x128xf32, #tpu.memory_space<vmem>>
      tpu.enqueue_dma source(%dma_start3A_199 : memref<80x128xf32, #tpu.memory_space<vmem>>) target(%dma_start3A_196 : memref<80x128xf32, #tpu.memory_space<vmem_shared>>) target_semaphore(%run_scoped3A : memref<!tpu.dma_semaphore, #tpu.memory_space<semaphore_mem>>)
      %dma_wait3A_200 = arith.constant 0 : i32
      %dma_wait3A_201 = arith.constant 0 : i32
      %dma_wait3A_202 = tpu.memref_slice %arg12[%dma_wait3A_200, %dma_wait3A_201] : memref<80x128xf32, #tpu.memory_space<vmem>> -> memref<80x128xf32, #tpu.memory_space<vmem>>
      %dma_wait3A_203 = arith.constant 0 : i32
      %dma_wait3A_204 = tpu.memref_slice %arg15[%add3A_33, %dma_wait3A_203] : memref<10240x128xf32, #tpu.memory_space<vmem_shared>> -> memref<80x128xf32, #tpu.memory_space<vmem_shared>>
      %dma_wait3A_205 = arith.constant 0 : i32
      %dma_wait3A_206 = tpu.memref_slice %arg15[%add3A_33, %dma_wait3A_205] : memref<10240x128xf32, #tpu.memory_space<vmem_shared>> -> memref<80x128xf32, #tpu.memory_space<vmem_shared>>
      %dma_wait3A_207 = arith.constant 0 : i32
      %dma_wait3A_208 = arith.constant 0 : i32
      %dma_wait3A_209 = tpu.memref_slice %arg12[%dma_wait3A_207, %dma_wait3A_208] : memref<80x128xf32, #tpu.memory_space<vmem>> -> memref<80x128xf32, #tpu.memory_space<vmem>>
      tpu.wait_dma2 semaphore(%run_scoped3A : memref<!tpu.dma_semaphore, #tpu.memory_space<semaphore_mem>>) src(%dma_wait3A_209 : memref<80x128xf32, #tpu.memory_space<vmem>>) dst(%dma_wait3A_206 : memref<80x128xf32, #tpu.memory_space<vmem_shared>>)
      tpu.yield
    }) : () -> ()
    %mul3A_34 = arith.constant 640 : i32
    %mul3A_35 = arith.muli %arg1, %mul3A_34 : i32
    %add3A_36 = arith.constant 80 : i32
    %add3A_37 = arith.addi %mul3A_35, %add3A_36 : i32
    "tpu.region"() ({
      %run_scoped3A = tpu.sem_alloc : memref<!tpu.dma_semaphore, #tpu.memory_space<semaphore_mem>>
      %dma_start3A_190 = arith.constant 0 : i32
      %dma_start3A_191 = arith.constant 0 : i32
      %dma_start3A_192 = tpu.memref_slice %arg12[%dma_start3A_190, %dma_start3A_191] : memref<80x128xf32, #tpu.memory_space<vmem>> -> memref<80x128xf32, #tpu.memory_space<vmem>>
      %dma_start3A_193 = arith.constant 0 : i32
      %dma_start3A_194 = tpu.memref_slice %arg15[%add3A_37, %dma_start3A_193] : memref<10240x128xf32, #tpu.memory_space<vmem_shared>> -> memref<80x128xf32, #tpu.memory_space<vmem_shared>>
      %dma_start3A_195 = arith.constant 0 : i32
      %dma_start3A_196 = tpu.memref_slice %arg15[%add3A_37, %dma_start3A_195] : memref<10240x128xf32, #tpu.memory_space<vmem_shared>> -> memref<80x128xf32, #tpu.memory_space<vmem_shared>>
      %dma_start3A_197 = arith.constant 0 : i32
      %dma_start3A_198 = arith.constant 0 : i32
      %dma_start3A_199 = tpu.memref_slice %arg12[%dma_start3A_197, %dma_start3A_198] : memref<80x128xf32, #tpu.memory_space<vmem>> -> memref<80x128xf32, #tpu.memory_space<vmem>>
      tpu.enqueue_dma source(%dma_start3A_199 : memref<80x128xf32, #tpu.memory_space<vmem>>) target(%dma_start3A_196 : memref<80x128xf32, #tpu.memory_space<vmem_shared>>) target_semaphore(%run_scoped3A : memref<!tpu.dma_semaphore, #tpu.memory_space<semaphore_mem>>)
      %dma_wait3A_200 = arith.constant 0 : i32
      %dma_wait3A_201 = arith.constant 0 : i32
      %dma_wait3A_202 = tpu.memref_slice %arg12[%dma_wait3A_200, %dma_wait3A_201] : memref<80x128xf32, #tpu.memory_space<vmem>> -> memref<80x128xf32, #tpu.memory_space<vmem>>
      %dma_wait3A_203 = arith.constant 0 : i32
      %dma_wait3A_204 = tpu.memref_slice %arg15[%add3A_37, %dma_wait3A_203] : memref<10240x128xf32, #tpu.memory_space<vmem_shared>> -> memref<80x128xf32, #tpu.memory_space<vmem_shared>>
      %dma_wait3A_205 = arith.constant 0 : i32
      %dma_wait3A_206 = tpu.memref_slice %arg15[%add3A_37, %dma_wait3A_205] : memref<10240x128xf32, #tpu.memory_space<vmem_shared>> -> memref<80x128xf32, #tpu.memory_space<vmem_shared>>
      %dma_wait3A_207 = arith.constant 0 : i32
      %dma_wait3A_208 = arith.constant 0 : i32
      %dma_wait3A_209 = tpu.memref_slice %arg12[%dma_wait3A_207, %dma_wait3A_208] : memref<80x128xf32, #tpu.memory_space<vmem>> -> memref<80x128xf32, #tpu.memory_space<vmem>>
      tpu.wait_dma2 semaphore(%run_scoped3A : memref<!tpu.dma_semaphore, #tpu.memory_space<semaphore_mem>>) src(%dma_wait3A_209 : memref<80x128xf32, #tpu.memory_space<vmem>>) dst(%dma_wait3A_206 : memref<80x128xf32, #tpu.memory_space<vmem_shared>>)
      tpu.yield
    }) : () -> ()
    %mul3A_38 = arith.constant 640 : i32
    %mul3A_39 = arith.muli %arg1, %mul3A_38 : i32
    %add3A_40 = arith.constant 160 : i32
    %add3A_41 = arith.addi %mul3A_39, %add3A_40 : i32
    "tpu.region"() ({
      %run_scoped3A = tpu.sem_alloc : memref<!tpu.dma_semaphore, #tpu.memory_space<semaphore_mem>>
      %dma_start3A_190 = arith.constant 0 : i32
      %dma_start3A_191 = arith.constant 0 : i32
      %dma_start3A_192 = tpu.memref_slice %arg12[%dma_start3A_190, %dma_start3A_191] : memref<80x128xf32, #tpu.memory_space<vmem>> -> memref<80x128xf32, #tpu.memory_space<vmem>>
      %dma_start3A_193 = arith.constant 0 : i32
      %dma_start3A_194 = tpu.memref_slice %arg15[%add3A_41, %dma_start3A_193] : memref<10240x128xf32, #tpu.memory_space<vmem_shared>> -> memref<80x128xf32, #tpu.memory_space<vmem_shared>>
      %dma_start3A_195 = arith.constant 0 : i32
      %dma_start3A_196 = tpu.memref_slice %arg15[%add3A_41, %dma_start3A_195] : memref<10240x128xf32, #tpu.memory_space<vmem_shared>> -> memref<80x128xf32, #tpu.memory_space<vmem_shared>>
      %dma_start3A_197 = arith.constant 0 : i32
      %dma_start3A_198 = arith.constant 0 : i32
      %dma_start3A_199 = tpu.memref_slice %arg12[%dma_start3A_197, %dma_start3A_198] : memref<80x128xf32, #tpu.memory_space<vmem>> -> memref<80x128xf32, #tpu.memory_space<vmem>>
      tpu.enqueue_dma source(%dma_start3A_199 : memref<80x128xf32, #tpu.memory_space<vmem>>) target(%dma_start3A_196 : memref<80x128xf32, #tpu.memory_space<vmem_shared>>) target_semaphore(%run_scoped3A : memref<!tpu.dma_semaphore, #tpu.memory_space<semaphore_mem>>)
      %dma_wait3A_200 = arith.constant 0 : i32
      %dma_wait3A_201 = arith.constant 0 : i32
      %dma_wait3A_202 = tpu.memref_slice %arg12[%dma_wait3A_200, %dma_wait3A_201] : memref<80x128xf32, #tpu.memory_space<vmem>> -> memref<80x128xf32, #tpu.memory_space<vmem>>
      %dma_wait3A_203 = arith.constant 0 : i32
      %dma_wait3A_204 = tpu.memref_slice %arg15[%add3A_41, %dma_wait3A_203] : memref<10240x128xf32, #tpu.memory_space<vmem_shared>> -> memref<80x128xf32, #tpu.memory_space<vmem_shared>>
      %dma_wait3A_205 = arith.constant 0 : i32
      %dma_wait3A_206 = tpu.memref_slice %arg15[%add3A_41, %dma_wait3A_205] : memref<10240x128xf32, #tpu.memory_space<vmem_shared>> -> memref<80x128xf32, #tpu.memory_space<vmem_shared>>
      %dma_wait3A_207 = arith.constant 0 : i32
      %dma_wait3A_208 = arith.constant 0 : i32
      %dma_wait3A_209 = tpu.memref_slice %arg12[%dma_wait3A_207, %dma_wait3A_208] : memref<80x128xf32, #tpu.memory_space<vmem>> -> memref<80x128xf32, #tpu.memory_space<vmem>>
      tpu.wait_dma2 semaphore(%run_scoped3A : memref<!tpu.dma_semaphore, #tpu.memory_space<semaphore_mem>>) src(%dma_wait3A_209 : memref<80x128xf32, #tpu.memory_space<vmem>>) dst(%dma_wait3A_206 : memref<80x128xf32, #tpu.memory_space<vmem_shared>>)
      tpu.yield
    }) : () -> ()
    %mul3A_42 = arith.constant 640 : i32
    %mul3A_43 = arith.muli %arg1, %mul3A_42 : i32
    %add3A_44 = arith.constant 240 : i32
    %add3A_45 = arith.addi %mul3A_43, %add3A_44 : i32
    "tpu.region"() ({
      %run_scoped3A = tpu.sem_alloc : memref<!tpu.dma_semaphore, #tpu.memory_space<semaphore_mem>>
      %dma_start3A_190 = arith.constant 0 : i32
      %dma_start3A_191 = arith.constant 0 : i32
      %dma_start3A_192 = tpu.memref_slice %arg12[%dma_start3A_190, %dma_start3A_191] : memref<80x128xf32, #tpu.memory_space<vmem>> -> memref<80x128xf32, #tpu.memory_space<vmem>>
      %dma_start3A_193 = arith.constant 0 : i32
      %dma_start3A_194 = tpu.memref_slice %arg15[%add3A_45, %dma_start3A_193] : memref<10240x128xf32, #tpu.memory_space<vmem_shared>> -> memref<80x128xf32, #tpu.memory_space<vmem_shared>>
      %dma_start3A_195 = arith.constant 0 : i32
      %dma_start3A_196 = tpu.memref_slice %arg15[%add3A_45, %dma_start3A_195] : memref<10240x128xf32, #tpu.memory_space<vmem_shared>> -> memref<80x128xf32, #tpu.memory_space<vmem_shared>>
      %dma_start3A_197 = arith.constant 0 : i32
      %dma_start3A_198 = arith.constant 0 : i32
      %dma_start3A_199 = tpu.memref_slice %arg12[%dma_start3A_197, %dma_start3A_198] : memref<80x128xf32, #tpu.memory_space<vmem>> -> memref<80x128xf32, #tpu.memory_space<vmem>>
      tpu.enqueue_dma source(%dma_start3A_199 : memref<80x128xf32, #tpu.memory_space<vmem>>) target(%dma_start3A_196 : memref<80x128xf32, #tpu.memory_space<vmem_shared>>) target_semaphore(%run_scoped3A : memref<!tpu.dma_semaphore, #tpu.memory_space<semaphore_mem>>)
      %dma_wait3A_200 = arith.constant 0 : i32
      %dma_wait3A_201 = arith.constant 0 : i32
      %dma_wait3A_202 = tpu.memref_slice %arg12[%dma_wait3A_200, %dma_wait3A_201] : memref<80x128xf32, #tpu.memory_space<vmem>> -> memref<80x128xf32, #tpu.memory_space<vmem>>
      %dma_wait3A_203 = arith.constant 0 : i32
      %dma_wait3A_204 = tpu.memref_slice %arg15[%add3A_45, %dma_wait3A_203] : memref<10240x128xf32, #tpu.memory_space<vmem_shared>> -> memref<80x128xf32, #tpu.memory_space<vmem_shared>>
      %dma_wait3A_205 = arith.constant 0 : i32
      %dma_wait3A_206 = tpu.memref_slice %arg15[%add3A_45, %dma_wait3A_205] : memref<10240x128xf32, #tpu.memory_space<vmem_shared>> -> memref<80x128xf32, #tpu.memory_space<vmem_shared>>
      %dma_wait3A_207 = arith.constant 0 : i32
      %dma_wait3A_208 = arith.constant 0 : i32
      %dma_wait3A_209 = tpu.memref_slice %arg12[%dma_wait3A_207, %dma_wait3A_208] : memref<80x128xf32, #tpu.memory_space<vmem>> -> memref<80x128xf32, #tpu.memory_space<vmem>>
      tpu.wait_dma2 semaphore(%run_scoped3A : memref<!tpu.dma_semaphore, #tpu.memory_space<semaphore_mem>>) src(%dma_wait3A_209 : memref<80x128xf32, #tpu.memory_space<vmem>>) dst(%dma_wait3A_206 : memref<80x128xf32, #tpu.memory_space<vmem_shared>>)
      tpu.yield
    }) : () -> ()
    %mul3A_46 = arith.constant 640 : i32
    %mul3A_47 = arith.muli %arg1, %mul3A_46 : i32
    %add3A_48 = arith.constant 320 : i32
    %add3A_49 = arith.addi %mul3A_47, %add3A_48 : i32
    "tpu.region"() ({
      %run_scoped3A = tpu.sem_alloc : memref<!tpu.dma_semaphore, #tpu.memory_space<semaphore_mem>>
      %dma_start3A_190 = arith.constant 0 : i32
      %dma_start3A_191 = arith.constant 0 : i32
      %dma_start3A_192 = tpu.memref_slice %arg12[%dma_start3A_190, %dma_start3A_191] : memref<80x128xf32, #tpu.memory_space<vmem>> -> memref<80x128xf32, #tpu.memory_space<vmem>>
      %dma_start3A_193 = arith.constant 0 : i32
      %dma_start3A_194 = tpu.memref_slice %arg15[%add3A_49, %dma_start3A_193] : memref<10240x128xf32, #tpu.memory_space<vmem_shared>> -> memref<80x128xf32, #tpu.memory_space<vmem_shared>>
      %dma_start3A_195 = arith.constant 0 : i32
      %dma_start3A_196 = tpu.memref_slice %arg15[%add3A_49, %dma_start3A_195] : memref<10240x128xf32, #tpu.memory_space<vmem_shared>> -> memref<80x128xf32, #tpu.memory_space<vmem_shared>>
      %dma_start3A_197 = arith.constant 0 : i32
      %dma_start3A_198 = arith.constant 0 : i32
      %dma_start3A_199 = tpu.memref_slice %arg12[%dma_start3A_197, %dma_start3A_198] : memref<80x128xf32, #tpu.memory_space<vmem>> -> memref<80x128xf32, #tpu.memory_space<vmem>>
      tpu.enqueue_dma source(%dma_start3A_199 : memref<80x128xf32, #tpu.memory_space<vmem>>) target(%dma_start3A_196 : memref<80x128xf32, #tpu.memory_space<vmem_shared>>) target_semaphore(%run_scoped3A : memref<!tpu.dma_semaphore, #tpu.memory_space<semaphore_mem>>)
      %dma_wait3A_200 = arith.constant 0 : i32
      %dma_wait3A_201 = arith.constant 0 : i32
      %dma_wait3A_202 = tpu.memref_slice %arg12[%dma_wait3A_200, %dma_wait3A_201] : memref<80x128xf32, #tpu.memory_space<vmem>> -> memref<80x128xf32, #tpu.memory_space<vmem>>
      %dma_wait3A_203 = arith.constant 0 : i32
      %dma_wait3A_204 = tpu.memref_slice %arg15[%add3A_49, %dma_wait3A_203] : memref<10240x128xf32, #tpu.memory_space<vmem_shared>> -> memref<80x128xf32, #tpu.memory_space<vmem_shared>>
      %dma_wait3A_205 = arith.constant 0 : i32
      %dma_wait3A_206 = tpu.memref_slice %arg15[%add3A_49, %dma_wait3A_205] : memref<10240x128xf32, #tpu.memory_space<vmem_shared>> -> memref<80x128xf32, #tpu.memory_space<vmem_shared>>
      %dma_wait3A_207 = arith.constant 0 : i32
      %dma_wait3A_208 = arith.constant 0 : i32
      %dma_wait3A_209 = tpu.memref_slice %arg12[%dma_wait3A_207, %dma_wait3A_208] : memref<80x128xf32, #tpu.memory_space<vmem>> -> memref<80x128xf32, #tpu.memory_space<vmem>>
      tpu.wait_dma2 semaphore(%run_scoped3A : memref<!tpu.dma_semaphore, #tpu.memory_space<semaphore_mem>>) src(%dma_wait3A_209 : memref<80x128xf32, #tpu.memory_space<vmem>>) dst(%dma_wait3A_206 : memref<80x128xf32, #tpu.memory_space<vmem_shared>>)
      tpu.yield
    }) : () -> ()
    %mul3A_50 = arith.constant 640 : i32
    %mul3A_51 = arith.muli %arg1, %mul3A_50 : i32
    %add3A_52 = arith.constant 400 : i32
    %add3A_53 = arith.addi %mul3A_51, %add3A_52 : i32
    "tpu.region"() ({
      %run_scoped3A = tpu.sem_alloc : memref<!tpu.dma_semaphore, #tpu.memory_space<semaphore_mem>>
      %dma_start3A_190 = arith.constant 0 : i32
      %dma_start3A_191 = arith.constant 0 : i32
      %dma_start3A_192 = tpu.memref_slice %arg12[%dma_start3A_190, %dma_start3A_191] : memref<80x128xf32, #tpu.memory_space<vmem>> -> memref<80x128xf32, #tpu.memory_space<vmem>>
      %dma_start3A_193 = arith.constant 0 : i32
      %dma_start3A_194 = tpu.memref_slice %arg15[%add3A_53, %dma_start3A_193] : memref<10240x128xf32, #tpu.memory_space<vmem_shared>> -> memref<80x128xf32, #tpu.memory_space<vmem_shared>>
      %dma_start3A_195 = arith.constant 0 : i32
      %dma_start3A_196 = tpu.memref_slice %arg15[%add3A_53, %dma_start3A_195] : memref<10240x128xf32, #tpu.memory_space<vmem_shared>> -> memref<80x128xf32, #tpu.memory_space<vmem_shared>>
      %dma_start3A_197 = arith.constant 0 : i32
      %dma_start3A_198 = arith.constant 0 : i32
      %dma_start3A_199 = tpu.memref_slice %arg12[%dma_start3A_197, %dma_start3A_198] : memref<80x128xf32, #tpu.memory_space<vmem>> -> memref<80x128xf32, #tpu.memory_space<vmem>>
      tpu.enqueue_dma source(%dma_start3A_199 : memref<80x128xf32, #tpu.memory_space<vmem>>) target(%dma_start3A_196 : memref<80x128xf32, #tpu.memory_space<vmem_shared>>) target_semaphore(%run_scoped3A : memref<!tpu.dma_semaphore, #tpu.memory_space<semaphore_mem>>)
      %dma_wait3A_200 = arith.constant 0 : i32
      %dma_wait3A_201 = arith.constant 0 : i32
      %dma_wait3A_202 = tpu.memref_slice %arg12[%dma_wait3A_200, %dma_wait3A_201] : memref<80x128xf32, #tpu.memory_space<vmem>> -> memref<80x128xf32, #tpu.memory_space<vmem>>
      %dma_wait3A_203 = arith.constant 0 : i32
      %dma_wait3A_204 = tpu.memref_slice %arg15[%add3A_53, %dma_wait3A_203] : memref<10240x128xf32, #tpu.memory_space<vmem_shared>> -> memref<80x128xf32, #tpu.memory_space<vmem_shared>>
      %dma_wait3A_205 = arith.constant 0 : i32
      %dma_wait3A_206 = tpu.memref_slice %arg15[%add3A_53, %dma_wait3A_205] : memref<10240x128xf32, #tpu.memory_space<vmem_shared>> -> memref<80x128xf32, #tpu.memory_space<vmem_shared>>
      %dma_wait3A_207 = arith.constant 0 : i32
      %dma_wait3A_208 = arith.constant 0 : i32
      %dma_wait3A_209 = tpu.memref_slice %arg12[%dma_wait3A_207, %dma_wait3A_208] : memref<80x128xf32, #tpu.memory_space<vmem>> -> memref<80x128xf32, #tpu.memory_space<vmem>>
      tpu.wait_dma2 semaphore(%run_scoped3A : memref<!tpu.dma_semaphore, #tpu.memory_space<semaphore_mem>>) src(%dma_wait3A_209 : memref<80x128xf32, #tpu.memory_space<vmem>>) dst(%dma_wait3A_206 : memref<80x128xf32, #tpu.memory_space<vmem_shared>>)
      tpu.yield
    }) : () -> ()
    %mul3A_54 = arith.constant 640 : i32
    %mul3A_55 = arith.muli %arg1, %mul3A_54 : i32
    %add3A_56 = arith.constant 480 : i32
    %add3A_57 = arith.addi %mul3A_55, %add3A_56 : i32
    "tpu.region"() ({
      %run_scoped3A = tpu.sem_alloc : memref<!tpu.dma_semaphore, #tpu.memory_space<semaphore_mem>>
      %dma_start3A_190 = arith.constant 0 : i32
      %dma_start3A_191 = arith.constant 0 : i32
      %dma_start3A_192 = tpu.memref_slice %arg12[%dma_start3A_190, %dma_start3A_191] : memref<80x128xf32, #tpu.memory_space<vmem>> -> memref<80x128xf32, #tpu.memory_space<vmem>>
      %dma_start3A_193 = arith.constant 0 : i32
      %dma_start3A_194 = tpu.memref_slice %arg15[%add3A_57, %dma_start3A_193] : memref<10240x128xf32, #tpu.memory_space<vmem_shared>> -> memref<80x128xf32, #tpu.memory_space<vmem_shared>>
      %dma_start3A_195 = arith.constant 0 : i32
      %dma_start3A_196 = tpu.memref_slice %arg15[%add3A_57, %dma_start3A_195] : memref<10240x128xf32, #tpu.memory_space<vmem_shared>> -> memref<80x128xf32, #tpu.memory_space<vmem_shared>>
      %dma_start3A_197 = arith.constant 0 : i32
      %dma_start3A_198 = arith.constant 0 : i32
      %dma_start3A_199 = tpu.memref_slice %arg12[%dma_start3A_197, %dma_start3A_198] : memref<80x128xf32, #tpu.memory_space<vmem>> -> memref<80x128xf32, #tpu.memory_space<vmem>>
      tpu.enqueue_dma source(%dma_start3A_199 : memref<80x128xf32, #tpu.memory_space<vmem>>) target(%dma_start3A_196 : memref<80x128xf32, #tpu.memory_space<vmem_shared>>) target_semaphore(%run_scoped3A : memref<!tpu.dma_semaphore, #tpu.memory_space<semaphore_mem>>)
      %dma_wait3A_200 = arith.constant 0 : i32
      %dma_wait3A_201 = arith.constant 0 : i32
      %dma_wait3A_202 = tpu.memref_slice %arg12[%dma_wait3A_200, %dma_wait3A_201] : memref<80x128xf32, #tpu.memory_space<vmem>> -> memref<80x128xf32, #tpu.memory_space<vmem>>
      %dma_wait3A_203 = arith.constant 0 : i32
      %dma_wait3A_204 = tpu.memref_slice %arg15[%add3A_57, %dma_wait3A_203] : memref<10240x128xf32, #tpu.memory_space<vmem_shared>> -> memref<80x128xf32, #tpu.memory_space<vmem_shared>>
      %dma_wait3A_205 = arith.constant 0 : i32
      %dma_wait3A_206 = tpu.memref_slice %arg15[%add3A_57, %dma_wait3A_205] : memref<10240x128xf32, #tpu.memory_space<vmem_shared>> -> memref<80x128xf32, #tpu.memory_space<vmem_shared>>
      %dma_wait3A_207 = arith.constant 0 : i32
      %dma_wait3A_208 = arith.constant 0 : i32
      %dma_wait3A_209 = tpu.memref_slice %arg12[%dma_wait3A_207, %dma_wait3A_208] : memref<80x128xf32, #tpu.memory_space<vmem>> -> memref<80x128xf32, #tpu.memory_space<vmem>>
      tpu.wait_dma2 semaphore(%run_scoped3A : memref<!tpu.dma_semaphore, #tpu.memory_space<semaphore_mem>>) src(%dma_wait3A_209 : memref<80x128xf32, #tpu.memory_space<vmem>>) dst(%dma_wait3A_206 : memref<80x128xf32, #tpu.memory_space<vmem_shared>>)
      tpu.yield
    }) : () -> ()
    %mul3A_58 = arith.constant 640 : i32
    %mul3A_59 = arith.muli %arg1, %mul3A_58 : i32
    %add3A_60 = arith.constant 560 : i32
    %add3A_61 = arith.addi %mul3A_59, %add3A_60 : i32
    "tpu.region"() ({
      %run_scoped3A = tpu.sem_alloc : memref<!tpu.dma_semaphore, #tpu.memory_space<semaphore_mem>>
      %dma_start3A_190 = arith.constant 0 : i32
      %dma_start3A_191 = arith.constant 0 : i32
      %dma_start3A_192 = tpu.memref_slice %arg12[%dma_start3A_190, %dma_start3A_191] : memref<80x128xf32, #tpu.memory_space<vmem>> -> memref<80x128xf32, #tpu.memory_space<vmem>>
      %dma_start3A_193 = arith.constant 0 : i32
      %dma_start3A_194 = tpu.memref_slice %arg15[%add3A_61, %dma_start3A_193] : memref<10240x128xf32, #tpu.memory_space<vmem_shared>> -> memref<80x128xf32, #tpu.memory_space<vmem_shared>>
      %dma_start3A_195 = arith.constant 0 : i32
      %dma_start3A_196 = tpu.memref_slice %arg15[%add3A_61, %dma_start3A_195] : memref<10240x128xf32, #tpu.memory_space<vmem_shared>> -> memref<80x128xf32, #tpu.memory_space<vmem_shared>>
      %dma_start3A_197 = arith.constant 0 : i32
      %dma_start3A_198 = arith.constant 0 : i32
      %dma_start3A_199 = tpu.memref_slice %arg12[%dma_start3A_197, %dma_start3A_198] : memref<80x128xf32, #tpu.memory_space<vmem>> -> memref<80x128xf32, #tpu.memory_space<vmem>>
      tpu.enqueue_dma source(%dma_start3A_199 : memref<80x128xf32, #tpu.memory_space<vmem>>) target(%dma_start3A_196 : memref<80x128xf32, #tpu.memory_space<vmem_shared>>) target_semaphore(%run_scoped3A : memref<!tpu.dma_semaphore, #tpu.memory_space<semaphore_mem>>)
      %dma_wait3A_200 = arith.constant 0 : i32
      %dma_wait3A_201 = arith.constant 0 : i32
      %dma_wait3A_202 = tpu.memref_slice %arg12[%dma_wait3A_200, %dma_wait3A_201] : memref<80x128xf32, #tpu.memory_space<vmem>> -> memref<80x128xf32, #tpu.memory_space<vmem>>
      %dma_wait3A_203 = arith.constant 0 : i32
      %dma_wait3A_204 = tpu.memref_slice %arg15[%add3A_61, %dma_wait3A_203] : memref<10240x128xf32, #tpu.memory_space<vmem_shared>> -> memref<80x128xf32, #tpu.memory_space<vmem_shared>>
      %dma_wait3A_205 = arith.constant 0 : i32
      %dma_wait3A_206 = tpu.memref_slice %arg15[%add3A_61, %dma_wait3A_205] : memref<10240x128xf32, #tpu.memory_space<vmem_shared>> -> memref<80x128xf32, #tpu.memory_space<vmem_shared>>
      %dma_wait3A_207 = arith.constant 0 : i32
      %dma_wait3A_208 = arith.constant 0 : i32
      %dma_wait3A_209 = tpu.memref_slice %arg12[%dma_wait3A_207, %dma_wait3A_208] : memref<80x128xf32, #tpu.memory_space<vmem>> -> memref<80x128xf32, #tpu.memory_space<vmem>>
      tpu.wait_dma2 semaphore(%run_scoped3A : memref<!tpu.dma_semaphore, #tpu.memory_space<semaphore_mem>>) src(%dma_wait3A_209 : memref<80x128xf32, #tpu.memory_space<vmem>>) dst(%dma_wait3A_206 : memref<80x128xf32, #tpu.memory_space<vmem_shared>>)
      tpu.yield
    }) : () -> ()
    %add3A_62 = arith.constant 0 : i32
    %add3A_63 = arith.addi %mul3A_2, %add3A_62 : i32
    %dma_wait3A = tpu.memref_slice %arg2[%add3A_63] : memref<320000xi32, #tpu.memory_space<hbm>> -> memref<80xi32, #tpu.memory_space<hbm>>
    %dma_wait3A_64 = tpu.memref_slice %arg2[%add3A_63] : memref<320000xi32, #tpu.memory_space<hbm>> -> memref<80xi32, #tpu.memory_space<hbm>>
    tpu.wait_dma2 semaphore(%arg22 : memref<!tpu.dma_semaphore, #tpu.memory_space<semaphore_mem>>) src(%dma_wait3A_64 : memref<80xi32, #tpu.memory_space<hbm>>) dst(%arg6 : memref<80xi32, #tpu.memory_space<vmem>>)
    %dma_start3A_65 = arith.constant 0 : i32
    %dma_start3A_66 = arith.constant 0 : i32
    %dma_start3A_67 = tpu.memref_slice %arg4[%dma_start3A_65, %dma_start3A_66] : memref<10000x128xf32, #tpu.memory_space<hbm>> -> memref<10000x128xf32, #tpu.memory_space<hbm>>
    tpu.enqueue_indirect_dma source(%dma_start3A_67 : memref<10000x128xf32, #tpu.memory_space<hbm>>) target(%arg12 : memref<80x128xf32, #tpu.memory_space<vmem>>) offsets(%arg6 : memref<80xi32, #tpu.memory_space<vmem>>) semaphore(%arg16 : memref<!tpu.dma_semaphore, #tpu.memory_space<semaphore_mem>>)
    %add3A_68 = arith.constant 80 : i32
    %add3A_69 = arith.addi %mul3A_2, %add3A_68 : i32
    %dma_wait3A_70 = tpu.memref_slice %arg2[%add3A_69] : memref<320000xi32, #tpu.memory_space<hbm>> -> memref<80xi32, #tpu.memory_space<hbm>>
    %dma_wait3A_71 = tpu.memref_slice %arg2[%add3A_69] : memref<320000xi32, #tpu.memory_space<hbm>> -> memref<80xi32, #tpu.memory_space<hbm>>
    tpu.wait_dma2 semaphore(%arg23 : memref<!tpu.dma_semaphore, #tpu.memory_space<semaphore_mem>>) src(%dma_wait3A_71 : memref<80xi32, #tpu.memory_space<hbm>>) dst(%arg7 : memref<80xi32, #tpu.memory_space<vmem>>)
    %dma_start3A_72 = arith.constant 0 : i32
    %dma_start3A_73 = arith.constant 0 : i32
    %dma_start3A_74 = tpu.memref_slice %arg4[%dma_start3A_72, %dma_start3A_73] : memref<10000x128xf32, #tpu.memory_space<hbm>> -> memref<10000x128xf32, #tpu.memory_space<hbm>>
    tpu.enqueue_indirect_dma source(%dma_start3A_74 : memref<10000x128xf32, #tpu.memory_space<hbm>>) target(%arg13 : memref<80x128xf32, #tpu.memory_space<vmem>>) offsets(%arg7 : memref<80xi32, #tpu.memory_space<vmem>>) semaphore(%arg17 : memref<!tpu.dma_semaphore, #tpu.memory_space<semaphore_mem>>)
    %barrier3A = arith.constant 0 : index
    tpu.barrier barrier_id(%barrier3A)
    %dma_wait3A_75 = arith.constant 0 : i32
    %dma_wait3A_76 = arith.constant 0 : i32
    %dma_wait3A_77 = tpu.memref_slice %arg4[%dma_wait3A_75, %dma_wait3A_76] : memref<10000x128xf32, #tpu.memory_space<hbm>> -> memref<10000x128xf32, #tpu.memory_space<hbm>>
    tpu.wait_indirect_dma semaphore(%arg16 : memref<!tpu.dma_semaphore, #tpu.memory_space<semaphore_mem>>) src(%dma_wait3A_77 : memref<10000x128xf32, #tpu.memory_space<hbm>>) dst(%arg12 : memref<80x128xf32, #tpu.memory_space<vmem>>)
    %add3A_78 = arith.constant 0 : i32
    %add3A_79 = arith.addi %mul3A_2, %add3A_78 : i32
    %dma_wait3A_80 = tpu.memref_slice %arg3[%add3A_79] : memref<320000xi32, #tpu.memory_space<hbm>> -> memref<80xi32, #tpu.memory_space<hbm>>
    %dma_wait3A_81 = tpu.memref_slice %arg3[%add3A_79] : memref<320000xi32, #tpu.memory_space<hbm>> -> memref<80xi32, #tpu.memory_space<hbm>>
    tpu.wait_dma2 semaphore(%arg25 : memref<!tpu.dma_semaphore, #tpu.memory_space<semaphore_mem>>) src(%dma_wait3A_81 : memref<80xi32, #tpu.memory_space<hbm>>) dst(%arg9 : memref<80xi32, #tpu.memory_space<vmem>>)
    %dma_start3A_82 = arith.constant 0 : i32
    %dma_start3A_83 = arith.constant 0 : i32
    %dma_start3A_84 = tpu.memref_slice %arg15[%dma_start3A_82, %dma_start3A_83] : memref<10240x128xf32, #tpu.memory_space<vmem_shared>> -> memref<10240x128xf32, #tpu.memory_space<vmem_shared>>
    tpu.enqueue_indirect_dma source(%arg12 : memref<80x128xf32, #tpu.memory_space<vmem>>) target(%dma_start3A_84 : memref<10240x128xf32, #tpu.memory_space<vmem_shared>>) offsets(%arg9 : memref<80xi32, #tpu.memory_space<vmem>>) semaphore(%arg19 : memref<!tpu.dma_semaphore, #tpu.memory_space<semaphore_mem>>) {add = true}
    %add3A_85 = arith.constant 240 : i32
    %add3A_86 = arith.addi %mul3A_2, %add3A_85 : i32
    %dma_start3A_87 = tpu.memref_slice %arg2[%add3A_86] : memref<320000xi32, #tpu.memory_space<hbm>> -> memref<80xi32, #tpu.memory_space<hbm>>
    %dma_start3A_88 = tpu.memref_slice %arg2[%add3A_86] : memref<320000xi32, #tpu.memory_space<hbm>> -> memref<80xi32, #tpu.memory_space<hbm>>
    tpu.enqueue_dma source(%dma_start3A_88 : memref<80xi32, #tpu.memory_space<hbm>>) target(%arg6 : memref<80xi32, #tpu.memory_space<vmem>>) target_semaphore(%arg22 : memref<!tpu.dma_semaphore, #tpu.memory_space<semaphore_mem>>)
    %add3A_89 = arith.constant 160 : i32
    %add3A_90 = arith.addi %mul3A_2, %add3A_89 : i32
    %dma_start3A_91 = tpu.memref_slice %arg3[%add3A_90] : memref<320000xi32, #tpu.memory_space<hbm>> -> memref<80xi32, #tpu.memory_space<hbm>>
    %dma_start3A_92 = tpu.memref_slice %arg3[%add3A_90] : memref<320000xi32, #tpu.memory_space<hbm>> -> memref<80xi32, #tpu.memory_space<hbm>>
    tpu.enqueue_dma source(%dma_start3A_92 : memref<80xi32, #tpu.memory_space<hbm>>) target(%arg11 : memref<80xi32, #tpu.memory_space<vmem>>) target_semaphore(%arg27 : memref<!tpu.dma_semaphore, #tpu.memory_space<semaphore_mem>>)
    %add3A_93 = arith.constant 160 : i32
    %add3A_94 = arith.addi %mul3A_2, %add3A_93 : i32
    %dma_wait3A_95 = tpu.memref_slice %arg2[%add3A_94] : memref<320000xi32, #tpu.memory_space<hbm>> -> memref<80xi32, #tpu.memory_space<hbm>>
    %dma_wait3A_96 = tpu.memref_slice %arg2[%add3A_94] : memref<320000xi32, #tpu.memory_space<hbm>> -> memref<80xi32, #tpu.memory_space<hbm>>
    tpu.wait_dma2 semaphore(%arg24 : memref<!tpu.dma_semaphore, #tpu.memory_space<semaphore_mem>>) src(%dma_wait3A_96 : memref<80xi32, #tpu.memory_space<hbm>>) dst(%arg8 : memref<80xi32, #tpu.memory_space<vmem>>)
    %dma_start3A_97 = arith.constant 0 : i32
    %dma_start3A_98 = arith.constant 0 : i32
    %dma_start3A_99 = tpu.memref_slice %arg4[%dma_start3A_97, %dma_start3A_98] : memref<10000x128xf32, #tpu.memory_space<hbm>> -> memref<10000x128xf32, #tpu.memory_space<hbm>>
    tpu.enqueue_indirect_dma source(%dma_start3A_99 : memref<10000x128xf32, #tpu.memory_space<hbm>>) target(%arg14 : memref<80x128xf32, #tpu.memory_space<vmem>>) offsets(%arg8 : memref<80xi32, #tpu.memory_space<vmem>>) semaphore(%arg18 : memref<!tpu.dma_semaphore, #tpu.memory_space<semaphore_mem>>)
    %dma_wait3A_100 = arith.constant 0 : i32
    %dma_wait3A_101 = arith.constant 0 : i32
    %dma_wait3A_102 = tpu.memref_slice %arg4[%dma_wait3A_100, %dma_wait3A_101] : memref<10000x128xf32, #tpu.memory_space<hbm>> -> memref<10000x128xf32, #tpu.memory_space<hbm>>
    tpu.wait_indirect_dma semaphore(%arg17 : memref<!tpu.dma_semaphore, #tpu.memory_space<semaphore_mem>>) src(%dma_wait3A_102 : memref<10000x128xf32, #tpu.memory_space<hbm>>) dst(%arg13 : memref<80x128xf32, #tpu.memory_space<vmem>>)
    %add3A_103 = arith.constant 80 : i32
    %add3A_104 = arith.addi %mul3A_2, %add3A_103 : i32
    %dma_wait3A_105 = tpu.memref_slice %arg3[%add3A_104] : memref<320000xi32, #tpu.memory_space<hbm>> -> memref<80xi32, #tpu.memory_space<hbm>>
    %dma_wait3A_106 = tpu.memref_slice %arg3[%add3A_104] : memref<320000xi32, #tpu.memory_space<hbm>> -> memref<80xi32, #tpu.memory_space<hbm>>
    tpu.wait_dma2 semaphore(%arg26 : memref<!tpu.dma_semaphore, #tpu.memory_space<semaphore_mem>>) src(%dma_wait3A_106 : memref<80xi32, #tpu.memory_space<hbm>>) dst(%arg10 : memref<80xi32, #tpu.memory_space<vmem>>)
    %dma_start3A_107 = arith.constant 0 : i32
    %dma_start3A_108 = arith.constant 0 : i32
    %dma_start3A_109 = tpu.memref_slice %arg15[%dma_start3A_107, %dma_start3A_108] : memref<10240x128xf32, #tpu.memory_space<vmem_shared>> -> memref<10240x128xf32, #tpu.memory_space<vmem_shared>>
    tpu.enqueue_indirect_dma source(%arg13 : memref<80x128xf32, #tpu.memory_space<vmem>>) target(%dma_start3A_109 : memref<10240x128xf32, #tpu.memory_space<vmem_shared>>) offsets(%arg10 : memref<80xi32, #tpu.memory_space<vmem>>) semaphore(%arg20 : memref<!tpu.dma_semaphore, #tpu.memory_space<semaphore_mem>>) {add = true}
    %add3A_110 = arith.constant 320 : i32
    %add3A_111 = arith.addi %mul3A_2, %add3A_110 : i32
    %dma_start3A_112 = tpu.memref_slice %arg2[%add3A_111] : memref<320000xi32, #tpu.memory_space<hbm>> -> memref<80xi32, #tpu.memory_space<hbm>>
    %dma_start3A_113 = tpu.memref_slice %arg2[%add3A_111] : memref<320000xi32, #tpu.memory_space<hbm>> -> memref<80xi32, #tpu.memory_space<hbm>>
    tpu.enqueue_dma source(%dma_start3A_113 : memref<80xi32, #tpu.memory_space<hbm>>) target(%arg7 : memref<80xi32, #tpu.memory_space<vmem>>) target_semaphore(%arg23 : memref<!tpu.dma_semaphore, #tpu.memory_space<semaphore_mem>>)
    %dma_wait3A_114 = arith.constant 0 : i32
    %dma_wait3A_115 = arith.constant 0 : i32
    %dma_wait3A_116 = tpu.memref_slice %arg15[%dma_wait3A_114, %dma_wait3A_115] : memref<10240x128xf32, #tpu.memory_space<vmem_shared>> -> memref<10240x128xf32, #tpu.memory_space<vmem_shared>>
    tpu.wait_indirect_dma semaphore(%arg19 : memref<!tpu.dma_semaphore, #tpu.memory_space<semaphore_mem>>) src(%arg12 : memref<80x128xf32, #tpu.memory_space<vmem>>) dst(%dma_wait3A_116 : memref<10240x128xf32, #tpu.memory_space<vmem_shared>>)
    %add3A_117 = arith.constant 240 : i32
    %add3A_118 = arith.addi %mul3A_2, %add3A_117 : i32
    %dma_start3A_119 = tpu.memref_slice %arg3[%add3A_118] : memref<320000xi32, #tpu.memory_space<hbm>> -> memref<80xi32, #tpu.memory_space<hbm>>
    %dma_start3A_120 = tpu.memref_slice %arg3[%add3A_118] : memref<320000xi32, #tpu.memory_space<hbm>> -> memref<80xi32, #tpu.memory_space<hbm>>
    tpu.enqueue_dma source(%dma_start3A_120 : memref<80xi32, #tpu.memory_space<hbm>>) target(%arg9 : memref<80xi32, #tpu.memory_space<vmem>>) target_semaphore(%arg25 : memref<!tpu.dma_semaphore, #tpu.memory_space<semaphore_mem>>)
    %add3A_121 = arith.constant 240 : i32
    %add3A_122 = arith.addi %mul3A_2, %add3A_121 : i32
    %dma_wait3A_123 = tpu.memref_slice %arg2[%add3A_122] : memref<320000xi32, #tpu.memory_space<hbm>> -> memref<80xi32, #tpu.memory_space<hbm>>
    %dma_wait3A_124 = tpu.memref_slice %arg2[%add3A_122] : memref<320000xi32, #tpu.memory_space<hbm>> -> memref<80xi32, #tpu.memory_space<hbm>>
    tpu.wait_dma2 semaphore(%arg22 : memref<!tpu.dma_semaphore, #tpu.memory_space<semaphore_mem>>) src(%dma_wait3A_124 : memref<80xi32, #tpu.memory_space<hbm>>) dst(%arg6 : memref<80xi32, #tpu.memory_space<vmem>>)
    %dma_start3A_125 = arith.constant 0 : i32
    %dma_start3A_126 = arith.constant 0 : i32
    %dma_start3A_127 = tpu.memref_slice %arg4[%dma_start3A_125, %dma_start3A_126] : memref<10000x128xf32, #tpu.memory_space<hbm>> -> memref<10000x128xf32, #tpu.memory_space<hbm>>
    tpu.enqueue_indirect_dma source(%dma_start3A_127 : memref<10000x128xf32, #tpu.memory_space<hbm>>) target(%arg12 : memref<80x128xf32, #tpu.memory_space<vmem>>) offsets(%arg6 : memref<80xi32, #tpu.memory_space<vmem>>) semaphore(%arg16 : memref<!tpu.dma_semaphore, #tpu.memory_space<semaphore_mem>>)
    %scan3A_128 = arith.constant 0 : i32
    %scan3A_129 = arith.constant 0 : i32
    %scan3A_130 = arith.constant 40 : i32
    %scan3A_131 = arith.addi %scan3A_129, %scan3A_130 : i32
    %scan3A_132 = arith.constant 1 : i32
    scf.for %scan3A_190 = %scan3A_129 to %scan3A_131 step %scan3A_132  : i32 {
      %mul3A_191 = arith.constant 3 : i32
      %mul3A_192 = arith.muli %mul3A_191, %scan3A_190 : i32
      %add3A_193 = arith.constant 2 : i32
      %add3A_194 = arith.addi %mul3A_192, %add3A_193 : i32
      %add3A_195 = arith.constant 0 : i32
      %add3A_196 = arith.addi %add3A_194, %add3A_195 : i32
      %dma_wait3A_197 = arith.constant 0 : i32
      %dma_wait3A_198 = arith.constant 0 : i32
      %dma_wait3A_199 = tpu.memref_slice %arg4[%dma_wait3A_197, %dma_wait3A_198] : memref<10000x128xf32, #tpu.memory_space<hbm>> -> memref<10000x128xf32, #tpu.memory_space<hbm>>
      tpu.wait_indirect_dma semaphore(%arg18 : memref<!tpu.dma_semaphore, #tpu.memory_space<semaphore_mem>>) src(%dma_wait3A_199 : memref<10000x128xf32, #tpu.memory_space<hbm>>) dst(%arg14 : memref<80x128xf32, #tpu.memory_space<vmem>>)
      %mul3A_200 = arith.constant 80 : i32
      %mul3A_201 = arith.muli %add3A_196, %mul3A_200 : i32
      %add3A_202 = arith.addi %mul3A_2, %mul3A_201 : i32
      %dma_wait3A_203 = tpu.memref_slice %arg3[%add3A_202] : memref<320000xi32, #tpu.memory_space<hbm>> -> memref<80xi32, #tpu.memory_space<hbm>>
      %dma_wait3A_204 = tpu.memref_slice %arg3[%add3A_202] : memref<320000xi32, #tpu.memory_space<hbm>> -> memref<80xi32, #tpu.memory_space<hbm>>
      tpu.wait_dma2 semaphore(%arg27 : memref<!tpu.dma_semaphore, #tpu.memory_space<semaphore_mem>>) src(%dma_wait3A_204 : memref<80xi32, #tpu.memory_space<hbm>>) dst(%arg11 : memref<80xi32, #tpu.memory_space<vmem>>)
      %dma_start3A_205 = arith.constant 0 : i32
      %dma_start3A_206 = arith.constant 0 : i32
      %dma_start3A_207 = tpu.memref_slice %arg15[%dma_start3A_205, %dma_start3A_206] : memref<10240x128xf32, #tpu.memory_space<vmem_shared>> -> memref<10240x128xf32, #tpu.memory_space<vmem_shared>>
      tpu.enqueue_indirect_dma source(%arg14 : memref<80x128xf32, #tpu.memory_space<vmem>>) target(%dma_start3A_207 : memref<10240x128xf32, #tpu.memory_space<vmem_shared>>) offsets(%arg11 : memref<80xi32, #tpu.memory_space<vmem>>) semaphore(%arg21 : memref<!tpu.dma_semaphore, #tpu.memory_space<semaphore_mem>>) {add = true}
      %add3A_208 = arith.constant 3 : i32
      %add3A_209 = arith.addi %add3A_196, %add3A_208 : i32
      %mul3A_210 = arith.constant 80 : i32
      %mul3A_211 = arith.muli %add3A_209, %mul3A_210 : i32
      %add3A_212 = arith.addi %mul3A_2, %mul3A_211 : i32
      %dma_start3A_213 = tpu.memref_slice %arg2[%add3A_212] : memref<320000xi32, #tpu.memory_space<hbm>> -> memref<80xi32, #tpu.memory_space<hbm>>
      %dma_start3A_214 = tpu.memref_slice %arg2[%add3A_212] : memref<320000xi32, #tpu.memory_space<hbm>> -> memref<80xi32, #tpu.memory_space<hbm>>
      tpu.enqueue_dma source(%dma_start3A_214 : memref<80xi32, #tpu.memory_space<hbm>>) target(%arg8 : memref<80xi32, #tpu.memory_space<vmem>>) target_semaphore(%arg24 : memref<!tpu.dma_semaphore, #tpu.memory_space<semaphore_mem>>)
      %dma_wait3A_215 = arith.constant 0 : i32
      %dma_wait3A_216 = arith.constant 0 : i32
      %dma_wait3A_217 = tpu.memref_slice %arg15[%dma_wait3A_215, %dma_wait3A_216] : memref<10240x128xf32, #tpu.memory_space<vmem_shared>> -> memref<10240x128xf32, #tpu.memory_space<vmem_shared>>
      tpu.wait_indirect_dma semaphore(%arg20 : memref<!tpu.dma_semaphore, #tpu.memory_space<semaphore_mem>>) src(%arg13 : memref<80x128xf32, #tpu.memory_space<vmem>>) dst(%dma_wait3A_217 : memref<10240x128xf32, #tpu.memory_space<vmem_shared>>)
      %add3A_218 = arith.constant 2 : i32
      %add3A_219 = arith.addi %add3A_196, %add3A_218 : i32
      %mul3A_220 = arith.constant 80 : i32
      %mul3A_221 = arith.muli %add3A_219, %mul3A_220 : i32
      %add3A_222 = arith.addi %mul3A_2, %mul3A_221 : i32
      %dma_start3A_223 = tpu.memref_slice %arg3[%add3A_222] : memref<320000xi32, #tpu.memory_space<hbm>> -> memref<80xi32, #tpu.memory_space<hbm>>
      %dma_start3A_224 = tpu.memref_slice %arg3[%add3A_222] : memref<320000xi32, #tpu.memory_space<hbm>> -> memref<80xi32, #tpu.memory_space<hbm>>
      tpu.enqueue_dma source(%dma_start3A_224 : memref<80xi32, #tpu.memory_space<hbm>>) target(%arg10 : memref<80xi32, #tpu.memory_space<vmem>>) target_semaphore(%arg26 : memref<!tpu.dma_semaphore, #tpu.memory_space<semaphore_mem>>)
      %add3A_225 = arith.constant 2 : i32
      %add3A_226 = arith.addi %add3A_196, %add3A_225 : i32
      %mul3A_227 = arith.constant 80 : i32
      %mul3A_228 = arith.muli %add3A_226, %mul3A_227 : i32
      %add3A_229 = arith.addi %mul3A_2, %mul3A_228 : i32
      %dma_wait3A_230 = tpu.memref_slice %arg2[%add3A_229] : memref<320000xi32, #tpu.memory_space<hbm>> -> memref<80xi32, #tpu.memory_space<hbm>>
      %dma_wait3A_231 = tpu.memref_slice %arg2[%add3A_229] : memref<320000xi32, #tpu.memory_space<hbm>> -> memref<80xi32, #tpu.memory_space<hbm>>
      tpu.wait_dma2 semaphore(%arg23 : memref<!tpu.dma_semaphore, #tpu.memory_space<semaphore_mem>>) src(%dma_wait3A_231 : memref<80xi32, #tpu.memory_space<hbm>>) dst(%arg7 : memref<80xi32, #tpu.memory_space<vmem>>)
      %dma_start3A_232 = arith.constant 0 : i32
      %dma_start3A_233 = arith.constant 0 : i32
      %dma_start3A_234 = tpu.memref_slice %arg4[%dma_start3A_232, %dma_start3A_233] : memref<10000x128xf32, #tpu.memory_space<hbm>> -> memref<10000x128xf32, #tpu.memory_space<hbm>>
      tpu.enqueue_indirect_dma source(%dma_start3A_234 : memref<10000x128xf32, #tpu.memory_space<hbm>>) target(%arg13 : memref<80x128xf32, #tpu.memory_space<vmem>>) offsets(%arg7 : memref<80xi32, #tpu.memory_space<vmem>>) semaphore(%arg17 : memref<!tpu.dma_semaphore, #tpu.memory_space<semaphore_mem>>)
      %add3A_235 = arith.constant 1 : i32
      %add3A_236 = arith.addi %add3A_194, %add3A_235 : i32
      %dma_wait3A_237 = arith.constant 0 : i32
      %dma_wait3A_238 = arith.constant 0 : i32
      %dma_wait3A_239 = tpu.memref_slice %arg4[%dma_wait3A_237, %dma_wait3A_238] : memref<10000x128xf32, #tpu.memory_space<hbm>> -> memref<10000x128xf32, #tpu.memory_space<hbm>>
      tpu.wait_indirect_dma semaphore(%arg16 : memref<!tpu.dma_semaphore, #tpu.memory_space<semaphore_mem>>) src(%dma_wait3A_239 : memref<10000x128xf32, #tpu.memory_space<hbm>>) dst(%arg12 : memref<80x128xf32, #tpu.memory_space<vmem>>)
      %mul3A_240 = arith.constant 80 : i32
      %mul3A_241 = arith.muli %add3A_236, %mul3A_240 : i32
      %add3A_242 = arith.addi %mul3A_2, %mul3A_241 : i32
      %dma_wait3A_243 = tpu.memref_slice %arg3[%add3A_242] : memref<320000xi32, #tpu.memory_space<hbm>> -> memref<80xi32, #tpu.memory_space<hbm>>
      %dma_wait3A_244 = tpu.memref_slice %arg3[%add3A_242] : memref<320000xi32, #tpu.memory_space<hbm>> -> memref<80xi32, #tpu.memory_space<hbm>>
      tpu.wait_dma2 semaphore(%arg25 : memref<!tpu.dma_semaphore, #tpu.memory_space<semaphore_mem>>) src(%dma_wait3A_244 : memref<80xi32, #tpu.memory_space<hbm>>) dst(%arg9 : memref<80xi32, #tpu.memory_space<vmem>>)
      %dma_start3A_245 = arith.constant 0 : i32
      %dma_start3A_246 = arith.constant 0 : i32
      %dma_start3A_247 = tpu.memref_slice %arg15[%dma_start3A_245, %dma_start3A_246] : memref<10240x128xf32, #tpu.memory_space<vmem_shared>> -> memref<10240x128xf32, #tpu.memory_space<vmem_shared>>
      tpu.enqueue_indirect_dma source(%arg12 : memref<80x128xf32, #tpu.memory_space<vmem>>) target(%dma_start3A_247 : memref<10240x128xf32, #tpu.memory_space<vmem_shared>>) offsets(%arg9 : memref<80xi32, #tpu.memory_space<vmem>>) semaphore(%arg19 : memref<!tpu.dma_semaphore, #tpu.memory_space<semaphore_mem>>) {add = true}
      %add3A_248 = arith.constant 3 : i32
      %add3A_249 = arith.addi %add3A_236, %add3A_248 : i32
      %mul3A_250 = arith.constant 80 : i32
      %mul3A_251 = arith.muli %add3A_249, %mul3A_250 : i32
      %add3A_252 = arith.addi %mul3A_2, %mul3A_251 : i32
      %dma_start3A_253 = tpu.memref_slice %arg2[%add3A_252] : memref<320000xi32, #tpu.memory_space<hbm>> -> memref<80xi32, #tpu.memory_space<hbm>>
      %dma_start3A_254 = tpu.memref_slice %arg2[%add3A_252] : memref<320000xi32, #tpu.memory_space<hbm>> -> memref<80xi32, #tpu.memory_space<hbm>>
      tpu.enqueue_dma source(%dma_start3A_254 : memref<80xi32, #tpu.memory_space<hbm>>) target(%arg6 : memref<80xi32, #tpu.memory_space<vmem>>) target_semaphore(%arg22 : memref<!tpu.dma_semaphore, #tpu.memory_space<semaphore_mem>>)
      %dma_wait3A_255 = arith.constant 0 : i32
      %dma_wait3A_256 = arith.constant 0 : i32
      %dma_wait3A_257 = tpu.memref_slice %arg15[%dma_wait3A_255, %dma_wait3A_256] : memref<10240x128xf32, #tpu.memory_space<vmem_shared>> -> memref<10240x128xf32, #tpu.memory_space<vmem_shared>>
      tpu.wait_indirect_dma semaphore(%arg21 : memref<!tpu.dma_semaphore, #tpu.memory_space<semaphore_mem>>) src(%arg14 : memref<80x128xf32, #tpu.memory_space<vmem>>) dst(%dma_wait3A_257 : memref<10240x128xf32, #tpu.memory_space<vmem_shared>>)
      %add3A_258 = arith.constant 2 : i32
      %add3A_259 = arith.addi %add3A_236, %add3A_258 : i32
      %mul3A_260 = arith.constant 80 : i32
      %mul3A_261 = arith.muli %add3A_259, %mul3A_260 : i32
      %add3A_262 = arith.addi %mul3A_2, %mul3A_261 : i32
      %dma_start3A_263 = tpu.memref_slice %arg3[%add3A_262] : memref<320000xi32, #tpu.memory_space<hbm>> -> memref<80xi32, #tpu.memory_space<hbm>>
      %dma_start3A_264 = tpu.memref_slice %arg3[%add3A_262] : memref<320000xi32, #tpu.memory_space<hbm>> -> memref<80xi32, #tpu.memory_space<hbm>>
      tpu.enqueue_dma source(%dma_start3A_264 : memref<80xi32, #tpu.memory_space<hbm>>) target(%arg11 : memref<80xi32, #tpu.memory_space<vmem>>) target_semaphore(%arg27 : memref<!tpu.dma_semaphore, #tpu.memory_space<semaphore_mem>>)
      %add3A_265 = arith.constant 2 : i32
      %add3A_266 = arith.addi %add3A_236, %add3A_265 : i32
      %mul3A_267 = arith.constant 80 : i32
      %mul3A_268 = arith.muli %add3A_266, %mul3A_267 : i32
      %add3A_269 = arith.addi %mul3A_2, %mul3A_268 : i32
      %dma_wait3A_270 = tpu.memref_slice %arg2[%add3A_269] : memref<320000xi32, #tpu.memory_space<hbm>> -> memref<80xi32, #tpu.memory_space<hbm>>
      %dma_wait3A_271 = tpu.memref_slice %arg2[%add3A_269] : memref<320000xi32, #tpu.memory_space<hbm>> -> memref<80xi32, #tpu.memory_space<hbm>>
      tpu.wait_dma2 semaphore(%arg24 : memref<!tpu.dma_semaphore, #tpu.memory_space<semaphore_mem>>) src(%dma_wait3A_271 : memref<80xi32, #tpu.memory_space<hbm>>) dst(%arg8 : memref<80xi32, #tpu.memory_space<vmem>>)
      %dma_start3A_272 = arith.constant 0 : i32
      %dma_start3A_273 = arith.constant 0 : i32
      %dma_start3A_274 = tpu.memref_slice %arg4[%dma_start3A_272, %dma_start3A_273] : memref<10000x128xf32, #tpu.memory_space<hbm>> -> memref<10000x128xf32, #tpu.memory_space<hbm>>
      tpu.enqueue_indirect_dma source(%dma_start3A_274 : memref<10000x128xf32, #tpu.memory_space<hbm>>) target(%arg14 : memref<80x128xf32, #tpu.memory_space<vmem>>) offsets(%arg8 : memref<80xi32, #tpu.memory_space<vmem>>) semaphore(%arg18 : memref<!tpu.dma_semaphore, #tpu.memory_space<semaphore_mem>>)
      %add3A_275 = arith.constant 2 : i32
      %add3A_276 = arith.addi %add3A_194, %add3A_275 : i32
      %dma_wait3A_277 = arith.constant 0 : i32
      %dma_wait3A_278 = arith.constant 0 : i32
      %dma_wait3A_279 = tpu.memref_slice %arg4[%dma_wait3A_277, %dma_wait3A_278] : memref<10000x128xf32, #tpu.memory_space<hbm>> -> memref<10000x128xf32, #tpu.memory_space<hbm>>
      tpu.wait_indirect_dma semaphore(%arg17 : memref<!tpu.dma_semaphore, #tpu.memory_space<semaphore_mem>>) src(%dma_wait3A_279 : memref<10000x128xf32, #tpu.memory_space<hbm>>) dst(%arg13 : memref<80x128xf32, #tpu.memory_space<vmem>>)
      %mul3A_280 = arith.constant 80 : i32
      %mul3A_281 = arith.muli %add3A_276, %mul3A_280 : i32
      %add3A_282 = arith.addi %mul3A_2, %mul3A_281 : i32
      %dma_wait3A_283 = tpu.memref_slice %arg3[%add3A_282] : memref<320000xi32, #tpu.memory_space<hbm>> -> memref<80xi32, #tpu.memory_space<hbm>>
      %dma_wait3A_284 = tpu.memref_slice %arg3[%add3A_282] : memref<320000xi32, #tpu.memory_space<hbm>> -> memref<80xi32, #tpu.memory_space<hbm>>
      tpu.wait_dma2 semaphore(%arg26 : memref<!tpu.dma_semaphore, #tpu.memory_space<semaphore_mem>>) src(%dma_wait3A_284 : memref<80xi32, #tpu.memory_space<hbm>>) dst(%arg10 : memref<80xi32, #tpu.memory_space<vmem>>)
      %dma_start3A_285 = arith.constant 0 : i32
      %dma_start3A_286 = arith.constant 0 : i32
      %dma_start3A_287 = tpu.memref_slice %arg15[%dma_start3A_285, %dma_start3A_286] : memref<10240x128xf32, #tpu.memory_space<vmem_shared>> -> memref<10240x128xf32, #tpu.memory_space<vmem_shared>>
      tpu.enqueue_indirect_dma source(%arg13 : memref<80x128xf32, #tpu.memory_space<vmem>>) target(%dma_start3A_287 : memref<10240x128xf32, #tpu.memory_space<vmem_shared>>) offsets(%arg10 : memref<80xi32, #tpu.memory_space<vmem>>) semaphore(%arg20 : memref<!tpu.dma_semaphore, #tpu.memory_space<semaphore_mem>>) {add = true}
      %add3A_288 = arith.constant 3 : i32
      %add3A_289 = arith.addi %add3A_276, %add3A_288 : i32
      %mul3A_290 = arith.constant 80 : i32
      %mul3A_291 = arith.muli %add3A_289, %mul3A_290 : i32
      %add3A_292 = arith.addi %mul3A_2, %mul3A_291 : i32
      %dma_start3A_293 = tpu.memref_slice %arg2[%add3A_292] : memref<320000xi32, #tpu.memory_space<hbm>> -> memref<80xi32, #tpu.memory_space<hbm>>
      %dma_start3A_294 = tpu.memref_slice %arg2[%add3A_292] : memref<320000xi32, #tpu.memory_space<hbm>> -> memref<80xi32, #tpu.memory_space<hbm>>
      tpu.enqueue_dma source(%dma_start3A_294 : memref<80xi32, #tpu.memory_space<hbm>>) target(%arg7 : memref<80xi32, #tpu.memory_space<vmem>>) target_semaphore(%arg23 : memref<!tpu.dma_semaphore, #tpu.memory_space<semaphore_mem>>)
      %dma_wait3A_295 = arith.constant 0 : i32
      %dma_wait3A_296 = arith.constant 0 : i32
      %dma_wait3A_297 = tpu.memref_slice %arg15[%dma_wait3A_295, %dma_wait3A_296] : memref<10240x128xf32, #tpu.memory_space<vmem_shared>> -> memref<10240x128xf32, #tpu.memory_space<vmem_shared>>
      tpu.wait_indirect_dma semaphore(%arg19 : memref<!tpu.dma_semaphore, #tpu.memory_space<semaphore_mem>>) src(%arg12 : memref<80x128xf32, #tpu.memory_space<vmem>>) dst(%dma_wait3A_297 : memref<10240x128xf32, #tpu.memory_space<vmem_shared>>)
      %add3A_298 = arith.constant 2 : i32
      %add3A_299 = arith.addi %add3A_276, %add3A_298 : i32
      %mul3A_300 = arith.constant 80 : i32
      %mul3A_301 = arith.muli %add3A_299, %mul3A_300 : i32
      %add3A_302 = arith.addi %mul3A_2, %mul3A_301 : i32
      %dma_start3A_303 = tpu.memref_slice %arg3[%add3A_302] : memref<320000xi32, #tpu.memory_space<hbm>> -> memref<80xi32, #tpu.memory_space<hbm>>
      %dma_start3A_304 = tpu.memref_slice %arg3[%add3A_302] : memref<320000xi32, #tpu.memory_space<hbm>> -> memref<80xi32, #tpu.memory_space<hbm>>
      tpu.enqueue_dma source(%dma_start3A_304 : memref<80xi32, #tpu.memory_space<hbm>>) target(%arg9 : memref<80xi32, #tpu.memory_space<vmem>>) target_semaphore(%arg25 : memref<!tpu.dma_semaphore, #tpu.memory_space<semaphore_mem>>)
      %add3A_305 = arith.constant 2 : i32
      %add3A_306 = arith.addi %add3A_276, %add3A_305 : i32
      %mul3A_307 = arith.constant 80 : i32
      %mul3A_308 = arith.muli %add3A_306, %mul3A_307 : i32
      %add3A_309 = arith.addi %mul3A_2, %mul3A_308 : i32
      %dma_wait3A_310 = tpu.memref_slice %arg2[%add3A_309] : memref<320000xi32, #tpu.memory_space<hbm>> -> memref<80xi32, #tpu.memory_space<hbm>>
      %dma_wait3A_311 = tpu.memref_slice %arg2[%add3A_309] : memref<320000xi32, #tpu.memory_space<hbm>> -> memref<80xi32, #tpu.memory_space<hbm>>
      tpu.wait_dma2 semaphore(%arg22 : memref<!tpu.dma_semaphore, #tpu.memory_space<semaphore_mem>>) src(%dma_wait3A_311 : memref<80xi32, #tpu.memory_space<hbm>>) dst(%arg6 : memref<80xi32, #tpu.memory_space<vmem>>)
      %dma_start3A_312 = arith.constant 0 : i32
      %dma_start3A_313 = arith.constant 0 : i32
      %dma_start3A_314 = tpu.memref_slice %arg4[%dma_start3A_312, %dma_start3A_313] : memref<10000x128xf32, #tpu.memory_space<hbm>> -> memref<10000x128xf32, #tpu.memory_space<hbm>>
      tpu.enqueue_indirect_dma source(%dma_start3A_314 : memref<10000x128xf32, #tpu.memory_space<hbm>>) target(%arg12 : memref<80x128xf32, #tpu.memory_space<vmem>>) offsets(%arg6 : memref<80xi32, #tpu.memory_space<vmem>>) semaphore(%arg16 : memref<!tpu.dma_semaphore, #tpu.memory_space<semaphore_mem>>)
    }
    %scan3A_133 = arith.constant 40 : i32
    %dma_wait3A_134 = arith.constant 0 : i32
    %dma_wait3A_135 = arith.constant 0 : i32
    %dma_wait3A_136 = tpu.memref_slice %arg4[%dma_wait3A_134, %dma_wait3A_135] : memref<10000x128xf32, #tpu.memory_space<hbm>> -> memref<10000x128xf32, #tpu.memory_space<hbm>>
    tpu.wait_indirect_dma semaphore(%arg18 : memref<!tpu.dma_semaphore, #tpu.memory_space<semaphore_mem>>) src(%dma_wait3A_136 : memref<10000x128xf32, #tpu.memory_space<hbm>>) dst(%arg14 : memref<80x128xf32, #tpu.memory_space<vmem>>)
    %add3A_137 = arith.constant 9760 : i32
    %add3A_138 = arith.addi %mul3A_2, %add3A_137 : i32
    %dma_wait3A_139 = tpu.memref_slice %arg3[%add3A_138] : memref<320000xi32, #tpu.memory_space<hbm>> -> memref<80xi32, #tpu.memory_space<hbm>>
    %dma_wait3A_140 = tpu.memref_slice %arg3[%add3A_138] : memref<320000xi32, #tpu.memory_space<hbm>> -> memref<80xi32, #tpu.memory_space<hbm>>
    tpu.wait_dma2 semaphore(%arg27 : memref<!tpu.dma_semaphore, #tpu.memory_space<semaphore_mem>>) src(%dma_wait3A_140 : memref<80xi32, #tpu.memory_space<hbm>>) dst(%arg11 : memref<80xi32, #tpu.memory_space<vmem>>)
    %dma_start3A_141 = arith.constant 0 : i32
    %dma_start3A_142 = arith.constant 0 : i32
    %dma_start3A_143 = tpu.memref_slice %arg15[%dma_start3A_141, %dma_start3A_142] : memref<10240x128xf32, #tpu.memory_space<vmem_shared>> -> memref<10240x128xf32, #tpu.memory_space<vmem_shared>>
    tpu.enqueue_indirect_dma source(%arg14 : memref<80x128xf32, #tpu.memory_space<vmem>>) target(%dma_start3A_143 : memref<10240x128xf32, #tpu.memory_space<vmem_shared>>) offsets(%arg11 : memref<80xi32, #tpu.memory_space<vmem>>) semaphore(%arg21 : memref<!tpu.dma_semaphore, #tpu.memory_space<semaphore_mem>>) {add = true}
    %dma_wait3A_144 = arith.constant 0 : i32
    %dma_wait3A_145 = arith.constant 0 : i32
    %dma_wait3A_146 = tpu.memref_slice %arg15[%dma_wait3A_144, %dma_wait3A_145] : memref<10240x128xf32, #tpu.memory_space<vmem_shared>> -> memref<10240x128xf32, #tpu.memory_space<vmem_shared>>
    tpu.wait_indirect_dma semaphore(%arg20 : memref<!tpu.dma_semaphore, #tpu.memory_space<semaphore_mem>>) src(%arg13 : memref<80x128xf32, #tpu.memory_space<vmem>>) dst(%dma_wait3A_146 : memref<10240x128xf32, #tpu.memory_space<vmem_shared>>)
    %add3A_147 = arith.constant 9920 : i32
    %add3A_148 = arith.addi %mul3A_2, %add3A_147 : i32
    %dma_start3A_149 = tpu.memref_slice %arg3[%add3A_148] : memref<320000xi32, #tpu.memory_space<hbm>> -> memref<80xi32, #tpu.memory_space<hbm>>
    %dma_start3A_150 = tpu.memref_slice %arg3[%add3A_148] : memref<320000xi32, #tpu.memory_space<hbm>> -> memref<80xi32, #tpu.memory_space<hbm>>
    tpu.enqueue_dma source(%dma_start3A_150 : memref<80xi32, #tpu.memory_space<hbm>>) target(%arg10 : memref<80xi32, #tpu.memory_space<vmem>>) target_semaphore(%arg26 : memref<!tpu.dma_semaphore, #tpu.memory_space<semaphore_mem>>)
    %add3A_151 = arith.constant 9920 : i32
    %add3A_152 = arith.addi %mul3A_2, %add3A_151 : i32
    %dma_wait3A_153 = tpu.memref_slice %arg2[%add3A_152] : memref<320000xi32, #tpu.memory_space<hbm>> -> memref<80xi32, #tpu.memory_space<hbm>>
    %dma_wait3A_154 = tpu.memref_slice %arg2[%add3A_152] : memref<320000xi32, #tpu.memory_space<hbm>> -> memref<80xi32, #tpu.memory_space<hbm>>
    tpu.wait_dma2 semaphore(%arg23 : memref<!tpu.dma_semaphore, #tpu.memory_space<semaphore_mem>>) src(%dma_wait3A_154 : memref<80xi32, #tpu.memory_space<hbm>>) dst(%arg7 : memref<80xi32, #tpu.memory_space<vmem>>)
    %dma_start3A_155 = arith.constant 0 : i32
    %dma_start3A_156 = arith.constant 0 : i32
    %dma_start3A_157 = tpu.memref_slice %arg4[%dma_start3A_155, %dma_start3A_156] : memref<10000x128xf32, #tpu.memory_space<hbm>> -> memref<10000x128xf32, #tpu.memory_space<hbm>>
    tpu.enqueue_indirect_dma source(%dma_start3A_157 : memref<10000x128xf32, #tpu.memory_space<hbm>>) target(%arg13 : memref<80x128xf32, #tpu.memory_space<vmem>>) offsets(%arg7 : memref<80xi32, #tpu.memory_space<vmem>>) semaphore(%arg17 : memref<!tpu.dma_semaphore, #tpu.memory_space<semaphore_mem>>)
    %dma_wait3A_158 = arith.constant 0 : i32
    %dma_wait3A_159 = arith.constant 0 : i32
    %dma_wait3A_160 = tpu.memref_slice %arg4[%dma_wait3A_158, %dma_wait3A_159] : memref<10000x128xf32, #tpu.memory_space<hbm>> -> memref<10000x128xf32, #tpu.memory_space<hbm>>
    tpu.wait_indirect_dma semaphore(%arg16 : memref<!tpu.dma_semaphore, #tpu.memory_space<semaphore_mem>>) src(%dma_wait3A_160 : memref<10000x128xf32, #tpu.memory_space<hbm>>) dst(%arg12 : memref<80x128xf32, #tpu.memory_space<vmem>>)
    %add3A_161 = arith.constant 9840 : i32
    %add3A_162 = arith.addi %mul3A_2, %add3A_161 : i32
    %dma_wait3A_163 = tpu.memref_slice %arg3[%add3A_162] : memref<320000xi32, #tpu.memory_space<hbm>> -> memref<80xi32, #tpu.memory_space<hbm>>
    %dma_wait3A_164 = tpu.memref_slice %arg3[%add3A_162] : memref<320000xi32, #tpu.memory_space<hbm>> -> memref<80xi32, #tpu.memory_space<hbm>>
    tpu.wait_dma2 semaphore(%arg25 : memref<!tpu.dma_semaphore, #tpu.memory_space<semaphore_mem>>) src(%dma_wait3A_164 : memref<80xi32, #tpu.memory_space<hbm>>) dst(%arg9 : memref<80xi32, #tpu.memory_space<vmem>>)
    %dma_start3A_165 = arith.constant 0 : i32
    %dma_start3A_166 = arith.constant 0 : i32
    %dma_start3A_167 = tpu.memref_slice %arg15[%dma_start3A_165, %dma_start3A_166] : memref<10240x128xf32, #tpu.memory_space<vmem_shared>> -> memref<10240x128xf32, #tpu.memory_space<vmem_shared>>
    tpu.enqueue_indirect_dma source(%arg12 : memref<80x128xf32, #tpu.memory_space<vmem>>) target(%dma_start3A_167 : memref<10240x128xf32, #tpu.memory_space<vmem_shared>>) offsets(%arg9 : memref<80xi32, #tpu.memory_space<vmem>>) semaphore(%arg19 : memref<!tpu.dma_semaphore, #tpu.memory_space<semaphore_mem>>) {add = true}
    %dma_wait3A_168 = arith.constant 0 : i32
    %dma_wait3A_169 = arith.constant 0 : i32
    %dma_wait3A_170 = tpu.memref_slice %arg15[%dma_wait3A_168, %dma_wait3A_169] : memref<10240x128xf32, #tpu.memory_space<vmem_shared>> -> memref<10240x128xf32, #tpu.memory_space<vmem_shared>>
    tpu.wait_indirect_dma semaphore(%arg21 : memref<!tpu.dma_semaphore, #tpu.memory_space<semaphore_mem>>) src(%arg14 : memref<80x128xf32, #tpu.memory_space<vmem>>) dst(%dma_wait3A_170 : memref<10240x128xf32, #tpu.memory_space<vmem_shared>>)
    %dma_wait3A_171 = arith.constant 0 : i32
    %dma_wait3A_172 = arith.constant 0 : i32
    %dma_wait3A_173 = tpu.memref_slice %arg4[%dma_wait3A_171, %dma_wait3A_172] : memref<10000x128xf32, #tpu.memory_space<hbm>> -> memref<10000x128xf32, #tpu.memory_space<hbm>>
    tpu.wait_indirect_dma semaphore(%arg17 : memref<!tpu.dma_semaphore, #tpu.memory_space<semaphore_mem>>) src(%dma_wait3A_173 : memref<10000x128xf32, #tpu.memory_space<hbm>>) dst(%arg13 : memref<80x128xf32, #tpu.memory_space<vmem>>)
    %add3A_174 = arith.constant 9920 : i32
    %add3A_175 = arith.addi %mul3A_2, %add3A_174 : i32
    %dma_wait3A_176 = tpu.memref_slice %arg3[%add3A_175] : memref<320000xi32, #tpu.memory_space<hbm>> -> memref<80xi32, #tpu.memory_space<hbm>>
    %dma_wait3A_177 = tpu.memref_slice %arg3[%add3A_175] : memref<320000xi32, #tpu.memory_space<hbm>> -> memref<80xi32, #tpu.memory_space<hbm>>
    tpu.wait_dma2 semaphore(%arg26 : memref<!tpu.dma_semaphore, #tpu.memory_space<semaphore_mem>>) src(%dma_wait3A_177 : memref<80xi32, #tpu.memory_space<hbm>>) dst(%arg10 : memref<80xi32, #tpu.memory_space<vmem>>)
    %dma_start3A_178 = arith.constant 0 : i32
    %dma_start3A_179 = arith.constant 0 : i32
    %dma_start3A_180 = tpu.memref_slice %arg15[%dma_start3A_178, %dma_start3A_179] : memref<10240x128xf32, #tpu.memory_space<vmem_shared>> -> memref<10240x128xf32, #tpu.memory_space<vmem_shared>>
    tpu.enqueue_indirect_dma source(%arg13 : memref<80x128xf32, #tpu.memory_space<vmem>>) target(%dma_start3A_180 : memref<10240x128xf32, #tpu.memory_space<vmem_shared>>) offsets(%arg10 : memref<80xi32, #tpu.memory_space<vmem>>) semaphore(%arg20 : memref<!tpu.dma_semaphore, #tpu.memory_space<semaphore_mem>>) {add = true}
    %dma_wait3A_181 = arith.constant 0 : i32
    %dma_wait3A_182 = arith.constant 0 : i32
    %dma_wait3A_183 = tpu.memref_slice %arg15[%dma_wait3A_181, %dma_wait3A_182] : memref<10240x128xf32, #tpu.memory_space<vmem_shared>> -> memref<10240x128xf32, #tpu.memory_space<vmem_shared>>
    tpu.wait_indirect_dma semaphore(%arg19 : memref<!tpu.dma_semaphore, #tpu.memory_space<semaphore_mem>>) src(%arg12 : memref<80x128xf32, #tpu.memory_space<vmem>>) dst(%dma_wait3A_183 : memref<10240x128xf32, #tpu.memory_space<vmem_shared>>)
    %dma_wait3A_184 = arith.constant 0 : i32
    %dma_wait3A_185 = arith.constant 0 : i32
    %dma_wait3A_186 = tpu.memref_slice %arg15[%dma_wait3A_184, %dma_wait3A_185] : memref<10240x128xf32, #tpu.memory_space<vmem_shared>> -> memref<10240x128xf32, #tpu.memory_space<vmem_shared>>
    tpu.wait_indirect_dma semaphore(%arg20 : memref<!tpu.dma_semaphore, #tpu.memory_space<semaphore_mem>>) src(%arg13 : memref<80x128xf32, #tpu.memory_space<vmem>>) dst(%dma_wait3A_186 : memref<10240x128xf32, #tpu.memory_space<vmem_shared>>)
    %barrier3A_187 = arith.constant 0 : index
    tpu.barrier barrier_id(%barrier3A_187)
    %mul3A_188 = arith.constant 640 : i32
    %mul3A_189 = arith.muli %arg1, %mul3A_188 : i32
    "tpu.region"() ({
      %run_scoped3A = tpu.sem_alloc : memref<!tpu.dma_semaphore, #tpu.memory_space<semaphore_mem>>
      %dma_start3A_190 = arith.constant 0 : i32
      %dma_start3A_191 = tpu.memref_slice %arg5[%arg0, %mul3A_189, %dma_start3A_190] : memref<2x10240x128xf32, #tpu.memory_space<hbm>> -> memref<1x640x128xf32, #tpu.memory_space<hbm>>
      %dma_start3A_192 = tpu.memref_squeeze %dma_start3A_191 : memref<1x640x128xf32, #tpu.memory_space<hbm>> -> memref<640x128xf32, #tpu.memory_space<hbm>>
      %dma_start3A_193 = arith.constant 0 : i32
      %dma_start3A_194 = tpu.memref_slice %arg15[%mul3A_189, %dma_start3A_193] : memref<10240x128xf32, #tpu.memory_space<vmem_shared>> -> memref<640x128xf32, #tpu.memory_space<vmem_shared>>
      tpu.enqueue_dma source(%dma_start3A_194 : memref<640x128xf32, #tpu.memory_space<vmem_shared>>) target(%dma_start3A_192 : memref<640x128xf32, #tpu.memory_space<hbm>>) target_semaphore(%run_scoped3A : memref<!tpu.dma_semaphore, #tpu.memory_space<semaphore_mem>>)
      %dma_wait3A_195 = arith.constant 0 : i32
      %dma_wait3A_196 = tpu.memref_slice %arg5[%arg0, %mul3A_189, %dma_wait3A_195] : memref<2x10240x128xf32, #tpu.memory_space<hbm>> -> memref<1x640x128xf32, #tpu.memory_space<hbm>>
      %dma_wait3A_197 = tpu.memref_squeeze %dma_wait3A_196 : memref<1x640x128xf32, #tpu.memory_space<hbm>> -> memref<640x128xf32, #tpu.memory_space<hbm>>
      %dma_wait3A_198 = arith.constant 0 : i32
      %dma_wait3A_199 = tpu.memref_slice %arg15[%mul3A_189, %dma_wait3A_198] : memref<10240x128xf32, #tpu.memory_space<vmem_shared>> -> memref<640x128xf32, #tpu.memory_space<vmem_shared>>
      tpu.wait_dma2 semaphore(%run_scoped3A : memref<!tpu.dma_semaphore, #tpu.memory_space<semaphore_mem>>) src(%dma_wait3A_199 : memref<640x128xf32, #tpu.memory_space<vmem_shared>>) dst(%dma_wait3A_197 : memref<640x128xf32, #tpu.memory_space<hbm>>)
      tpu.yield
    }) : () -> ()
    return
  }
}

module attributes {stable_mosaic.version = 14 : i64} {
  func.func @_tc_pre_body(%arg0: i32, %arg1: memref<2000x128xf32, #tpu.memory_space<vmem>>, %arg2: memref<1x128xf32, #tpu.memory_space<vmem>>, %arg3: memref<1x128xf32, #tpu.memory_space<vmem>>, %arg4: memref<128x128xf32, #tpu.memory_space<vmem>>, %arg5: memref<2000x128xf32, #tpu.memory_space<vmem>>) attributes {dimension_semantics = [#tpu.dimension_semantics<arbitrary>], iteration_bounds = array<i64: 5>, scalar_prefetch = 0 : i64, scratch_operands = 0 : i64, tpu.core_type = #tpu.core_type<tc>, window_params = [{transform_indices = @transform_0, window_bounds = array<i64: 2000, 128>}, {pipeline_mode = #tpu.pipeline_mode<synchronous>, transform_indices = @transform_1, window_bounds = array<i64: 1, 128>}, {pipeline_mode = #tpu.pipeline_mode<synchronous>, transform_indices = @transform_2, window_bounds = array<i64: 1, 128>}, {pipeline_mode = #tpu.pipeline_mode<synchronous>, transform_indices = @transform_3, window_bounds = array<i64: 128, 128>}, {transform_indices = @transform_4, window_bounds = array<i64: 2000, 128>}]} {
    %get3A = arith.constant 0 : index
    %get3A_0 = arith.constant 0 : index
    %get3A_1 = vector.load %arg1[%get3A, %get3A_0] : memref<2000x128xf32, #tpu.memory_space<vmem>>, vector<2000x128xf32>
    %get3A_2 = arith.constant 0 : index
    %get3A_3 = arith.constant 0 : index
    %get3A_4 = vector.load %arg2[%get3A_2, %get3A_3] : memref<1x128xf32, #tpu.memory_space<vmem>>, vector<1x128xf32>
    %get3A_5 = arith.constant 0 : index
    %get3A_6 = arith.constant 0 : index
    %get3A_7 = vector.load %arg3[%get3A_5, %get3A_6] : memref<1x128xf32, #tpu.memory_space<vmem>>, vector<1x128xf32>
    %reduce_sum3A = arith.constant dense<0.000000e+00> : vector<2000xf32>
    %reduce_sum3A_8 = vector.multi_reduction <add>, %get3A_1, %reduce_sum3A [1] : vector<2000x128xf32> to vector<2000xf32>
    %broadcast_in_dim3A = vector.shape_cast %reduce_sum3A_8 : vector<2000xf32> to vector<2000x1xf32>
    %div3A = arith.constant 1.280000e+02 : f32
    %div3A_9 = vector.broadcast %div3A : f32 to vector<2000x1xf32>
    %div3A_10 = arith.divf %broadcast_in_dim3A, %div3A_9 : vector<2000x1xf32>
    %sub3A = vector.broadcast %div3A_10 : vector<2000x1xf32> to vector<2000x128xf32>
    %sub3A_11 = arith.subf %get3A_1, %sub3A : vector<2000x128xf32>
    %integer_pow3A = arith.mulf %sub3A_11, %sub3A_11 : vector<2000x128xf32>
    %reduce_sum3A_12 = arith.constant dense<0.000000e+00> : vector<2000xf32>
    %reduce_sum3A_13 = vector.multi_reduction <add>, %integer_pow3A, %reduce_sum3A_12 [1] : vector<2000x128xf32> to vector<2000xf32>
    %broadcast_in_dim3A_14 = vector.shape_cast %reduce_sum3A_13 : vector<2000xf32> to vector<2000x1xf32>
    %div3A_15 = arith.constant 1.280000e+02 : f32
    %div3A_16 = vector.broadcast %div3A_15 : f32 to vector<2000x1xf32>
    %div3A_17 = arith.divf %broadcast_in_dim3A_14, %div3A_16 : vector<2000x1xf32>
    %sub3A_18 = vector.broadcast %div3A_10 : vector<2000x1xf32> to vector<2000x128xf32>
    %sub3A_19 = arith.subf %get3A_1, %sub3A_18 : vector<2000x128xf32>
    %add3A = arith.constant 9.99999974E-6 : f32
    %add3A_20 = vector.broadcast %add3A : f32 to vector<2000x1xf32>
    %add3A_21 = arith.addf %div3A_17, %add3A_20 : vector<2000x1xf32>
    %rsqrt3A = math.rsqrt %add3A_21 : vector<2000x1xf32>
    %mul3A = vector.broadcast %rsqrt3A : vector<2000x1xf32> to vector<2000x128xf32>
    %mul3A_22 = arith.mulf %sub3A_19, %mul3A : vector<2000x128xf32>
    %mul3A_23 = vector.broadcast %get3A_4 : vector<1x128xf32> to vector<2000x128xf32>
    %mul3A_24 = arith.mulf %mul3A_22, %mul3A_23 : vector<2000x128xf32>
    %add3A_25 = vector.broadcast %get3A_7 : vector<1x128xf32> to vector<2000x128xf32>
    %add3A_26 = arith.addf %mul3A_24, %add3A_25 : vector<2000x128xf32>
    %max3A = arith.constant 0.000000e+00 : f32
    %max3A_27 = vector.broadcast %max3A : f32 to vector<2000x128xf32>
    %max3A_28 = arith.maximumf %add3A_26, %max3A_27 : vector<2000x128xf32>
    %get3A_29 = arith.constant 0 : index
    %get3A_30 = arith.constant 0 : index
    %get3A_31 = vector.load %arg4[%get3A_29, %get3A_30] : memref<128x128xf32, #tpu.memory_space<vmem>>, vector<128x128xf32>
    %dot_general3A = arith.constant dense<0.000000e+00> : vector<2000x128xf32>
    %dot_general3A_32 = tpu.matmul %max3A_28, %get3A_31, %dot_general3A {dimension_numbers = #tpu.dot_dimension_numbers<[1], [0], [0], [1], [0, 0, 1, 1], [], []>, transpose_lhs_hint = false} : vector<2000x128xf32>, vector<128x128xf32>, vector<2000x128xf32> -> vector<2000x128xf32>
    %swap3A = arith.constant 0 : index
    %swap3A_33 = arith.constant 0 : index
    %swap3A_34 = vector.load %arg5[%swap3A, %swap3A_33] : memref<2000x128xf32, #tpu.memory_space<vmem>>, vector<2000x128xf32>
    tpu.vector_store %arg5[%swap3A, %swap3A_33], %dot_general3A_32 {strides = array<i32>} : memref<2000x128xf32, #tpu.memory_space<vmem>>, vector<2000x128xf32>,
    return
  }
  func.func @transform_0(%arg0: i32) -> (i32, i32) {
    %c0_i32 = arith.constant 0 : i32
    %c0_i32_0 = arith.constant 0 : i32
    return %arg0, %c0_i32 : i32, i32
  }
  func.func @transform_1(%arg0: i32) -> (i32, i32) {
    %c0_i32 = arith.constant 0 : i32
    %c0_i32_0 = arith.constant 0 : i32
    %c0_i32_1 = arith.constant 0 : i32
    return %c0_i32, %c0_i32_0 : i32, i32
  }
  func.func @transform_2(%arg0: i32) -> (i32, i32) {
    %c0_i32 = arith.constant 0 : i32
    %c0_i32_0 = arith.constant 0 : i32
    %c0_i32_1 = arith.constant 0 : i32
    return %c0_i32, %c0_i32_0 : i32, i32
  }
  func.func @transform_3(%arg0: i32) -> (i32, i32) {
    %c0_i32 = arith.constant 0 : i32
    %c0_i32_0 = arith.constant 0 : i32
    %c0_i32_1 = arith.constant 0 : i32
    return %c0_i32, %c0_i32_0 : i32, i32
  }
  func.func @transform_4(%arg0: i32) -> (i32, i32) {
    %c0_i32 = arith.constant 0 : i32
    %c0_i32_0 = arith.constant 0 : i32
    return %arg0, %c0_i32 : i32, i32
  }
}

module attributes {stable_mosaic.version = 14 : i64} {
  func.func @_tc_mid_body(%arg0: i32, %arg1: memref<2x2000x128xf32, #tpu.memory_space<vmem>>, %arg2: memref<2000x32xf32, #tpu.memory_space<vmem>>, %arg3: memref<2000x128xf32, #tpu.memory_space<vmem>>, %arg4: memref<1x128xf32, #tpu.memory_space<vmem>>, %arg5: memref<1x128xf32, #tpu.memory_space<vmem>>, %arg6: memref<1x128xf32, #tpu.memory_space<vmem>>, %arg7: memref<128x128xf32, #tpu.memory_space<vmem>>, %arg8: memref<2000x128xf32, #tpu.memory_space<vmem>>, %arg9: memref<2000x128xf32, #tpu.memory_space<vmem>>) attributes {dimension_semantics = [#tpu.dimension_semantics<arbitrary>], iteration_bounds = array<i64: 5>, scalar_prefetch = 0 : i64, scratch_operands = 0 : i64, tpu.core_type = #tpu.core_type<tc>, window_params = [{transform_indices = @transform_0, window_bounds = array<i64: 2, 2000, 128>}, {transform_indices = @transform_1, window_bounds = array<i64: 2000, 32>}, {transform_indices = @transform_2, window_bounds = array<i64: 2000, 128>}, {pipeline_mode = #tpu.pipeline_mode<synchronous>, transform_indices = @transform_3, window_bounds = array<i64: 1, 128>}, {pipeline_mode = #tpu.pipeline_mode<synchronous>, transform_indices = @transform_4, window_bounds = array<i64: 1, 128>}, {pipeline_mode = #tpu.pipeline_mode<synchronous>, transform_indices = @transform_5, window_bounds = array<i64: 1, 128>}, {pipeline_mode = #tpu.pipeline_mode<synchronous>, transform_indices = @transform_6, window_bounds = array<i64: 128, 128>}, {transform_indices = @transform_7, window_bounds = array<i64: 2000, 128>}, {transform_indices = @transform_8, window_bounds = array<i64: 2000, 128>}]} {
    %get3A = arith.constant 0 : index
    %get3A_0 = arith.constant 0 : index
    %get3A_1 = arith.constant 0 : index
    %get3A_2 = vector.load %arg1[%get3A, %get3A_0, %get3A_1] : memref<2x2000x128xf32, #tpu.memory_space<vmem>>, vector<2x2000x128xf32>
    %get3A_3 = arith.constant 0 : index
    %get3A_4 = arith.constant 0 : index
    %get3A_5 = vector.load %arg2[%get3A_3, %get3A_4] : memref<2000x32xf32, #tpu.memory_space<vmem>>, vector<2000x32xf32>
    %slice3A = vector.extract_strided_slice %get3A_2 {offsets = [0, 0, 0], sizes = [1, 2000, 128], strides = [1, 1, 1]} : vector<2x2000x128xf32> to vector<1x2000x128xf32>
    %squeeze3A = vector.shape_cast %slice3A : vector<1x2000x128xf32> to vector<2000x128xf32>
    %slice3A_6 = vector.extract_strided_slice %get3A_2 {offsets = [1, 0, 0], sizes = [1, 2000, 128], strides = [1, 1, 1]} : vector<2x2000x128xf32> to vector<1x2000x128xf32>
    %squeeze3A_7 = vector.shape_cast %slice3A_6 : vector<1x2000x128xf32> to vector<2000x128xf32>
    %add3A = arith.addf %squeeze3A, %squeeze3A_7 : vector<2000x128xf32>
    %reduce_sum3A = arith.constant dense<0.000000e+00> : vector<2000xf32>
    %reduce_sum3A_8 = vector.multi_reduction <add>, %get3A_5, %reduce_sum3A [1] : vector<2000x32xf32> to vector<2000xf32>
    %broadcast_in_dim3A = vector.shape_cast %reduce_sum3A_8 : vector<2000xf32> to vector<2000x1xf32>
    %max3A = arith.constant 1.000000e+00 : f32
    %max3A_9 = vector.broadcast %max3A : f32 to vector<2000x1xf32>
    %max3A_10 = arith.maximumf %broadcast_in_dim3A, %max3A_9 : vector<2000x1xf32>
    %div3A = vector.broadcast %max3A_10 : vector<2000x1xf32> to vector<2000x128xf32>
    %div3A_11 = arith.divf %add3A, %div3A : vector<2000x128xf32>
    %get3A_12 = arith.constant 0 : index
    %get3A_13 = arith.constant 0 : index
    %get3A_14 = vector.load %arg4[%get3A_12, %get3A_13] : memref<1x128xf32, #tpu.memory_space<vmem>>, vector<1x128xf32>
    %add3A_15 = vector.broadcast %get3A_14 : vector<1x128xf32> to vector<2000x128xf32>
    %add3A_16 = arith.addf %div3A_11, %add3A_15 : vector<2000x128xf32>
    %get3A_17 = arith.constant 0 : index
    %get3A_18 = arith.constant 0 : index
    %get3A_19 = vector.load %arg3[%get3A_17, %get3A_18] : memref<2000x128xf32, #tpu.memory_space<vmem>>, vector<2000x128xf32>
    %add3A_20 = arith.addf %add3A_16, %get3A_19 : vector<2000x128xf32>
    %get3A_21 = arith.constant 0 : index
    %get3A_22 = arith.constant 0 : index
    %get3A_23 = vector.load %arg5[%get3A_21, %get3A_22] : memref<1x128xf32, #tpu.memory_space<vmem>>, vector<1x128xf32>
    %get3A_24 = arith.constant 0 : index
    %get3A_25 = arith.constant 0 : index
    %get3A_26 = vector.load %arg6[%get3A_24, %get3A_25] : memref<1x128xf32, #tpu.memory_space<vmem>>, vector<1x128xf32>
    %reduce_sum3A_27 = arith.constant dense<0.000000e+00> : vector<2000xf32>
    %reduce_sum3A_28 = vector.multi_reduction <add>, %add3A_20, %reduce_sum3A_27 [1] : vector<2000x128xf32> to vector<2000xf32>
    %broadcast_in_dim3A_29 = vector.shape_cast %reduce_sum3A_28 : vector<2000xf32> to vector<2000x1xf32>
    %div3A_30 = arith.constant 1.280000e+02 : f32
    %div3A_31 = vector.broadcast %div3A_30 : f32 to vector<2000x1xf32>
    %div3A_32 = arith.divf %broadcast_in_dim3A_29, %div3A_31 : vector<2000x1xf32>
    %sub3A = vector.broadcast %div3A_32 : vector<2000x1xf32> to vector<2000x128xf32>
    %sub3A_33 = arith.subf %add3A_20, %sub3A : vector<2000x128xf32>
    %integer_pow3A = arith.mulf %sub3A_33, %sub3A_33 : vector<2000x128xf32>
    %reduce_sum3A_34 = arith.constant dense<0.000000e+00> : vector<2000xf32>
    %reduce_sum3A_35 = vector.multi_reduction <add>, %integer_pow3A, %reduce_sum3A_34 [1] : vector<2000x128xf32> to vector<2000xf32>
    %broadcast_in_dim3A_36 = vector.shape_cast %reduce_sum3A_35 : vector<2000xf32> to vector<2000x1xf32>
    %div3A_37 = arith.constant 1.280000e+02 : f32
    %div3A_38 = vector.broadcast %div3A_37 : f32 to vector<2000x1xf32>
    %div3A_39 = arith.divf %broadcast_in_dim3A_36, %div3A_38 : vector<2000x1xf32>
    %sub3A_40 = vector.broadcast %div3A_32 : vector<2000x1xf32> to vector<2000x128xf32>
    %sub3A_41 = arith.subf %add3A_20, %sub3A_40 : vector<2000x128xf32>
    %add3A_42 = arith.constant 9.99999974E-6 : f32
    %add3A_43 = vector.broadcast %add3A_42 : f32 to vector<2000x1xf32>
    %add3A_44 = arith.addf %div3A_39, %add3A_43 : vector<2000x1xf32>
    %rsqrt3A = math.rsqrt %add3A_44 : vector<2000x1xf32>
    %mul3A = vector.broadcast %rsqrt3A : vector<2000x1xf32> to vector<2000x128xf32>
    %mul3A_45 = arith.mulf %sub3A_41, %mul3A : vector<2000x128xf32>
    %mul3A_46 = vector.broadcast %get3A_23 : vector<1x128xf32> to vector<2000x128xf32>
    %mul3A_47 = arith.mulf %mul3A_45, %mul3A_46 : vector<2000x128xf32>
    %add3A_48 = vector.broadcast %get3A_26 : vector<1x128xf32> to vector<2000x128xf32>
    %add3A_49 = arith.addf %mul3A_47, %add3A_48 : vector<2000x128xf32>
    %max3A_50 = arith.constant 0.000000e+00 : f32
    %max3A_51 = vector.broadcast %max3A_50 : f32 to vector<2000x128xf32>
    %max3A_52 = arith.maximumf %add3A_49, %max3A_51 : vector<2000x128xf32>
    %get3A_53 = arith.constant 0 : index
    %get3A_54 = arith.constant 0 : index
    %get3A_55 = vector.load %arg7[%get3A_53, %get3A_54] : memref<128x128xf32, #tpu.memory_space<vmem>>, vector<128x128xf32>
    %dot_general3A = arith.constant dense<0.000000e+00> : vector<2000x128xf32>
    %dot_general3A_56 = tpu.matmul %max3A_52, %get3A_55, %dot_general3A {dimension_numbers = #tpu.dot_dimension_numbers<[1], [0], [0], [1], [0, 0, 1, 1], [], []>, transpose_lhs_hint = false} : vector<2000x128xf32>, vector<128x128xf32>, vector<2000x128xf32> -> vector<2000x128xf32>
    %swap3A = arith.constant 0 : index
    %swap3A_57 = arith.constant 0 : index
    %swap3A_58 = vector.load %arg8[%swap3A, %swap3A_57] : memref<2000x128xf32, #tpu.memory_space<vmem>>, vector<2000x128xf32>
    tpu.vector_store %arg8[%swap3A, %swap3A_57], %dot_general3A_56 {strides = array<i32>} : memref<2000x128xf32, #tpu.memory_space<vmem>>, vector<2000x128xf32>,
    %swap3A_59 = arith.constant 0 : index
    %swap3A_60 = arith.constant 0 : index
    %swap3A_61 = vector.load %arg9[%swap3A_59, %swap3A_60] : memref<2000x128xf32, #tpu.memory_space<vmem>>, vector<2000x128xf32>
    tpu.vector_store %arg9[%swap3A_59, %swap3A_60], %max3A_52 {strides = array<i32>} : memref<2000x128xf32, #tpu.memory_space<vmem>>, vector<2000x128xf32>,
    return
  }
  func.func @transform_0(%arg0: i32) -> (i32, i32, i32) {
    %c0_i32 = arith.constant 0 : i32
    %c0_i32_0 = arith.constant 0 : i32
    %c0_i32_1 = arith.constant 0 : i32
    return %c0_i32, %arg0, %c0_i32_0 : i32, i32, i32
  }
  func.func @transform_1(%arg0: i32) -> (i32, i32) {
    %c0_i32 = arith.constant 0 : i32
    %c0_i32_0 = arith.constant 0 : i32
    return %arg0, %c0_i32 : i32, i32
  }
  func.func @transform_2(%arg0: i32) -> (i32, i32) {
    %c0_i32 = arith.constant 0 : i32
    %c0_i32_0 = arith.constant 0 : i32
    return %arg0, %c0_i32 : i32, i32
  }
  func.func @transform_3(%arg0: i32) -> (i32, i32) {
    %c0_i32 = arith.constant 0 : i32
    %c0_i32_0 = arith.constant 0 : i32
    %c0_i32_1 = arith.constant 0 : i32
    return %c0_i32, %c0_i32_0 : i32, i32
  }
  func.func @transform_4(%arg0: i32) -> (i32, i32) {
    %c0_i32 = arith.constant 0 : i32
    %c0_i32_0 = arith.constant 0 : i32
    %c0_i32_1 = arith.constant 0 : i32
    return %c0_i32, %c0_i32_0 : i32, i32
  }
  func.func @transform_5(%arg0: i32) -> (i32, i32) {
    %c0_i32 = arith.constant 0 : i32
    %c0_i32_0 = arith.constant 0 : i32
    %c0_i32_1 = arith.constant 0 : i32
    return %c0_i32, %c0_i32_0 : i32, i32
  }
  func.func @transform_6(%arg0: i32) -> (i32, i32) {
    %c0_i32 = arith.constant 0 : i32
    %c0_i32_0 = arith.constant 0 : i32
    %c0_i32_1 = arith.constant 0 : i32
    return %c0_i32, %c0_i32_0 : i32, i32
  }
  func.func @transform_7(%arg0: i32) -> (i32, i32) {
    %c0_i32 = arith.constant 0 : i32
    %c0_i32_0 = arith.constant 0 : i32
    return %arg0, %c0_i32 : i32, i32
  }
  func.func @transform_8(%arg0: i32) -> (i32, i32) {
    %c0_i32 = arith.constant 0 : i32
    %c0_i32_0 = arith.constant 0 : i32
    return %arg0, %c0_i32 : i32, i32
  }
}

module attributes {stable_mosaic.version = 14 : i64} {
  func.func @_tc_mm_body(%arg0: i32, %arg1: memref<2000x128xf32, #tpu.memory_space<vmem>>, %arg2: memref<128x128xf32, #tpu.memory_space<vmem>>, %arg3: memref<2000x128xf32, #tpu.memory_space<vmem>>) attributes {dimension_semantics = [#tpu.dimension_semantics<arbitrary>], iteration_bounds = array<i64: 5>, scalar_prefetch = 0 : i64, scratch_operands = 0 : i64, tpu.core_type = #tpu.core_type<tc>, window_params = [{transform_indices = @transform_0, window_bounds = array<i64: 2000, 128>}, {pipeline_mode = #tpu.pipeline_mode<synchronous>, transform_indices = @transform_1, window_bounds = array<i64: 128, 128>}, {transform_indices = @transform_2, window_bounds = array<i64: 2000, 128>}]} {
    %get3A = arith.constant 0 : index
    %get3A_0 = arith.constant 0 : index
    %get3A_1 = vector.load %arg1[%get3A, %get3A_0] : memref<2000x128xf32, #tpu.memory_space<vmem>>, vector<2000x128xf32>
    %get3A_2 = arith.constant 0 : index
    %get3A_3 = arith.constant 0 : index
    %get3A_4 = vector.load %arg2[%get3A_2, %get3A_3] : memref<128x128xf32, #tpu.memory_space<vmem>>, vector<128x128xf32>
    %dot_general3A = arith.constant dense<0.000000e+00> : vector<2000x128xf32>
    %dot_general3A_5 = tpu.matmul %get3A_1, %get3A_4, %dot_general3A {dimension_numbers = #tpu.dot_dimension_numbers<[1], [0], [0], [1], [0, 0, 1, 1], [], []>, transpose_lhs_hint = false} : vector<2000x128xf32>, vector<128x128xf32>, vector<2000x128xf32> -> vector<2000x128xf32>
    %swap3A = arith.constant 0 : index
    %swap3A_6 = arith.constant 0 : index
    %swap3A_7 = vector.load %arg3[%swap3A, %swap3A_6] : memref<2000x128xf32, #tpu.memory_space<vmem>>, vector<2000x128xf32>
    tpu.vector_store %arg3[%swap3A, %swap3A_6], %dot_general3A_5 {strides = array<i32>} : memref<2000x128xf32, #tpu.memory_space<vmem>>, vector<2000x128xf32>,
    return
  }
  func.func @transform_0(%arg0: i32) -> (i32, i32) {
    %c0_i32 = arith.constant 0 : i32
    %c0_i32_0 = arith.constant 0 : i32
    return %arg0, %c0_i32 : i32, i32
  }
  func.func @transform_1(%arg0: i32) -> (i32, i32) {
    %c0_i32 = arith.constant 0 : i32
    %c0_i32_0 = arith.constant 0 : i32
    %c0_i32_1 = arith.constant 0 : i32
    return %c0_i32, %c0_i32_0 : i32, i32
  }
  func.func @transform_2(%arg0: i32) -> (i32, i32) {
    %c0_i32 = arith.constant 0 : i32
    %c0_i32_0 = arith.constant 0 : i32
    return %arg0, %c0_i32 : i32, i32
  }
}

module attributes {stable_mosaic.version = 14 : i64} {
  func.func @_tc_post_body(%arg0: i32, %arg1: memref<2000x128xf32, #tpu.memory_space<vmem>>, %arg2: memref<2x2000x128xf32, #tpu.memory_space<vmem>>, %arg3: memref<2000x32xf32, #tpu.memory_space<vmem>>, %arg4: memref<2000x128xf32, #tpu.memory_space<vmem>>, %arg5: memref<1x128xf32, #tpu.memory_space<vmem>>, %arg6: memref<2000x128xf32, #tpu.memory_space<vmem>>) attributes {dimension_semantics = [#tpu.dimension_semantics<arbitrary>], iteration_bounds = array<i64: 5>, scalar_prefetch = 0 : i64, scratch_operands = 0 : i64, tpu.core_type = #tpu.core_type<tc>, window_params = [{transform_indices = @transform_0, window_bounds = array<i64: 2000, 128>}, {transform_indices = @transform_1, window_bounds = array<i64: 2, 2000, 128>}, {transform_indices = @transform_2, window_bounds = array<i64: 2000, 32>}, {transform_indices = @transform_3, window_bounds = array<i64: 2000, 128>}, {pipeline_mode = #tpu.pipeline_mode<synchronous>, transform_indices = @transform_4, window_bounds = array<i64: 1, 128>}, {transform_indices = @transform_5, window_bounds = array<i64: 2000, 128>}]} {
    %get3A = arith.constant 0 : index
    %get3A_0 = arith.constant 0 : index
    %get3A_1 = arith.constant 0 : index
    %get3A_2 = vector.load %arg2[%get3A, %get3A_0, %get3A_1] : memref<2x2000x128xf32, #tpu.memory_space<vmem>>, vector<2x2000x128xf32>
    %get3A_3 = arith.constant 0 : index
    %get3A_4 = arith.constant 0 : index
    %get3A_5 = vector.load %arg3[%get3A_3, %get3A_4] : memref<2000x32xf32, #tpu.memory_space<vmem>>, vector<2000x32xf32>
    %slice3A = vector.extract_strided_slice %get3A_2 {offsets = [0, 0, 0], sizes = [1, 2000, 128], strides = [1, 1, 1]} : vector<2x2000x128xf32> to vector<1x2000x128xf32>
    %squeeze3A = vector.shape_cast %slice3A : vector<1x2000x128xf32> to vector<2000x128xf32>
    %slice3A_6 = vector.extract_strided_slice %get3A_2 {offsets = [1, 0, 0], sizes = [1, 2000, 128], strides = [1, 1, 1]} : vector<2x2000x128xf32> to vector<1x2000x128xf32>
    %squeeze3A_7 = vector.shape_cast %slice3A_6 : vector<1x2000x128xf32> to vector<2000x128xf32>
    %add3A = arith.addf %squeeze3A, %squeeze3A_7 : vector<2000x128xf32>
    %reduce_sum3A = arith.constant dense<0.000000e+00> : vector<2000xf32>
    %reduce_sum3A_8 = vector.multi_reduction <add>, %get3A_5, %reduce_sum3A [1] : vector<2000x32xf32> to vector<2000xf32>
    %broadcast_in_dim3A = vector.shape_cast %reduce_sum3A_8 : vector<2000xf32> to vector<2000x1xf32>
    %max3A = arith.constant 1.000000e+00 : f32
    %max3A_9 = vector.broadcast %max3A : f32 to vector<2000x1xf32>
    %max3A_10 = arith.maximumf %broadcast_in_dim3A, %max3A_9 : vector<2000x1xf32>
    %div3A = vector.broadcast %max3A_10 : vector<2000x1xf32> to vector<2000x128xf32>
    %div3A_11 = arith.divf %add3A, %div3A : vector<2000x128xf32>
    %get3A_12 = arith.constant 0 : index
    %get3A_13 = arith.constant 0 : index
    %get3A_14 = vector.load %arg5[%get3A_12, %get3A_13] : memref<1x128xf32, #tpu.memory_space<vmem>>, vector<1x128xf32>
    %add3A_15 = vector.broadcast %get3A_14 : vector<1x128xf32> to vector<2000x128xf32>
    %add3A_16 = arith.addf %div3A_11, %add3A_15 : vector<2000x128xf32>
    %get3A_17 = arith.constant 0 : index
    %get3A_18 = arith.constant 0 : index
    %get3A_19 = vector.load %arg4[%get3A_17, %get3A_18] : memref<2000x128xf32, #tpu.memory_space<vmem>>, vector<2000x128xf32>
    %add3A_20 = arith.addf %add3A_16, %get3A_19 : vector<2000x128xf32>
    %get3A_21 = arith.constant 0 : index
    %get3A_22 = arith.constant 0 : index
    %get3A_23 = vector.load %arg1[%get3A_21, %get3A_22] : memref<2000x128xf32, #tpu.memory_space<vmem>>, vector<2000x128xf32>
    %add3A_24 = arith.addf %get3A_23, %add3A_20 : vector<2000x128xf32>
    %swap3A = arith.constant 0 : index
    %swap3A_25 = arith.constant 0 : index
    %swap3A_26 = vector.load %arg6[%swap3A, %swap3A_25] : memref<2000x128xf32, #tpu.memory_space<vmem>>, vector<2000x128xf32>
    tpu.vector_store %arg6[%swap3A, %swap3A_25], %add3A_24 {strides = array<i32>} : memref<2000x128xf32, #tpu.memory_space<vmem>>, vector<2000x128xf32>,
    return
  }
  func.func @transform_0(%arg0: i32) -> (i32, i32) {
    %c0_i32 = arith.constant 0 : i32
    %c0_i32_0 = arith.constant 0 : i32
    return %arg0, %c0_i32 : i32, i32
  }
  func.func @transform_1(%arg0: i32) -> (i32, i32, i32) {
    %c0_i32 = arith.constant 0 : i32
    %c0_i32_0 = arith.constant 0 : i32
    %c0_i32_1 = arith.constant 0 : i32
    return %c0_i32, %arg0, %c0_i32_0 : i32, i32, i32
  }
  func.func @transform_2(%arg0: i32) -> (i32, i32) {
    %c0_i32 = arith.constant 0 : i32
    %c0_i32_0 = arith.constant 0 : i32
    return %arg0, %c0_i32 : i32, i32
  }
  func.func @transform_3(%arg0: i32) -> (i32, i32) {
    %c0_i32 = arith.constant 0 : i32
    %c0_i32_0 = arith.constant 0 : i32
    return %arg0, %c0_i32 : i32, i32
  }
  func.func @transform_4(%arg0: i32) -> (i32, i32) {
    %c0_i32 = arith.constant 0 : i32
    %c0_i32_0 = arith.constant 0 : i32
    %c0_i32_1 = arith.constant 0 : i32
    return %c0_i32, %c0_i32_0 : i32, i32
  }
  func.func @transform_5(%arg0: i32) -> (i32, i32) {
    %c0_i32 = arith.constant 0 : i32
    %c0_i32_0 = arith.constant 0 : i32
    return %arg0, %c0_i32 : i32, i32
  }
}

</mosaic_0001>

<sc_bundles>
// kernel: kernel.12.cloned.1.call-start
scs
__scs_entry_jumppad:
0x0: {  	(pc) =	sbr.rel $0x88, $3  }
0x1: {  	(tag) =	ssettag $0x0;
	lr =	simm.s32 $0x1  }
0x2: {  	[smem:$0x3F95] =	sst lr;
	_ =	strace $0xD0000000  }
0x3: {  	_ = 	snop  }
0x4: {  	_ = 	snop  }
0x5: {  	_ = 	snop  }
0x6: {  	_ = 	snop  }
0x7: {  	_ = 	snop  }
__scs_overlays_trampoline_lowered:
0x8: {  	[smem:$0x3FA4] =	sst s0  }
0x9: {  	[smem:$0x3FA5] =	sst s1  }
0xa: {  	[smem:$0x3FA6] =	sst s2  }
0xb: {  	[smem:$0x3FA7] =	sst s3  }
0xc: {  	[smem:$0x3FA8] =	sst s4  }
0xd: {  	[smem:$0x3FA9] =	sst s5  }
0xe: {  	[smem:$0x3FAA] =	sst s6  }
0xf: {  	[smem:$0x3FAB] =	sst s7  }
0x10: {  	[smem:$0x3FAC] =	sst s8  }
0x11: {  	[smem:$0x3FAD] =	sst s9;
	s0 =	simm.s32 @!p0 $0x0  }
0x12: {  	s1 =	sld [smem:$0x3F93];
	s0 =	simm.s32 @p0 $0x1  }
0x13: {  	[smem:$0x3FAE] =	sst s0;
	s0 =	simm.s32 @!p1 $0x0  }
0x14: {  	s2 =	sld [smem:$0x3F92];
	s0 =	simm.s32 @p1 $0x1  }
0x15: {  	[smem:$0x3FAF] =	sst s0;
	s0 =	simm.s32 @!p2 $0x0  }
0x16: {  	s3 =	sld [smem:$0x3FDB];
	s0 =	simm.s32 @p2 $0x1  }
0x17: {  	s4 =	simm.s32 $0x1BF5;
	[smem:$0x3FB1] =	sst s0  }
0x18: {  	s0 =	sld [smem:$0x3F94];
	_ =	swait.ge [sflag:s4], $0x0  }
0x19: {  	s7 =	sld [smem:$0x3F95]  }
0x1a: {  	s8 =	sadd.s32 $0xFFFFE003, lr  }
0x1b: {  	s9 =	sadd.s32 $0xFFFFFEF7, lr;
	s5 =	simm.s32 $0xFFFFFFFF;
	p2 =	slt.u32 s8, $0xFFFFF086  }
0x1c: {  	p1 =	slt.u32 s9, $0xF7A;
	s5 =	simm.s32 @!p2 $0x0  }
0x1d: {  	s5 =	simm.s32 @p1 $0x1;
	p0 =	seq.s32 s7, s2  }
0x1e: {  	s7 =	smul.u32 @!p0 $0xF7A, s2;
	p2 =	seq.s32 @!p0 s5, $0x0  }
0x1f: {  	s9 =	smul.u32 $0xF7A, s1;
	s8 =	simm.s32 @!p0 $0x1BF5;
	p2 =	por !p2, p0  }
0x20: {  	[sflag:s8] =	ssyncset.s32 @!p0 $0xFFFFF086;
	s6 =	sadd.s32 @!p0 s3, s7;
	s7 =	simm.s32 @!p0 $0x108  }
0x21: {  	s3 =	sadd.s32 s3, s9;
	s6 =	sadd.s32 @!p0 $0x88, s6;
	s7 =	simm.s32 @p2 $0x1082  }
0x22: {  	[simem:s7], [sflag:s8] =	dma.local @!p0 [hbm:s6], $0xF7A  }
0x23: {  	s9 =	sor.u32 $0xD0000000, s2;
	s6 =	simm.s32 $0x108;
	_ =	swait.ge @!p0 [sflag:s8], $0x0  }
0x24: {  	s3 =	sadd.s32 $0x88, s3;
	s6 =	simm.s32 @!p1 $0x1082;
	[sflag:s4] =	ssyncset.s32 $0xFFFFF086  }
0x25: {  	[simem:s6], [sflag:s4] =	dma.local [hbm:s3], $0xF7A  }
0x26: {  	[smem:$0x3F95] =	sst s1;
	(tag) =	ssettag s2;
	_ =	strace s9  }
0x27: {  	s1 =	sld [smem:$0x3FA5]  }
0x28: {  	s2 =	sld [smem:$0x3FA6]  }
0x29: {  	s4 =	sld [smem:$0x3FA8]  }
0x2a: {  	p0 =	seq.s32 s5, $0x0;
	s5 =	sld [smem:$0x3FA9]  }
0x2b: {  	s6 =	sld [smem:$0x3FAA]  }
0x2c: {  	s7 =	sld [smem:$0x3FAB]  }
0x2d: {  	s3 =	simm.s32 $0x108;
	s8 =	sld [smem:$0x3FAC]  }
0x2e: {  	s3 =	simm.s32 @!p0 $0x1082;
	s9 =	sld [smem:$0x3FAD]  }
0x2f: {  	lr =	sadd.s32 s0, s3;
	s0 =	sld [smem:$0x3FA4]  }
0x30: {  	s3 =	sld [smem:$0x3FA7]  }
0x31: {  	[smem:$0x3FB0] =	sst s10  }
0x32: {  	s10 =	sld [smem:$0x3FAE];
	_ =	sdelay $0x3  }
0x33: {  	p0 =	seq.s32 s10, $0x1;
	s10 =	sld [smem:$0x3FB0];
	_ =	sdelay $0x3  }
0x34: {  	[smem:$0x3FB0] =	sst s10  }
0x35: {  	s10 =	sld [smem:$0x3FAF];
	_ =	sdelay $0x3  }
0x36: {  	p1 =	seq.s32 s10, $0x1;
	s10 =	sld [smem:$0x3FB0];
	_ =	sdelay $0x3  }
0x37: {  	[smem:$0x3FB0] =	sst s10  }
0x38: {  	s10 =	sld [smem:$0x3FB1]  }
0x39: {  	_ = 	snop;
	(pc) =	sbr.ind lr, $3  }
0x3a: {  	_ = 	snop  }
0x3b: {  	_ = 	snop  }
0x3c: {  	p2 =	seq.s32 s10, $0x1;
	s10 =	sld [smem:$0x3FB0]  }
0x3d: {  	_ =	shalt  }
0x3e: {  	_ =	shalt  }
0x3f: {  	_ =	shalt  }
0x40: {  	_ =	shalt  }
0x41: {  	_ =	shalt  }
0x42: {  	_ =	shalt  }
0x43: {  	_ =	shalt  }
0x44: {  	_ =	shalt  }
0x45: {  	_ =	shalt  }
0x46: {  	_ =	shalt  }
0x47: {  	_ =	shalt  }
0x48: {  	_ =	shalt  }
0x49: {  	_ =	shalt  }
0x4a: {  	_ =	shalt  }
0x4b: {  	_ =	shalt  }
0x4c: {  	_ =	shalt  }
0x4d: {  	_ =	shalt  }
0x4e: {  	_ =	shalt  }
0x4f: {  	_ =	shalt  }
0x50: {  	_ =	shalt  }
0x51: {  	_ =	shalt  }
0x52: {  	_ =	shalt  }
0x53: {  	_ =	shalt  }
0x54: {  	_ =	shalt  }
0x55: {  	_ =	shalt  }
0x56: {  	_ =	shalt  }
0x57: {  	_ =	shalt  }
0x58: {  	_ =	shalt  }
0x59: {  	_ =	shalt  }
0x5a: {  	_ =	shalt  }
0x5b: {  	_ =	shalt  }
0x5c: {  	_ =	shalt  }
0x5d: {  	_ =	shalt  }
0x5e: {  	_ =	shalt  }
0x5f: {  	_ =	shalt  }
0x60: {  	_ =	shalt  }
0x61: {  	_ =	shalt  }
0x62: {  	_ =	shalt  }
0x63: {  	_ =	shalt  }
0x64: {  	_ =	shalt  }
0x65: {  	_ =	shalt  }
0x66: {  	_ =	shalt  }
0x67: {  	_ =	shalt  }
0x68: {  	_ =	shalt  }
0x69: {  	_ =	shalt  }
0x6a: {  	_ =	shalt  }
0x6b: {  	_ =	shalt  }
0x6c: {  	_ =	shalt  }
0x6d: {  	_ =	shalt  }
0x6e: {  	_ =	shalt  }
0x6f: {  	_ =	shalt  }
0x70: {  	_ =	shalt  }
0x71: {  	_ =	shalt  }
0x72: {  	_ =	shalt  }
0x73: {  	_ =	shalt  }
0x74: {  	_ =	shalt  }
0x75: {  	_ =	shalt  }
0x76: {  	_ =	shalt  }
0x77: {  	_ =	shalt  }
0x78: {  	_ =	shalt  }
0x79: {  	_ =	shalt  }
0x7a: {  	_ =	shalt  }
0x7b: {  	_ =	shalt  }
0x7c: {  	_ =	shalt  }
0x7d: {  	_ =	shalt  }
0x7e: {  	_ =	shalt  }
0x7f: {  	_ =	shalt  }
0x80: {  	_ =	shalt  }
0x81: {  	_ =	shalt  }
0x82: {  	_ =	shalt  }
0x83: {  	_ =	shalt  }
0x84: {  	_ =	shalt  }
0x85: {  	_ =	shalt  }
0x86: {  	_ =	shalt  }
0x87: {  	_ =	shalt  }
.Lfunc_end0:
.L_simem_size_0:
called_computation.1_lowered:
.L_overlay_start_0:
0x88: {  	s2 =	sld [smem:$0x3FD9]  }
0x89: {  	s3 =	sld [smem:$0x3FFE];
	_ =	sdelay $0x1  }
0x8a: {  	s1 =	srdreg.scid  }
0x8b: {  	s0 =	sand.u32 $0x1, s1  }
0x8c: {  	s17 =	sshll.u32 s0, $0xA;
	s2 =	sadd.s32 s3, s2  }
0x8d: {  	s2 =	sadd.s32 s2, s17  }
0x8e: {  	[smem:$0x3FBC] =	sst s2  }
0x8f: {  	_ = 	snop  }
0x90: {  	s2 =	sld [smem:$0x3FD0];
	(tm) =	ssettm $0x1  }
0x91: {  	s18 =	sld [smem:$0x3FFB];
	_ =	sdelay $0x3  }
0x92: {  	_ =	strace s18  }
0x93: {  	s3 =	sld [smem:$0x3FFC];
	_ =	sdelay $0x3  }
0x94: {  	_ =	strace s3  }
0x95: {  	s3 =	sld [smem:$0x3FFD];
	_ =	sdelay $0x3  }
0x96: {  	_ =	strace s3  }
0x97: {  	_ =	strace $0x8FFFFFFF  }
0x98: {  	s19 =	sld [smem:$0x3FDB];
	_ =	sdelay $0x1  }
0x99: {  	s4 =	simm.s32 $_scs_section_size  }
0x9a: {  	s5 =	simm.s32 $_size__tile_overlayer_lowered;
	s6 =	simm.s32 $_tile_overlayer_lowered  }
0x9b: {  	s22 =	simm.s32 $0x1BFF;
	s21 =	sshll.u32 s6, $0x1;
	s3 =	sadd.s32 s4, s19  }
0x9c: {  	s7 =	simm.s32 $0x0;
	s20 =	sshll.u32 s5, $0x1;
	s5 =	sadd.s32 s21, s3  }
0x9d: {  	[timem:s7], [sflag:s22] =	dma.local [hbm:s5], s20  }
0x9e: {  	_ =	swait.ge [sflag:s22], s20  }
0x9f: {  	s4 =	ssub.s32 $0x0, s20;
	[sflag:s22] =	ssyncset.done $0x0  }
0xa0: {  	[sflag:s22] =	ssyncadd.s32 s4;
	_ =	sdelay $0x1  }
0xa1: {  	s23 =	simm.s32 $0x1B8B  }
0xa2: {  	_ =	swait.ge [sflag:s23], $0x1  }
0xa3: {  	[sflag:s23] =	ssyncset.done $0x0  }
0xa4: {  	s25 =	simm.s32 $0x1B8E;
	s24 =	sld [smem:$0x3FFE];
	[sflag:s23] =	ssyncadd.s32 $0xFFFFFFFF  }
0xa5: {  	s26 =	simm.s32 $execute0_lowered;
	[smem:$0x3FD2] =	sst s25  }
0xa6: {  	s5 =	sshll.u32 s26, $0x1;
	_ =	strace $0x80000049;
	[dreg:$0x1] =	wrdreg $0xFFFFFFFF  }
0xa7: {  	s28 =	simm.s32 $_size_execute0_lowered;
	s3 =	sadd.s32 s3, s5;
	[dreg:$0x0] =	wrdreg $0x0  }
0xa8: {  	s5 =	sshll.u32 s28, $0x1;
	[dreg:$0x2] =	wrdreg s3  }
0xa9: {  	[dreg:$0x3] =	wrdreg s5  }
0xaa: {  	[dreg:$0x4] =	wrdreg $0xC0  }
0xab: {  	_ =	task [dreg:s7], $0x5FFFF  }
0xac: {  	[dreg:$0x1] =	wrdreg $0xFFFFFFFF  }
0xad: {  	[dreg:$0x0] =	wrdreg $0x60  }
0xae: {  	[dreg:$0x2] =	wrdreg s24  }
0xaf: {  	[dreg:$0x3] =	wrdreg s2  }
0xb0: {  	[dreg:$0x4] =	wrdreg $0x79E00  }
0xb1: {  	[dreg:$0x5] =	wrdreg $0x9  }
0xb2: {  	_ =	task.clear_ibuf [dreg:s7], $0x6FFFF;
	_ =	strace $0x90000049  }
0xb3: {  	s29 =	simm.s32 $0x9;
	_ =	strace $0x8000004B  }
0xb4: {  	_ =	swait.ge [sflag:s29], $0x1  }
0xb5: {  	[sflag:s29] =	ssyncadd.s32 $0xFFFFFFFF  }
0xb6: {  	_ =	strace $0x9000004B  }
0xb7: {  	_ =	sfence  }
0xb8: {  	s30 =	sld [smem:$0x0];
	_ =	sdelay $0x2  }
0xb9: {  	s31 =	sshll.u32 s1, $0xD;
	s1 =	sshrl.u32 s1, $0x2  }
0xba: {  	s3 =	sand.u32 $0x4000, s31;
	s1 =	sadd.s32 s1, s30  }
0xbb: {  	s0 =	sor.u32 s3, s0;
	s1 =	sshll.u32 s1, $0x11  }
0xbc: {  	s0 =	sor.u32 s1, s0  }
0xbd: {  	s0 =	sadd.s32 $0x8F2B, s0  }
0xbe: {  	[sflag:s0] =	ssyncadd.remote.s32 $0x1  }
0xbf: {  	_ =	sfence.sel $0xFFFF  }
0xc0: {  	[dreg:$0x0] =	wrdreg $0xFFFFFFFF;
	(pc) =	sbr.abs _section_cstart, $3  }
0xc1: {  	[dreg:$0x1] =	wrdreg $0xFFFFFFFF  }
0xc2: {  	_ =	task.clear_ibuf [dreg:s7], $0x2FFFF;
	_ =	strace $0x9FFFFFFF  }
0xc3: {  	(tm) =	ssettm $0x7FFFFFFF  }
tec
execute0_lowered:
.L_overlay_start_1:
0x0: {  	(tag) =	ssettag $0x1  }
0x1: {  	s0 =	rddreg [dreg:$0x0]  }
0x2: {  	s2 =	rddreg [dreg:$0x1]  }
0x3: {  	s3 =	rddreg [dreg:$0x2];
	s1 =	srdreg.scid  }
0x4: {  	s13 =	stileid.u32;
	s4 =	simm.s32 $0x0;
	s28 =	simm.s32 $0xA0  }
0x5: {  	s29 =	simm.s32 $0xF0;
	s30 =	simm.s32 $0x140;
	s5 =	smul.u32 $0x14000, s13  }
0x6: {  	s31 =	simm.s32 $0x1E0;
	s1 =	sand.u32 $0x1, s1;
	s19 =	smul.u32 $0x50000, s13  }
0x7: {  	[smem:$0x7FF] =	sst s4;
	s8 =	sadd.s32 $0xC000, s0;
	s6 =	smul.u32 $0x140000, s1  }
0x8: {  	s7 =	sshll.u32 s1, $0x4;
	s9 =	ssub.s32 $0x2, s1;
	s1 =	smul.u32 $0x27100, s1  }
0x9: {  	s11 =	sadd.s32 $0x2200, s0;
	s7 =	sor.u32 s13, s7;
	s13 =	smul.u32 $0x2710, s13  }
0xa: {  	_ =	strace $0x8000004A;
	s6 =	sadd.s32 s5, s6;
	s7 =	smul.u32 $0x2710, s7  }
0xb: {  	s18 =	sshrl.u32 s9, $0x1;
	s6 =	sshrl.u32 s6, $0x3;
	s1 =	sadd.s32 s13, s1  }
0xc: {  	s0 =	sadd.s32 s6, s0;
	s6 =	ssub.s32 s9, s18;
	s7 =	sshrl.u32 s7, $0x3  }
0xd: {  	s9 =	sshrl.u32 s19, $0x2;
	s21 =	sadd.s32 $0x230, s1;
	s14 =	sadd.s32 s8, s7  }
0xe: {  	s10 =	sadd.s32 $0xA, s7;
	s0 =	sadd.s32 $0x3D000, s0;
	[dreg:$0x9] =	wrdreg s14  }
0xf: {  	s23 =	sadd.s32 $0x1E0, s1;
	s12 =	sadd.s32 s8, s10;
	[dreg:$0x19] =	wrdreg s0  }
0x10: {  	s9 =	sadd.s32 s9, s3;
	s10 =	sadd.s32 s11, s10;
	[dreg:$0xa] =	wrdreg s12  }
0x11: {  	s19 =	sadd.s32 $0x140, s1;
	s20 =	sadd.s32 $0x2800, s9;
	[dreg:$0xc] =	wrdreg s10  }
0x12: {  	s1 =	sadd.s32 $0x190, s1;
	s22 =	sadd.s32 $0x5000, s9;
	[dreg:$0xd] =	wrdreg s20  }
0x13: {  	s13 =	sshrl.u32 s23, $0x3;
	s16 =	sadd.s32 $0x7800, s9;
	[dreg:$0xe] =	wrdreg s22  }
0x14: {  	s1 =	sshrl.u32 s1, $0x3;
	s24 =	sadd.s32 $0xA000, s9;
	[dreg:$0xf] =	wrdreg s16  }
0x15: {  	s25 =	sadd.s32 s13, s11;
	s26 =	sadd.s32 $0xC800, s9;
	[dreg:$0x10] =	wrdreg s24  }
0x16: {  	s17 =	sadd.s32 s13, s8;
	s18 =	sadd.s32 $0xF000, s9;
	[dreg:$0x11] =	wrdreg s26  }
0x17: {  	s9 =	sadd.s32 $0x11800, s9;
	s23 =	sadd.s32 $0x28, s14;
	[dreg:$0x5] =	wrdreg s25  }
0x18: {  	s0 =	simm.s32 $0xD;
	s13 =	simm.s32 $0x51E0;
	[dreg:$0x12] =	wrdreg s18  }
0x19: {  	s14 =	simm.s32 $0xB;
	s12 =	sadd.s32 $0x14, s7;
	[dreg:$0x6] =	wrdreg s17  }
0x1a: {  	s10 =	sadd.s32 s5, s3;
	s5 =	sshrl.u32 s21, $0x3;
	[dreg:$0x13] =	wrdreg s9  }
0x1b: {  	s21 =	sadd.s32 s1, s11;
	[dreg:$0x17] =	wrdreg s23;
	s26 =	smax.u32 s6, $0x1  }
0x1c: {  	s6 =	simm.s32 $0x8;
	s9 =	simm.s32 $0x1;
	s16 =	simm.s32 $0x3  }
0x1d: {  	s17 =	simm.s32 $0xC;
	s18 =	simm.s32 $0x5;
	[dreg:$0x8] =	wrdreg s21  }
0x1e: {  	s15 =	sadd.s32 s8, s12;
	s5 =	sadd.s32 s5, s8;
	[dreg:$0x1a] =	wrdreg s26  }
0x1f: {  	s20 =	sadd.s32 s11, s12;
	s26 =	simm.s32 $0x50;
	[dreg:$0xb] =	wrdreg s15  }
0x20: {  	s12 =	simm.s32 $0x9;
	s15 =	sadd.s32 s11, s7;
	[dreg:$0x4] =	wrdreg s5  }
0x21: {  	s5 =	sshrl.u32 s19, $0x3;
	s7 =	sadd.s32 $0x1E, s7;
	[dreg:$0x14] =	wrdreg s20  }
0x22: {  	s19 =	simm.s32 $0x6;
	s20 =	simm.s32 $0x0;
	s5 =	sadd.s32 s5, s11  }
0x23: {  	s22 =	sadd.s32 s11, s7;
	s7 =	sadd.s32 s8, s7;
	[dreg:$0x7] =	wrdreg s5  }
0x24: {  	s25 =	smov.u32 s15;
	s24 =	sadd.s32 $0x4D8, s15;
	[dreg:$0x15] =	wrdreg s22  }
0x25: {  	s11 =	simm.s32 $0x190;
	s15 =	simm.s32 $0x4;
	[dreg:$0x16] =	wrdreg s7  }
0x26: {  	s22 =	sadd.s32 s1, s8;
	[dreg:$0x18] =	wrdreg s24;
	s1 =	simm.s32 $0x7  }
0x27: {  	v0 =	vimm.f32 $0.0e+00;
	s7 =	simm.s32 $0x29E0;
	s5 =	simm.s32 $0xA;
	s8 =	simm.s32 $0x2  }
.LBB2_1:
0x28: {  	s21 =	rddreg [dreg:$0x9]  }
0x29: {  	[tilespmem:s4], [sflag:$0x7] =	stream.linear.gather [hbm4b:s21+s4], $0x50, $0x38;
	[tilespmem:$0x1B9E0] =	vst v63  }
0x2a: {  	s24 =	rddreg [dreg:$0xa]  }
0x2b: {  	[tilespmem:s26], [sflag:$0x8] =	stream.linear.gather [hbm4b:s24+s4], $0x50, $0x38;
	[tilespmem:$0x1B9E0] =	vst v63  }
0x2c: {  	s23 =	rddreg [dreg:$0xb]  }
0x2d: {  	[tilespmem:s28], [sflag:$0x9] =	stream.linear.gather [hbm4b:s23+s4], $0x50, $0x38;
	[tilespmem:$0x1B9E0] =	vst v63  }
0x2e: {  	_ = 	snop  }
0x2f: {  	[tilespmem:s29], [sflag:$0xA] =	stream.linear.gather [hbm4b:s25+s4], $0x50, $0x38;
	[tilespmem:$0x1B9E0] =	vst v63  }
0x30: {  	s21 =	simm.s32 $0x0;
	s24 =	rddreg [dreg:$0xc];
	s23 =	simm.s32 $0x200  }
0x31: {  	[tilespmem:s30], [sflag:$0xB] =	stream.linear.gather [hbm4b:s24+s4], $0x50, $0x38;
	[tilespmem:$0x1B9E0] =	vst v63  }
.LBB2_2:
0x32: {  	p0 =	sne.s32 s23, $0x9E00;
	[tilespmem:s21+$0x250] =	vst v0  }
0x33: {  	[tilespmem:s21+$0x1E0] =	vst v0  }
0x34: {  	[tilespmem:s21+$0x1F0] =	vst v0  }
.Ltmp0:
0x35: {  	[tilespmem:s21+$0x200] =	vst v0;
	(pc) =	sbr.rel @p0 .LBB2_2-.Ltmp0, $4  }
0x36: {  	[tilespmem:s21+$0x210] =	vst v0  }
0x37: {  	[tilespmem:s21+$0x220] =	vst v0  }
0x38: {  	[tilespmem:s21+$0x230] =	vst v0  }
0x39: {  	[tilespmem:s21+$0x240] =	vst v0;
	s21 =	sshra.s32 s23, $0x2;
	s23 =	sadd.s32 $0x200, s23  }
0x3a: {  	[tilespmem:s21+$0x250] =	vst v0  }
0x3b: {  	[tilespmem:s21+$0x1E0] =	vst v0  }
0x3c: {  	[tilespmem:s21+$0x1F0] =	vst v0  }
0x3d: {  	[tilespmem:s21+$0x200] =	vst v0  }
0x3e: {  	[tilespmem:s21+$0x210] =	vst v0  }
0x3f: {  	[tilespmem:s21+$0x220] =	vst v0  }
0x40: {  	[tilespmem:s21+$0x230] =	vst v0  }
0x41: {  	[tilespmem:s21+$0x240] =	vst v0  }
0x42: {  	[spmem:s10] =	stream.linear.scatter [tilespmem:s31], [sflag:$0xD], $0x2800, $0x38;
	[tilespmem:$0x1B9E0] =	vst v63  }
0x43: {  	_ =	swait.ge [sflag:s0], $0x2800  }
0x44: {  	[sflag:s0] =	ssyncset.done $0x0  }
0x45: {  	s23 =	rddreg [dreg:$0xd];
	[sflag:s0] =	ssyncadd.s32 $0xFFFFD800  }
0x46: {  	[spmem:s23] =	stream.linear.scatter [tilespmem:s31], [sflag:$0xD], $0x2800, $0x38;
	[tilespmem:$0x1B9E0] =	vst v63  }
0x47: {  	_ =	swait.ge [sflag:s0], $0x2800  }
0x48: {  	[sflag:s0] =	ssyncset.done $0x0  }
0x49: {  	s24 =	rddreg [dreg:$0xe];
	[sflag:s0] =	ssyncadd.s32 $0xFFFFD800  }
0x4a: {  	[spmem:s24] =	stream.linear.scatter [tilespmem:s31], [sflag:$0xD], $0x2800, $0x38;
	[tilespmem:$0x1B9E0] =	vst v63  }
0x4b: {  	_ =	swait.ge [sflag:s0], $0x2800  }
0x4c: {  	[sflag:s0] =	ssyncset.done $0x0  }
0x4d: {  	s23 =	rddreg [dreg:$0xf];
	[sflag:s0] =	ssyncadd.s32 $0xFFFFD800  }
0x4e: {  	[spmem:s23] =	stream.linear.scatter [tilespmem:s31], [sflag:$0xD], $0x2800, $0x38;
	[tilespmem:$0x1B9E0] =	vst v63  }
0x4f: {  	_ =	swait.ge [sflag:s0], $0x2800  }
0x50: {  	[sflag:s0] =	ssyncset.done $0x0  }
0x51: {  	s24 =	rddreg [dreg:$0x10];
	[sflag:s0] =	ssyncadd.s32 $0xFFFFD800  }
0x52: {  	[spmem:s24] =	stream.linear.scatter [tilespmem:s31], [sflag:$0xD], $0x2800, $0x38;
	[tilespmem:$0x1B9E0] =	vst v63  }
0x53: {  	_ =	swait.ge [sflag:s0], $0x2800  }
0x54: {  	[sflag:s0] =	ssyncset.done $0x0  }
0x55: {  	s23 =	rddreg [dreg:$0x11];
	[sflag:s0] =	ssyncadd.s32 $0xFFFFD800  }
0x56: {  	[spmem:s23] =	stream.linear.scatter [tilespmem:s31], [sflag:$0xD], $0x2800, $0x38;
	[tilespmem:$0x1B9E0] =	vst v63  }
0x57: {  	_ =	swait.ge [sflag:s0], $0x2800  }
0x58: {  	[sflag:s0] =	ssyncset.done $0x0  }
0x59: {  	s24 =	rddreg [dreg:$0x12];
	[sflag:s0] =	ssyncadd.s32 $0xFFFFD800  }
0x5a: {  	[spmem:s24] =	stream.linear.scatter [tilespmem:s31], [sflag:$0xD], $0x2800, $0x38;
	[tilespmem:$0x1B9E0] =	vst v63  }
0x5b: {  	_ =	swait.ge [sflag:s0], $0x2800  }
0x5c: {  	[sflag:s0] =	ssyncset.done $0x0  }
0x5d: {  	s23 =	rddreg [dreg:$0x13];
	[sflag:s0] =	ssyncadd.s32 $0xFFFFD800  }
0x5e: {  	[spmem:s23] =	stream.linear.scatter [tilespmem:s31], [sflag:$0xD], $0x2800, $0x38;
	[tilespmem:$0x1B9E0] =	vst v63  }
0x5f: {  	_ =	swait.ge [sflag:s0], $0x2800  }
0x60: {  	[sflag:s0] =	ssyncset.done $0x0  }
0x61: {  	[sflag:s0] =	ssyncadd.s32 $0xFFFFD800  }
0x62: {  	_ =	swait.ge [sflag:s1], $0x50  }
0x63: {  	[sflag:s1] =	ssyncset.done $0x0  }
0x64: {  	s21 =	simm.s32 $0x0;
	[sflag:s1] =	ssyncadd.s32 $0xFFFFFFB0  }
0x65: {  	[tilespmem:s31], [sflag:$0x1] =	stream.indirect.gather [hbm4b:s2+s26], $0x80, s21, s26, $0xb8;
	[tilespmem:$0x1B9E0] =	vst v63  }
0x66: {  	_ =	swait.ge [sflag:s6], $0x50  }
0x67: {  	[sflag:s6] =	ssyncset.done $0x0  }
0x68: {  	[sflag:s6] =	ssyncadd.s32 $0xFFFFFFB0  }
0x69: {  	[tilespmem:s7], [sflag:$0x2] =	stream.indirect.gather [hbm4b:s2+s26], $0x80, s26, s26, $0xb8;
	[tilespmem:$0x1B9E0] =	vst v63  }
0x6a: {  	[bflag:$0x0] =	sbarrier.arrive $0xFFFF  }
0x6b: {  	_ =	swait.ge [sflag:s9], $0x2800  }
0x6c: {  	[sflag:s9] =	ssyncset.done $0x0  }
0x6d: {  	[sflag:s9] =	ssyncadd.s32 $0xFFFFD800  }
0x6e: {  	_ =	swait.ge [sflag:s5], $0x50  }
0x6f: {  	[sflag:s5] =	ssyncset.done $0x0  }
0x70: {  	[sflag:s5] =	ssyncadd.s32 $0xFFFFFFB0  }
0x71: {  	[spmem:s3] =	stream.indirect.scatter.add.f32 [tilespmem:s31], [sflag:$0x4], $0x80, s29, s26, $0xb8;
	[tilespmem:$0x1B9E0] =	vst v63  }
0x72: {  	s23 =	rddreg [dreg:$0x16]  }
0x73: {  	[tilespmem:s21], [sflag:$0x7] =	stream.linear.gather [hbm4b:s23+s21], $0x50, $0x38;
	[tilespmem:$0x1B9E0] =	vst v63  }
0x74: {  	s24 =	rddreg [dreg:$0x14]  }
0x75: {  	[tilespmem:s11], [sflag:$0xC] =	stream.linear.gather [hbm4b:s24+s21], $0x50, $0x38;
	[tilespmem:$0x1B9E0] =	vst v63  }
0x76: {  	_ =	swait.ge [sflag:s12], $0x50  }
0x77: {  	[sflag:s12] =	ssyncset.done $0x0  }
0x78: {  	[sflag:s12] =	ssyncadd.s32 $0xFFFFFFB0  }
0x79: {  	[tilespmem:s13], [sflag:$0x3] =	stream.indirect.gather [hbm4b:s2+s26], $0x80, s28, s26, $0xb8;
	[tilespmem:$0x1B9E0] =	vst v63  }
0x7a: {  	_ =	swait.ge [sflag:s8], $0x2800  }
0x7b: {  	[sflag:s8] =	ssyncset.done $0x0  }
0x7c: {  	[sflag:s8] =	ssyncadd.s32 $0xFFFFD800  }
0x7d: {  	_ =	swait.ge [sflag:s14], $0x50  }
0x7e: {  	[sflag:s14] =	ssyncset.done $0x0  }
0x7f: {  	[sflag:s14] =	ssyncadd.s32 $0xFFFFFFB0  }
0x80: {  	[spmem:s3] =	stream.indirect.scatter.add.f32 [tilespmem:s7], [sflag:$0x5], $0x80, s30, s26, $0xb8;
	[tilespmem:$0x1B9E0] =	vst v63  }
0x81: {  	s24 =	rddreg [dreg:$0x17]  }
0x82: {  	[tilespmem:s26], [sflag:$0x8] =	stream.linear.gather [hbm4b:s24+s21], $0x50, $0x38;
	[tilespmem:$0x1B9E0] =	vst v63  }
0x83: {  	_ =	swait.ge [sflag:s15], $0x2800  }
0x84: {  	[sflag:s15] =	ssyncset.done $0x0  }
0x85: {  	s24 =	rddreg [dreg:$0x15];
	[sflag:s15] =	ssyncadd.s32 $0xFFFFD800  }
0x86: {  	[tilespmem:s29], [sflag:$0xA] =	stream.linear.gather [hbm4b:s24+s21], $0x50, $0x38;
	[tilespmem:$0x1B9E0] =	vst v63  }
0x87: {  	_ =	swait.ge [sflag:s1], $0x50  }
0x88: {  	[sflag:s1] =	ssyncset.done $0x0  }
0x89: {  	[sflag:s1] =	ssyncadd.s32 $0xFFFFFFB0  }
0x8a: {  	[tilespmem:s31], [sflag:$0x1] =	stream.indirect.gather [hbm4b:s2+s26], $0x80, s21, s26, $0xb8;
	[tilespmem:$0x1B9E0] =	vst v63  }
0x8b: {  	_ =	swait.ge [sflag:s16], $0x2800  }
0x8c: {  	[sflag:s16] =	ssyncset.done $0x0  }
0x8d: {  	[sflag:s16] =	ssyncadd.s32 $0xFFFFD800  }
0x8e: {  	_ =	swait.ge [sflag:s17], $0x50  }
0x8f: {  	[sflag:s17] =	ssyncset.done $0x0  }
0x90: {  	[sflag:s17] =	ssyncadd.s32 $0xFFFFFFB0  }
0x91: {  	[spmem:s3] =	stream.indirect.scatter.add.f32 [tilespmem:s13], [sflag:$0x6], $0x80, s11, s26, $0xb8;
	[tilespmem:$0x1B9E0] =	vst v63  }
0x92: {  	s23 =	sadd.s32 $0x0, s22  }
0x93: {  	[tilespmem:s28], [sflag:$0x9] =	stream.linear.gather [hbm4b:s23+s4], $0x50, $0x38;
	[tilespmem:$0x1B9E0] =	vst v63  }
0x94: {  	_ =	swait.ge [sflag:s18], $0x2800  }
0x95: {  	s24 =	rddreg [dreg:$0x7];
	[sflag:s18] =	ssyncset.done $0x0  }
0x96: {  	[sflag:s18] =	ssyncadd.s32 $0xFFFFD800;
	s21 =	sadd.s32 $0x0, s24  }
0x97: {  	[tilespmem:s30], [sflag:$0xB] =	stream.linear.gather [hbm4b:s21+s4], $0x50, $0x38;
	[tilespmem:$0x1B9E0] =	vst v63  }
0x98: {  	_ =	swait.ge [sflag:s6], $0x50  }
0x99: {  	[sflag:s6] =	ssyncset.done $0x0  }
0x9a: {  	[sflag:s6] =	ssyncadd.s32 $0xFFFFFFB0  }
0x9b: {  	[tilespmem:s7], [sflag:$0x2] =	stream.indirect.gather [hbm4b:s2+s26], $0x80, s26, s26, $0xb8;
	[tilespmem:$0x1B9E0] =	vst v63  }
0x9c: {  	_ =	swait.ge [sflag:s9], $0x2800  }
0x9d: {  	[sflag:s9] =	ssyncset.done $0x0  }
0x9e: {  	[sflag:s9] =	ssyncadd.s32 $0xFFFFD800  }
0x9f: {  	_ =	swait.ge [sflag:s5], $0x50  }
0xa0: {  	[sflag:s5] =	ssyncset.done $0x0  }
0xa1: {  	s23 =	rddreg [dreg:$0x6];
	[sflag:s5] =	ssyncadd.s32 $0xFFFFFFB0  }
0xa2: {  	[spmem:s3] =	stream.indirect.scatter.add.f32 [tilespmem:s31], [sflag:$0x4], $0x80, s29, s26, $0xb8;
	[tilespmem:$0x1B9E0] =	vst v63  }
0xa3: {  	s21 =	sadd.s32 $0x0, s23  }
0xa4: {  	[tilespmem:s4], [sflag:$0x7] =	stream.linear.gather [hbm4b:s21+s4], $0x50, $0x38;
	[tilespmem:$0x1B9E0] =	vst v63  }
0xa5: {  	_ =	swait.ge [sflag:s19], $0x2800  }
0xa6: {  	s24 =	rddreg [dreg:$0x8];
	[sflag:s19] =	ssyncset.done $0x0  }
0xa7: {  	[sflag:s19] =	ssyncadd.s32 $0xFFFFD800;
	s21 =	sadd.s32 $0x0, s24  }
0xa8: {  	[tilespmem:s11], [sflag:$0xC] =	stream.linear.gather [hbm4b:s21+s4], $0x50, $0x38;
	[tilespmem:$0x1B9E0] =	vst v63  }
0xa9: {  	_ =	swait.ge [sflag:s12], $0x50  }
0xaa: {  	[sflag:s12] =	ssyncset.done $0x0  }
0xab: {  	[sflag:s12] =	ssyncadd.s32 $0xFFFFFFB0  }
0xac: {  	[tilespmem:s13], [sflag:$0x3] =	stream.indirect.gather [hbm4b:s2+s26], $0x80, s28, s26, $0xb8;
	[tilespmem:$0x1B9E0] =	vst v63  }
0xad: {  	_ =	swait.ge [sflag:s8], $0x2800  }
0xae: {  	[sflag:s8] =	ssyncset.done $0x0  }
0xaf: {  	[sflag:s8] =	ssyncadd.s32 $0xFFFFD800  }
0xb0: {  	_ =	swait.ge [sflag:s14], $0x50  }
0xb1: {  	[sflag:s14] =	ssyncset.done $0x0  }
0xb2: {  	s23 =	rddreg [dreg:$0x4];
	[sflag:s14] =	ssyncadd.s32 $0xFFFFFFB0  }
0xb3: {  	[spmem:s3] =	stream.indirect.scatter.add.f32 [tilespmem:s7], [sflag:$0x5], $0x80, s30, s26, $0xb8;
	[tilespmem:$0x1B9E0] =	vst v63  }
0xb4: {  	s21 =	sadd.s32 $0x0, s23  }
0xb5: {  	[tilespmem:s26], [sflag:$0x8] =	stream.linear.gather [hbm4b:s21+s4], $0x50, $0x38;
	[tilespmem:$0x1B9E0] =	vst v63  }
0xb6: {  	_ =	swait.ge [sflag:s15], $0x2800  }
0xb7: {  	s24 =	rddreg [dreg:$0x5];
	[sflag:s15] =	ssyncset.done $0x0  }
0xb8: {  	[sflag:s15] =	ssyncadd.s32 $0xFFFFD800;
	s21 =	sadd.s32 $0x0, s24  }
0xb9: {  	[tilespmem:s29], [sflag:$0xA] =	stream.linear.gather [hbm4b:s21+s4], $0x50, $0x38;
	[tilespmem:$0x1B9E0] =	vst v63  }
0xba: {  	_ =	swait.ge [sflag:s1], $0x50  }
0xbb: {  	[sflag:s1] =	ssyncset.done $0x0  }
0xbc: {  	s21 =	simm.s32 $0x1E;
	[sflag:s1] =	ssyncadd.s32 $0xFFFFFFB0  }
.LBB2_4:
0xbd: {  	[tilespmem:s31], [sflag:$0x1] =	stream.indirect.gather [hbm4b:s2+s26], $0x80, s4, s26, $0xb8;
	[tilespmem:$0x1B9E0] =	vst v63  }
0xbe: {  	_ =	swait.ge [sflag:s16], $0x2800  }
0xbf: {  	[sflag:s16] =	ssyncset.done $0x0  }
0xc0: {  	[sflag:s16] =	ssyncadd.s32 $0xFFFFD800  }
0xc1: {  	_ =	swait.ge [sflag:s17], $0x50  }
0xc2: {  	[sflag:s17] =	ssyncset.done $0x0  }
0xc3: {  	s23 =	smov.u32 s21;
	[sflag:s17] =	ssyncadd.s32 $0xFFFFFFB0  }
0xc4: {  	[spmem:s3] =	stream.indirect.scatter.add.f32 [tilespmem:s13], [sflag:$0x6], $0x80, s11, s26, $0xb8;
	[tilespmem:$0x1B9E0] =	vst v63  }
0xc5: {  	s24 =	sadd.s32 s23, s22  }
0xc6: {  	[tilespmem:s28], [sflag:$0x9] =	stream.linear.gather [hbm4b:s24+s4], $0x50, $0x38;
	[tilespmem:$0x1B9E0] =	vst v63  }
0xc7: {  	_ =	swait.ge [sflag:s18], $0x2800  }
0xc8: {  	s24 =	rddreg [dreg:$0x7];
	[sflag:s18] =	ssyncset.done $0x0  }
0xc9: {  	[sflag:s18] =	ssyncadd.s32 $0xFFFFD800;
	s24 =	sadd.s32 s23, s24  }
0xca: {  	[tilespmem:s30], [sflag:$0xB] =	stream.linear.gather [hbm4b:s24+s4], $0x50, $0x38;
	[tilespmem:$0x1B9E0] =	vst v63  }
0xcb: {  	_ =	swait.ge [sflag:s6], $0x50  }
0xcc: {  	[sflag:s6] =	ssyncset.done $0x0  }
0xcd: {  	[sflag:s6] =	ssyncadd.s32 $0xFFFFFFB0  }
0xce: {  	[tilespmem:s7], [sflag:$0x2] =	stream.indirect.gather [hbm4b:s2+s26], $0x80, s26, s26, $0xb8;
	[tilespmem:$0x1B9E0] =	vst v63  }
0xcf: {  	_ =	swait.ge [sflag:s9], $0x2800  }
0xd0: {  	[sflag:s9] =	ssyncset.done $0x0  }
0xd1: {  	[sflag:s9] =	ssyncadd.s32 $0xFFFFD800  }
0xd2: {  	_ =	swait.ge [sflag:s5], $0x50  }
0xd3: {  	[sflag:s5] =	ssyncset.done $0x0  }
0xd4: {  	s24 =	rddreg [dreg:$0x6];
	[sflag:s5] =	ssyncadd.s32 $0xFFFFFFB0  }
0xd5: {  	[spmem:s3] =	stream.indirect.scatter.add.f32 [tilespmem:s31], [sflag:$0x4], $0x80, s29, s26, $0xb8;
	[tilespmem:$0x1B9E0] =	vst v63  }
0xd6: {  	s24 =	sadd.s32 s23, s24  }
0xd7: {  	[tilespmem:s4], [sflag:$0x7] =	stream.linear.gather [hbm4b:s24+s4], $0x50, $0x38;
	[tilespmem:$0x1B9E0] =	vst v63  }
0xd8: {  	_ =	swait.ge [sflag:s19], $0x2800  }
0xd9: {  	s24 =	rddreg [dreg:$0x8];
	[sflag:s19] =	ssyncset.done $0x0  }
0xda: {  	[sflag:s19] =	ssyncadd.s32 $0xFFFFD800;
	s24 =	sadd.s32 s23, s24  }
0xdb: {  	[tilespmem:s11], [sflag:$0xC] =	stream.linear.gather [hbm4b:s24+s4], $0x50, $0x38;
	[tilespmem:$0x1B9E0] =	vst v63  }
0xdc: {  	_ =	swait.ge [sflag:s12], $0x50  }
0xdd: {  	[sflag:s12] =	ssyncset.done $0x0  }
0xde: {  	[sflag:s12] =	ssyncadd.s32 $0xFFFFFFB0  }
0xdf: {  	[tilespmem:s13], [sflag:$0x3] =	stream.indirect.gather [hbm4b:s2+s26], $0x80, s28, s26, $0xb8;
	[tilespmem:$0x1B9E0] =	vst v63  }
0xe0: {  	_ =	swait.ge [sflag:s8], $0x2800  }
0xe1: {  	[sflag:s8] =	ssyncset.done $0x0  }
0xe2: {  	[sflag:s8] =	ssyncadd.s32 $0xFFFFD800  }
0xe3: {  	_ =	swait.ge [sflag:s14], $0x50  }
0xe4: {  	[sflag:s14] =	ssyncset.done $0x0  }
0xe5: {  	s24 =	rddreg [dreg:$0x4];
	[sflag:s14] =	ssyncadd.s32 $0xFFFFFFB0  }
0xe6: {  	[spmem:s3] =	stream.indirect.scatter.add.f32 [tilespmem:s7], [sflag:$0x5], $0x80, s30, s26, $0xb8;
	[tilespmem:$0x1B9E0] =	vst v63  }
0xe7: {  	s24 =	sadd.s32 s23, s24  }
0xe8: {  	[tilespmem:s26], [sflag:$0x8] =	stream.linear.gather [hbm4b:s24+s4], $0x50, $0x38;
	[tilespmem:$0x1B9E0] =	vst v63  }
0xe9: {  	_ =	swait.ge [sflag:s15], $0x2800  }
0xea: {  	p0 =	sne.s32 s21, $0x492;
	s24 =	rddreg [dreg:$0x5];
	[sflag:s15] =	ssyncset.done $0x0  }
.Ltmp1:
0xeb: {  	[sflag:s15] =	ssyncadd.s32 $0xFFFFD800;
	s23 =	sadd.s32 s23, s24;
	(pc) =	sbr.rel @p0 .LBB2_4-.Ltmp1, $4  }
0xec: {  	[tilespmem:s29], [sflag:$0xA] =	stream.linear.gather [hbm4b:s23+s4], $0x50, $0x38;
	[tilespmem:$0x1B9E0] =	vst v63  }
0xed: {  	_ =	swait.ge [sflag:s1], $0x50  }
0xee: {  	[sflag:s1] =	ssyncset.done $0x0  }
0xef: {  	s21 =	sadd.s32 $0x1E, s21;
	[sflag:s1] =	ssyncadd.s32 $0xFFFFFFB0  }
0xf0: {  	[tilespmem:s31], [sflag:$0x1] =	stream.indirect.gather [hbm4b:s2+s26], $0x80, s4, s26, $0xb8;
	[tilespmem:$0x1B9E0] =	vst v63  }
0xf1: {  	_ =	swait.ge [sflag:s16], $0x2800  }
0xf2: {  	[sflag:s16] =	ssyncset.done $0x0  }
0xf3: {  	[sflag:s16] =	ssyncadd.s32 $0xFFFFD800  }
0xf4: {  	_ =	swait.ge [sflag:s17], $0x50  }
0xf5: {  	[sflag:s17] =	ssyncset.done $0x0  }
0xf6: {  	[sflag:s17] =	ssyncadd.s32 $0xFFFFFFB0  }
0xf7: {  	[spmem:s3] =	stream.indirect.scatter.add.f32 [tilespmem:s13], [sflag:$0x6], $0x80, s11, s26, $0xb8;
	[tilespmem:$0x1B9E0] =	vst v63  }
0xf8: {  	_ =	swait.ge [sflag:s18], $0x2800  }
0xf9: {  	[sflag:s18] =	ssyncset.done $0x0  }
0xfa: {  	s21 =	rddreg [dreg:$0x18];
	[sflag:s18] =	ssyncadd.s32 $0xFFFFD800  }
0xfb: {  	[tilespmem:s30], [sflag:$0xB] =	stream.linear.gather [hbm4b:s21+s4], $0x50, $0x38;
	[tilespmem:$0x1B9E0] =	vst v63  }
0xfc: {  	_ =	swait.ge [sflag:s6], $0x50  }
0xfd: {  	[sflag:s6] =	ssyncset.done $0x0  }
0xfe: {  	[sflag:s6] =	ssyncadd.s32 $0xFFFFFFB0  }
0xff: {  	[tilespmem:s7], [sflag:$0x2] =	stream.indirect.gather [hbm4b:s2+s26], $0x80, s26, s26, $0xb8;
	[tilespmem:$0x1B9E0] =	vst v63  }
0x100: {  	_ =	swait.ge [sflag:s9], $0x2800  }
0x101: {  	[sflag:s9] =	ssyncset.done $0x0  }
0x102: {  	[sflag:s9] =	ssyncadd.s32 $0xFFFFD800  }
0x103: {  	_ =	swait.ge [sflag:s5], $0x50  }
0x104: {  	[sflag:s5] =	ssyncset.done $0x0  }
0x105: {  	[sflag:s5] =	ssyncadd.s32 $0xFFFFFFB0  }
0x106: {  	[spmem:s3] =	stream.indirect.scatter.add.f32 [tilespmem:s31], [sflag:$0x4], $0x80, s29, s26, $0xb8;
	[tilespmem:$0x1B9E0] =	vst v63  }
0x107: {  	_ =	swait.ge [sflag:s19], $0x2800  }
0x108: {  	[sflag:s19] =	ssyncset.done $0x0  }
0x109: {  	[sflag:s19] =	ssyncadd.s32 $0xFFFFD800  }
0x10a: {  	_ =	swait.ge [sflag:s8], $0x2800  }
0x10b: {  	[sflag:s8] =	ssyncset.done $0x0  }
0x10c: {  	[sflag:s8] =	ssyncadd.s32 $0xFFFFD800  }
0x10d: {  	_ =	swait.ge [sflag:s14], $0x50  }
0x10e: {  	[sflag:s14] =	ssyncset.done $0x0  }
0x10f: {  	[sflag:s14] =	ssyncadd.s32 $0xFFFFFFB0  }
0x110: {  	[spmem:s3] =	stream.indirect.scatter.add.f32 [tilespmem:s7], [sflag:$0x5], $0x80, s30, s26, $0xb8;
	[tilespmem:$0x1B9E0] =	vst v63  }
0x111: {  	_ =	swait.ge [sflag:s15], $0x2800  }
0x112: {  	[sflag:s15] =	ssyncset.done $0x0  }
0x113: {  	[sflag:s15] =	ssyncadd.s32 $0xFFFFD800  }
0x114: {  	_ =	swait.ge [sflag:s18], $0x2800  }
0x115: {  	[sflag:s18] =	ssyncset.done $0x0  }
0x116: {  	s23 =	stileid.u32;
	[sflag:s18] =	ssyncadd.s32 $0xFFFFD800  }
0x117: {  	s21 =	sshll.u32 s23, $0x6;
	[bflag:$0x0] =	sbarrier.arrive $0xFFFF  }
0x118: {  	s23 =	sshrl.u32 s10, $0x3;
	s21 =	sor.u32 $0x1C0D, s21;
	s24 =	rddreg [dreg:$0x19]  }
0x119: {  	[hbm:s24], [sflag:s21] =	dma.local [spmem:s23], $0x2800  }
0x11a: {  	_ =	swait.ge [sflag:s0], $0x2800  }
0x11b: {  	s20 =	sadd.s32 $0x1, s20;
	s24 =	rddreg [dreg:$0x1a]  }
0x11c: {  	p0 =	sne.s32 s20, s24  }
.Ltmp2:
0x11d: {  	_ = 	snop;
	(pc) =	sbr.rel @p0 .LBB2_1-.Ltmp2, $3  }
0x11e: {  	_ =	sdelay $0x1  }
0x11f: {  	[sflag:s0] =	ssyncset.done $0x0  }
0x120: {  	[sflag:s0] =	ssyncadd.s32 $0xFFFFD800  }
0x121: {  	_ =	sfence.sel $0x180000  }
0x122: {  	[bflag:$0x0] =	sbarrier.arrive $0xFFFF  }
0x123: {  	_ =	strace $0x9000004A  }
0x124: {  	s0 =	stileid.u32;
	[bflag:$0x2] =	sbarrier.arrive $0xFFFF  }
0x125: {  	p0 =	sne.s32 s0, $0x0;
	s0 =	rddreg [dreg:$0x3]  }
0x126: {  	s0 =	sadd.s32 @!p0 $0x100000, s0  }
0x127: {  	[sflag:s0] =	ssyncadd.tile.s32 @!p0 $0x1;
	_ =	shalt  }
.Lfunc_end2:
_tile_overlayer_lowered:
.L_overlay_start_2:
0x128: {  	(tag) =	ssettag $0x2  }
0x129: {  	s0 =	rddreg [dreg:$0x0];
	s2 =	stileid.u32  }
0x12a: {  	s1 =	rddreg [dreg:$0x1];
	p0 =	sne.s32 s2, $0x0  }
0x12b: {  	s3 =	rddreg [dreg:$0x2];
	[bflag:$0x3] =	sbarrier.arrive $0xFFFF;
	s2 =	simm.s32 @!p0 $0x1C0D  }
0x12c: {  	[timem:s3], [sflag:s2] =	dma.local @!p0 [hbm:s0], s1  }
0x12d: {  	s0 =	simm.s32 @!p0 $0xD  }
0x12e: {  	_ =	swait.ge @!p0 [sflag:s0], s1  }
0x12f: {  	s1 =	ssub.s32 @!p0 $0x0, s1;
	[sflag:s0] =	ssyncset.done @!p0 $0x0  }
0x130: {  	[sflag:s0] =	ssyncadd.s32 @!p0 s1  }
0x131: {  	[bflag:$0x3] =	sbarrier.arrive $0xFFFF  }
0x132: {  	_ =	shalt  }

// kernel: kernel.9.cloned.1.call-start
scs
__scs_entry_jumppad:
0x0: {  	(pc) =	sbr.rel $0x88, $3  }
0x1: {  	(tag) =	ssettag $0x0;
	lr =	simm.s32 $0x1  }
0x2: {  	[smem:$0x3F95] =	sst lr;
	_ =	strace $0xD0000000  }
0x3: {  	_ = 	snop  }
0x4: {  	_ = 	snop  }
0x5: {  	_ = 	snop  }
0x6: {  	_ = 	snop  }
0x7: {  	_ = 	snop  }
__scs_overlays_trampoline_lowered:
0x8: {  	[smem:$0x3FA4] =	sst s0  }
0x9: {  	[smem:$0x3FA5] =	sst s1  }
0xa: {  	[smem:$0x3FA6] =	sst s2  }
0xb: {  	[smem:$0x3FA7] =	sst s3  }
0xc: {  	[smem:$0x3FA8] =	sst s4  }
0xd: {  	[smem:$0x3FA9] =	sst s5  }
0xe: {  	[smem:$0x3FAA] =	sst s6  }
0xf: {  	[smem:$0x3FAB] =	sst s7  }
0x10: {  	[smem:$0x3FAC] =	sst s8  }
0x11: {  	[smem:$0x3FAD] =	sst s9;
	s0 =	simm.s32 @!p0 $0x0  }
0x12: {  	s1 =	sld [smem:$0x3F93];
	s0 =	simm.s32 @p0 $0x1  }
0x13: {  	[smem:$0x3FAE] =	sst s0;
	s0 =	simm.s32 @!p1 $0x0  }
0x14: {  	s2 =	sld [smem:$0x3F92];
	s0 =	simm.s32 @p1 $0x1  }
0x15: {  	[smem:$0x3FAF] =	sst s0;
	s0 =	simm.s32 @!p2 $0x0  }
0x16: {  	s3 =	sld [smem:$0x3FDB];
	s0 =	simm.s32 @p2 $0x1  }
0x17: {  	s4 =	simm.s32 $0x1BF5;
	[smem:$0x3FB1] =	sst s0  }
0x18: {  	s0 =	sld [smem:$0x3F94];
	_ =	swait.ge [sflag:s4], $0x0  }
0x19: {  	s7 =	sld [smem:$0x3F95]  }
0x1a: {  	s8 =	sadd.s32 $0xFFFFE003, lr  }
0x1b: {  	s9 =	sadd.s32 $0xFFFFFEF7, lr;
	s5 =	simm.s32 $0xFFFFFFFF;
	p2 =	slt.u32 s8, $0xFFFFF086  }
0x1c: {  	p1 =	slt.u32 s9, $0xF7A;
	s5 =	simm.s32 @!p2 $0x0  }
0x1d: {  	s5 =	simm.s32 @p1 $0x1;
	p0 =	seq.s32 s7, s2  }
0x1e: {  	s7 =	smul.u32 @!p0 $0xF7A, s2;
	p2 =	seq.s32 @!p0 s5, $0x0  }
0x1f: {  	s9 =	smul.u32 $0xF7A, s1;
	s8 =	simm.s32 @!p0 $0x1BF5;
	p2 =	por !p2, p0  }
0x20: {  	[sflag:s8] =	ssyncset.s32 @!p0 $0xFFFFF086;
	s6 =	sadd.s32 @!p0 s3, s7;
	s7 =	simm.s32 @!p0 $0x108  }
0x21: {  	s3 =	sadd.s32 s3, s9;
	s6 =	sadd.s32 @!p0 $0x88, s6;
	s7 =	simm.s32 @p2 $0x1082  }
0x22: {  	[simem:s7], [sflag:s8] =	dma.local @!p0 [hbm:s6], $0xF7A  }
0x23: {  	s9 =	sor.u32 $0xD0000000, s2;
	s6 =	simm.s32 $0x108;
	_ =	swait.ge @!p0 [sflag:s8], $0x0  }
0x24: {  	s3 =	sadd.s32 $0x88, s3;
	s6 =	simm.s32 @!p1 $0x1082;
	[sflag:s4] =	ssyncset.s32 $0xFFFFF086  }
0x25: {  	[simem:s6], [sflag:s4] =	dma.local [hbm:s3], $0xF7A  }
0x26: {  	[smem:$0x3F95] =	sst s1;
	(tag) =	ssettag s2;
	_ =	strace s9  }
0x27: {  	s1 =	sld [smem:$0x3FA5]  }
0x28: {  	s2 =	sld [smem:$0x3FA6]  }
0x29: {  	s4 =	sld [smem:$0x3FA8]  }
0x2a: {  	p0 =	seq.s32 s5, $0x0;
	s5 =	sld [smem:$0x3FA9]  }
0x2b: {  	s6 =	sld [smem:$0x3FAA]  }
0x2c: {  	s7 =	sld [smem:$0x3FAB]  }
0x2d: {  	s3 =	simm.s32 $0x108;
	s8 =	sld [smem:$0x3FAC]  }
0x2e: {  	s3 =	simm.s32 @!p0 $0x1082;
	s9 =	sld [smem:$0x3FAD]  }
0x2f: {  	lr =	sadd.s32 s0, s3;
	s0 =	sld [smem:$0x3FA4]  }
0x30: {  	s3 =	sld [smem:$0x3FA7]  }
0x31: {  	[smem:$0x3FB0] =	sst s10  }
0x32: {  	s10 =	sld [smem:$0x3FAE];
	_ =	sdelay $0x3  }
0x33: {  	p0 =	seq.s32 s10, $0x1;
	s10 =	sld [smem:$0x3FB0];
	_ =	sdelay $0x3  }
0x34: {  	[smem:$0x3FB0] =	sst s10  }
0x35: {  	s10 =	sld [smem:$0x3FAF];
	_ =	sdelay $0x3  }
0x36: {  	p1 =	seq.s32 s10, $0x1;
	s10 =	sld [smem:$0x3FB0];
	_ =	sdelay $0x3  }
0x37: {  	[smem:$0x3FB0] =	sst s10  }
0x38: {  	s10 =	sld [smem:$0x3FB1]  }
0x39: {  	_ = 	snop;
	(pc) =	sbr.ind lr, $3  }
0x3a: {  	_ = 	snop  }
0x3b: {  	_ = 	snop  }
0x3c: {  	p2 =	seq.s32 s10, $0x1;
	s10 =	sld [smem:$0x3FB0]  }
0x3d: {  	_ =	shalt  }
0x3e: {  	_ =	shalt  }
0x3f: {  	_ =	shalt  }
0x40: {  	_ =	shalt  }
0x41: {  	_ =	shalt  }
0x42: {  	_ =	shalt  }
0x43: {  	_ =	shalt  }
0x44: {  	_ =	shalt  }
0x45: {  	_ =	shalt  }
0x46: {  	_ =	shalt  }
0x47: {  	_ =	shalt  }
0x48: {  	_ =	shalt  }
0x49: {  	_ =	shalt  }
0x4a: {  	_ =	shalt  }
0x4b: {  	_ =	shalt  }
0x4c: {  	_ =	shalt  }
0x4d: {  	_ =	shalt  }
0x4e: {  	_ =	shalt  }
0x4f: {  	_ =	shalt  }
0x50: {  	_ =	shalt  }
0x51: {  	_ =	shalt  }
0x52: {  	_ =	shalt  }
0x53: {  	_ =	shalt  }
0x54: {  	_ =	shalt  }
0x55: {  	_ =	shalt  }
0x56: {  	_ =	shalt  }
0x57: {  	_ =	shalt  }
0x58: {  	_ =	shalt  }
0x59: {  	_ =	shalt  }
0x5a: {  	_ =	shalt  }
0x5b: {  	_ =	shalt  }
0x5c: {  	_ =	shalt  }
0x5d: {  	_ =	shalt  }
0x5e: {  	_ =	shalt  }
0x5f: {  	_ =	shalt  }
0x60: {  	_ =	shalt  }
0x61: {  	_ =	shalt  }
0x62: {  	_ =	shalt  }
0x63: {  	_ =	shalt  }
0x64: {  	_ =	shalt  }
0x65: {  	_ =	shalt  }
0x66: {  	_ =	shalt  }
0x67: {  	_ =	shalt  }
0x68: {  	_ =	shalt  }
0x69: {  	_ =	shalt  }
0x6a: {  	_ =	shalt  }
0x6b: {  	_ =	shalt  }
0x6c: {  	_ =	shalt  }
0x6d: {  	_ =	shalt  }
0x6e: {  	_ =	shalt  }
0x6f: {  	_ =	shalt  }
0x70: {  	_ =	shalt  }
0x71: {  	_ =	shalt  }
0x72: {  	_ =	shalt  }
0x73: {  	_ =	shalt  }
0x74: {  	_ =	shalt  }
0x75: {  	_ =	shalt  }
0x76: {  	_ =	shalt  }
0x77: {  	_ =	shalt  }
0x78: {  	_ =	shalt  }
0x79: {  	_ =	shalt  }
0x7a: {  	_ =	shalt  }
0x7b: {  	_ =	shalt  }
0x7c: {  	_ =	shalt  }
0x7d: {  	_ =	shalt  }
0x7e: {  	_ =	shalt  }
0x7f: {  	_ =	shalt  }
0x80: {  	_ =	shalt  }
0x81: {  	_ =	shalt  }
0x82: {  	_ =	shalt  }
0x83: {  	_ =	shalt  }
0x84: {  	_ =	shalt  }
0x85: {  	_ =	shalt  }
0x86: {  	_ =	shalt  }
0x87: {  	_ =	shalt  }
.Lfunc_end0:
.L_simem_size_0:
called_computation_lowered:
.L_overlay_start_0:
0x88: {  	s2 =	sld [smem:$0x3FD9]  }
0x89: {  	s3 =	sld [smem:$0x3FFE];
	_ =	sdelay $0x1  }
0x8a: {  	s1 =	srdreg.scid  }
0x8b: {  	s0 =	sand.u32 $0x1, s1  }
0x8c: {  	s17 =	sshll.u32 s0, $0xA;
	s2 =	sadd.s32 s3, s2  }
0x8d: {  	s2 =	sadd.s32 s2, s17  }
0x8e: {  	[smem:$0x3FBC] =	sst s2  }
0x8f: {  	_ = 	snop  }
0x90: {  	s2 =	sld [smem:$0x3FD0];
	(tm) =	ssettm $0x1  }
0x91: {  	s18 =	sld [smem:$0x3FFB];
	_ =	sdelay $0x3  }
0x92: {  	_ =	strace s18  }
0x93: {  	s3 =	sld [smem:$0x3FFC];
	_ =	sdelay $0x3  }
0x94: {  	_ =	strace s3  }
0x95: {  	s3 =	sld [smem:$0x3FFD];
	_ =	sdelay $0x3  }
0x96: {  	_ =	strace s3  }
0x97: {  	_ =	strace $0x8FFFFFFF  }
0x98: {  	s19 =	sld [smem:$0x3FDB];
	_ =	sdelay $0x1  }
0x99: {  	s4 =	simm.s32 $_scs_section_size  }
0x9a: {  	s5 =	simm.s32 $_size__tile_overlayer_lowered;
	s6 =	simm.s32 $_tile_overlayer_lowered  }
0x9b: {  	s22 =	simm.s32 $0x1BFF;
	s21 =	sshll.u32 s6, $0x1;
	s3 =	sadd.s32 s4, s19  }
0x9c: {  	s7 =	simm.s32 $0x0;
	s20 =	sshll.u32 s5, $0x1;
	s5 =	sadd.s32 s21, s3  }
0x9d: {  	[timem:s7], [sflag:s22] =	dma.local [hbm:s5], s20  }
0x9e: {  	_ =	swait.ge [sflag:s22], s20  }
0x9f: {  	s4 =	ssub.s32 $0x0, s20;
	[sflag:s22] =	ssyncset.done $0x0  }
0xa0: {  	[sflag:s22] =	ssyncadd.s32 s4;
	_ =	sdelay $0x1  }
0xa1: {  	s23 =	simm.s32 $0x1B8B  }
0xa2: {  	_ =	swait.ge [sflag:s23], $0x1  }
0xa3: {  	[sflag:s23] =	ssyncset.done $0x0  }
0xa4: {  	s25 =	simm.s32 $0x1B8E;
	s24 =	sld [smem:$0x3FFE];
	[sflag:s23] =	ssyncadd.s32 $0xFFFFFFFF  }
0xa5: {  	s26 =	simm.s32 $execute0_lowered;
	[smem:$0x3FD2] =	sst s25  }
0xa6: {  	s5 =	sshll.u32 s26, $0x1;
	_ =	strace $0x80000046;
	[dreg:$0x1] =	wrdreg $0xFFFFFFFF  }
0xa7: {  	s28 =	simm.s32 $_size_execute0_lowered;
	s3 =	sadd.s32 s3, s5;
	[dreg:$0x0] =	wrdreg $0x0  }
0xa8: {  	s5 =	sshll.u32 s28, $0x1;
	[dreg:$0x2] =	wrdreg s3  }
0xa9: {  	[dreg:$0x3] =	wrdreg s5  }
0xaa: {  	[dreg:$0x4] =	wrdreg $0xC0  }
0xab: {  	_ =	task [dreg:s7], $0x5FFFF  }
0xac: {  	[dreg:$0x1] =	wrdreg $0xFFFFFFFF  }
0xad: {  	[dreg:$0x0] =	wrdreg $0x60  }
0xae: {  	[dreg:$0x2] =	wrdreg s24  }
0xaf: {  	[dreg:$0x3] =	wrdreg s2  }
0xb0: {  	[dreg:$0x4] =	wrdreg $0x79E00  }
0xb1: {  	[dreg:$0x5] =	wrdreg $0x9  }
0xb2: {  	_ =	task.clear_ibuf [dreg:s7], $0x6FFFF;
	_ =	strace $0x90000046  }
0xb3: {  	s29 =	simm.s32 $0x9;
	_ =	strace $0x80000048  }
0xb4: {  	_ =	swait.ge [sflag:s29], $0x1  }
0xb5: {  	[sflag:s29] =	ssyncadd.s32 $0xFFFFFFFF  }
0xb6: {  	_ =	strace $0x90000048  }
0xb7: {  	_ =	sfence  }
0xb8: {  	s30 =	sld [smem:$0x0];
	_ =	sdelay $0x2  }
0xb9: {  	s31 =	sshll.u32 s1, $0xD;
	s1 =	sshrl.u32 s1, $0x2  }
0xba: {  	s3 =	sand.u32 $0x4000, s31;
	s1 =	sadd.s32 s1, s30  }
0xbb: {  	s0 =	sor.u32 s3, s0;
	s1 =	sshll.u32 s1, $0x11  }
0xbc: {  	s0 =	sor.u32 s1, s0  }
0xbd: {  	s0 =	sadd.s32 $0x8F2B, s0  }
0xbe: {  	[sflag:s0] =	ssyncadd.remote.s32 $0x1  }
0xbf: {  	_ =	sfence.sel $0xFFFF  }
0xc0: {  	[dreg:$0x0] =	wrdreg $0xFFFFFFFF;
	(pc) =	sbr.abs _section_cstart, $3  }
0xc1: {  	[dreg:$0x1] =	wrdreg $0xFFFFFFFF  }
0xc2: {  	_ =	task.clear_ibuf [dreg:s7], $0x2FFFF;
	_ =	strace $0x9FFFFFFF  }
0xc3: {  	(tm) =	ssettm $0x7FFFFFFF  }
tec
execute0_lowered:
.L_overlay_start_1:
0x0: {  	(tag) =	ssettag $0x1  }
0x1: {  	s0 =	rddreg [dreg:$0x0]  }
0x2: {  	s2 =	rddreg [dreg:$0x1]  }
0x3: {  	s3 =	rddreg [dreg:$0x2]  }
0x4: {  	s1 =	srdreg.scid;
	s14 =	stileid.u32;
	s4 =	simm.s32 $0x0  }
0x5: {  	s28 =	simm.s32 $0xA0;
	s29 =	simm.s32 $0xF0;
	s30 =	simm.s32 $0x140  }
0x6: {  	s31 =	simm.s32 $0x1E0;
	s1 =	sand.u32 $0x1, s1;
	s5 =	smul.u32 $0x14000, s14  }
0x7: {  	[smem:$0x7FF] =	sst s4;
	s8 =	sadd.s32 $0xC000, s0;
	s13 =	smul.u32 $0x2710, s14  }
0x8: {  	s9 =	sadd.s32 $0x2200, s0;
	s6 =	smul.u32 $0x140000, s1;
	s7 =	sshll.u32 s1, $0x4  }
0x9: {  	_ =	strace $0x80000047;
	s10 =	ssub.s32 $0x2, s1;
	s1 =	smul.u32 $0x27100, s1  }
0xa: {  	s7 =	sor.u32 s14, s7;
	s11 =	sshrl.u32 s10, $0x1;
	s14 =	smul.u32 $0x50000, s14  }
0xb: {  	s6 =	sadd.s32 s5, s6;
	s7 =	smul.u32 $0x2710, s7;
	s1 =	sadd.s32 s13, s1  }
0xc: {  	s11 =	ssub.s32 s10, s11;
	s6 =	sshrl.u32 s6, $0x3;
	s18 =	sadd.s32 $0x230, s1  }
0xd: {  	s19 =	sshrl.u32 s14, $0x2;
	s20 =	sadd.s32 $0x1E0, s1;
	s23 =	sadd.s32 $0x140, s1  }
0xe: {  	s1 =	sadd.s32 $0x190, s1;
	s6 =	sadd.s32 s6, s0;
	s13 =	sadd.s32 s19, s3  }
0xf: {  	s7 =	sshrl.u32 s7, $0x3;
	s14 =	sshrl.u32 s20, $0x3;
	s22 =	sadd.s32 $0x5000, s13  }
0x10: {  	s1 =	sshrl.u32 s1, $0x3;
	s21 =	sadd.s32 s14, s9;
	[dreg:$0xf] =	wrdreg s22  }
0x11: {  	s0 =	sadd.s32 s7, s0;
	s14 =	sadd.s32 s14, s8;
	[dreg:$0x5] =	wrdreg s21  }
0x12: {  	s26 =	sadd.s32 $0xA, s7;
	s24 =	sadd.s32 $0x7800, s13;
	[dreg:$0x6] =	wrdreg s14  }
0x13: {  	s12 =	sadd.s32 $0x14, s7;
	s25 =	sadd.s32 s1, s9;
	[dreg:$0x10] =	wrdreg s24  }
0x14: {  	s15 =	sadd.s32 s8, s7;
	s19 =	sadd.s32 $0x11800, s13;
	[dreg:$0x8] =	wrdreg s25  }
0x15: {  	s20 =	sadd.s32 $0x1E, s7;
	s1 =	sadd.s32 s1, s8;
	[dreg:$0x14] =	wrdreg s19  }
0x16: {  	s16 =	sadd.s32 s8, s26;
	s17 =	sadd.s32 s8, s12;
	[dreg:$0xa] =	wrdreg s15  }
0x17: {  	s10 =	sadd.s32 s9, s26;
	s26 =	sadd.s32 $0xA000, s13;
	[dreg:$0x9] =	wrdreg s1  }
0x18: {  	s21 =	sadd.s32 s9, s12;
	s22 =	sadd.s32 $0x28, s15;
	[dreg:$0xb] =	wrdreg s16  }
0x19: {  	s25 =	sadd.s32 $0x1FC00, s6;
	s0 =	sadd.s32 $0x15E00, s0;
	[dreg:$0xc] =	wrdreg s17  }
0x1a: {  	s1 =	simm.s32 $0x7;
	s6 =	simm.s32 $0x8;
	[dreg:$0xd] =	wrdreg s10  }
0x1b: {  	s12 =	simm.s32 $0x9;
	s14 =	simm.s32 $0x2;
	[dreg:$0x11] =	wrdreg s26  }
0x1c: {  	s15 =	simm.s32 $0xB;
	s19 =	simm.s32 $0x5;
	[dreg:$0x16] =	wrdreg s21  }
0x1d: {  	s16 =	sadd.s32 s9, s7;
	s10 =	sadd.s32 s5, s3;
	[dreg:$0x18] =	wrdreg s22  }
0x1e: {  	s5 =	sshrl.u32 s18, $0x3;
	s17 =	sadd.s32 $0x2800, s13;
	[dreg:$0x1a] =	wrdreg s25  }
0x1f: {  	s18 =	sadd.s32 $0xF000, s13;
	s7 =	sadd.s32 s8, s20;
	[dreg:$0x1b] =	wrdreg s0  }
0x20: {  	s26 =	smax.u32 s11, $0x1;
	s0 =	simm.s32 $0xD;
	[dreg:$0xe] =	wrdreg s17  }
0x21: {  	s11 =	simm.s32 $0x1B9E0;
	s21 =	simm.s32 $0x0;
	[dreg:$0x13] =	wrdreg s18  }
0x22: {  	s5 =	sadd.s32 s5, s8;
	s17 =	sadd.s32 $0xC800, s13;
	[dreg:$0x15] =	wrdreg s7  }
0x23: {  	s24 =	smov.u32 s16;
	[dreg:$0x1c] =	wrdreg s26;
	s26 =	simm.s32 $0x50  }
0x24: {  	s7 =	simm.s32 $0x29E0;
	s8 =	simm.s32 $0x190;
	s13 =	simm.s32 $0x51E0  }
0x25: {  	s18 =	simm.s32 $0xC;
	[dreg:$0x4] =	wrdreg s5;
	s5 =	sshrl.u32 s23, $0x3  }
0x26: {  	[dreg:$0x12] =	wrdreg s17;
	s23 =	sadd.s32 $0x4D8, s16;
	s16 =	simm.s32 $0x4  }
0x27: {  	s17 =	simm.s32 $0x3;
	s5 =	sadd.s32 s5, s9;
	[dreg:$0x19] =	wrdreg s23  }
0x28: {  	[dreg:$0x7] =	wrdreg s5;
	s5 =	sadd.s32 s9, s20;
	s9 =	simm.s32 $0x1  }
0x29: {  	v0 =	vimm.f32 $0.0e+00;
	v1 =	vimm.f32 $1.000000000e+00;
	s20 =	simm.s32 $0x6;
	[dreg:$0x17] =	wrdreg s5;
	s5 =	simm.s32 $0xA  }
.LBB2_1:
0x2a: {  	s22 =	rddreg [dreg:$0xa]  }
0x2b: {  	[tilespmem:s4], [sflag:$0x7] =	stream.linear.gather [hbm4b:s22+s4], $0x50, $0x38;
	[tilespmem:$0x1E0F0] =	vst v63  }
0x2c: {  	s25 =	rddreg [dreg:$0xb]  }
0x2d: {  	[tilespmem:s26], [sflag:$0x8] =	stream.linear.gather [hbm4b:s25+s4], $0x50, $0x38;
	[tilespmem:$0x1E0F0] =	vst v63  }
0x2e: {  	s23 =	rddreg [dreg:$0xc]  }
0x2f: {  	[tilespmem:s28], [sflag:$0x9] =	stream.linear.gather [hbm4b:s23+s4], $0x50, $0x38;
	[tilespmem:$0x1E0F0] =	vst v63  }
0x30: {  	_ = 	snop  }
0x31: {  	[tilespmem:s29], [sflag:$0xA] =	stream.linear.gather [hbm4b:s24+s4], $0x50, $0x38;
	[tilespmem:$0x1E0F0] =	vst v63  }
0x32: {  	s22 =	simm.s32 $0x0;
	s25 =	rddreg [dreg:$0xd]  }
0x33: {  	[tilespmem:s30], [sflag:$0xB] =	stream.linear.gather [hbm4b:s25+s4], $0x50, $0x38;
	[tilespmem:$0x1E0F0] =	vst v63  }
.LBB2_2:
0x34: {  	p0 =	sne.s32 s22, $0x9C00  }
.Ltmp0:
0x35: {  	_ = 	snop;
	(pc) =	sbr.rel @p0 .LBB2_2-.Ltmp0, $3  }
0x36: {  	_ =	sdelay $0x1  }
0x37: {  	s23 =	sshra.s32 s22, $0x2  }
0x38: {  	s22 =	sadd.s32 $0x40, s22;
	[tilespmem:s23+$0x1B9E0] =	vst v0  }
0x39: {  	s22 =	simm.s32 $0x0;
	s23 =	simm.s32 $0x200  }
.LBB2_4:
0x3a: {  	p0 =	sne.s32 s23, $0x9E00;
	[tilespmem:s22+$0x250] =	vst v0  }
0x3b: {  	[tilespmem:s22+$0x1E0] =	vst v0  }
0x3c: {  	[tilespmem:s22+$0x1F0] =	vst v0  }
.Ltmp1:
0x3d: {  	[tilespmem:s22+$0x200] =	vst v0;
	(pc) =	sbr.rel @p0 .LBB2_4-.Ltmp1, $4  }
0x3e: {  	[tilespmem:s22+$0x210] =	vst v0  }
0x3f: {  	[tilespmem:s22+$0x220] =	vst v0  }
0x40: {  	[tilespmem:s22+$0x230] =	vst v0  }
0x41: {  	[tilespmem:s22+$0x240] =	vst v0;
	s22 =	sshra.s32 s23, $0x2;
	s23 =	sadd.s32 $0x200, s23  }
0x42: {  	[tilespmem:s22+$0x250] =	vst v0  }
0x43: {  	[tilespmem:s22+$0x1E0] =	vst v0  }
0x44: {  	[tilespmem:s22+$0x1F0] =	vst v0  }
0x45: {  	[tilespmem:s22+$0x200] =	vst v0  }
0x46: {  	[tilespmem:s22+$0x210] =	vst v0  }
0x47: {  	[tilespmem:s22+$0x220] =	vst v0  }
0x48: {  	[tilespmem:s22+$0x230] =	vst v0  }
0x49: {  	[tilespmem:s22+$0x240] =	vst v0  }
0x4a: {  	[spmem:s10] =	stream.linear.scatter [tilespmem:s31], [sflag:$0xD], $0x2800, $0x38;
	[tilespmem:$0x1E0F0] =	vst v63  }
0x4b: {  	_ =	swait.ge [sflag:s0], $0x2800  }
0x4c: {  	[sflag:s0] =	ssyncset.done $0x0  }
0x4d: {  	s23 =	rddreg [dreg:$0xe];
	[sflag:s0] =	ssyncadd.s32 $0xFFFFD800  }
0x4e: {  	[spmem:s23] =	stream.linear.scatter [tilespmem:s31], [sflag:$0xD], $0x2800, $0x38;
	[tilespmem:$0x1E0F0] =	vst v63  }
0x4f: {  	_ =	swait.ge [sflag:s0], $0x2800  }
0x50: {  	[sflag:s0] =	ssyncset.done $0x0  }
0x51: {  	s25 =	rddreg [dreg:$0xf];
	[sflag:s0] =	ssyncadd.s32 $0xFFFFD800  }
0x52: {  	[spmem:s25] =	stream.linear.scatter [tilespmem:s31], [sflag:$0xD], $0x2800, $0x38;
	[tilespmem:$0x1E0F0] =	vst v63  }
0x53: {  	_ =	swait.ge [sflag:s0], $0x2800  }
0x54: {  	[sflag:s0] =	ssyncset.done $0x0  }
0x55: {  	s23 =	rddreg [dreg:$0x10];
	[sflag:s0] =	ssyncadd.s32 $0xFFFFD800  }
0x56: {  	[spmem:s23] =	stream.linear.scatter [tilespmem:s31], [sflag:$0xD], $0x2800, $0x38;
	[tilespmem:$0x1E0F0] =	vst v63  }
0x57: {  	_ =	swait.ge [sflag:s0], $0x2800  }
0x58: {  	[sflag:s0] =	ssyncset.done $0x0  }
0x59: {  	s25 =	rddreg [dreg:$0x11];
	[sflag:s0] =	ssyncadd.s32 $0xFFFFD800  }
0x5a: {  	[spmem:s25] =	stream.linear.scatter [tilespmem:s31], [sflag:$0xD], $0x2800, $0x38;
	[tilespmem:$0x1E0F0] =	vst v63  }
0x5b: {  	_ =	swait.ge [sflag:s0], $0x2800  }
0x5c: {  	[sflag:s0] =	ssyncset.done $0x0  }
0x5d: {  	s23 =	rddreg [dreg:$0x12];
	[sflag:s0] =	ssyncadd.s32 $0xFFFFD800  }
0x5e: {  	[spmem:s23] =	stream.linear.scatter [tilespmem:s31], [sflag:$0xD], $0x2800, $0x38;
	[tilespmem:$0x1E0F0] =	vst v63  }
0x5f: {  	_ =	swait.ge [sflag:s0], $0x2800  }
0x60: {  	[sflag:s0] =	ssyncset.done $0x0  }
0x61: {  	s25 =	rddreg [dreg:$0x13];
	[sflag:s0] =	ssyncadd.s32 $0xFFFFD800  }
0x62: {  	[spmem:s25] =	stream.linear.scatter [tilespmem:s31], [sflag:$0xD], $0x2800, $0x38;
	[tilespmem:$0x1E0F0] =	vst v63  }
0x63: {  	_ =	swait.ge [sflag:s0], $0x2800  }
0x64: {  	[sflag:s0] =	ssyncset.done $0x0  }
0x65: {  	s23 =	rddreg [dreg:$0x14];
	[sflag:s0] =	ssyncadd.s32 $0xFFFFD800  }
0x66: {  	[spmem:s23] =	stream.linear.scatter [tilespmem:s31], [sflag:$0xD], $0x2800, $0x38;
	[tilespmem:$0x1E0F0] =	vst v63  }
0x67: {  	_ =	swait.ge [sflag:s0], $0x2800  }
0x68: {  	[sflag:s0] =	ssyncset.done $0x0  }
0x69: {  	[sflag:s0] =	ssyncadd.s32 $0xFFFFD800  }
0x6a: {  	_ =	swait.ge [sflag:s1], $0x50  }
0x6b: {  	[sflag:s1] =	ssyncset.done $0x0  }
0x6c: {  	s22 =	simm.s32 $0x0;
	[sflag:s1] =	ssyncadd.s32 $0xFFFFFFB0  }
0x6d: {  	[tilespmem:s31], [sflag:$0x1] =	stream.indirect.gather [hbm4b:s2+s26], $0x80, s22, s26, $0xb8;
	[tilespmem:$0x1E0F0] =	vst v63  }
0x6e: {  	_ =	swait.ge [sflag:s6], $0x50  }
0x6f: {  	[sflag:s6] =	ssyncset.done $0x0  }
0x70: {  	[sflag:s6] =	ssyncadd.s32 $0xFFFFFFB0  }
0x71: {  	[tilespmem:s7], [sflag:$0x2] =	stream.indirect.gather [hbm4b:s2+s26], $0x80, s26, s26, $0xb8;
	[tilespmem:$0x1E0F0] =	vst v63  }
0x72: {  	[bflag:$0x0] =	sbarrier.arrive $0xFFFF  }
0x73: {  	_ =	swait.ge [sflag:s9], $0x2800  }
0x74: {  	[sflag:s9] =	ssyncset.done $0x0  }
0x75: {  	[sflag:s9] =	ssyncadd.s32 $0xFFFFD800  }
0x76: {  	_ =	swait.ge [sflag:s5], $0x50  }
0x77: {  	[sflag:s5] =	ssyncset.done $0x0  }
0x78: {  	[sflag:s5] =	ssyncadd.s32 $0xFFFFFFB0  }
0x79: {  	v2 =	vld [tilespmem:$0xF0];
	_ =	sdelay $0x7  }
0x7a: {  	[tilespmem:v2+s11+$0x0] =	vst.idx.add.f32.msk $0xffff, v1  }
0x7b: {  	v2 =	vld [tilespmem:$0x100];
	_ =	sdelay $0x7  }
0x7c: {  	[tilespmem:v2+s11+$0x0] =	vst.idx.add.f32.msk $0xffff, v1  }
0x7d: {  	v2 =	vld [tilespmem:$0x110];
	_ =	sdelay $0x7  }
0x7e: {  	[tilespmem:v2+s11+$0x0] =	vst.idx.add.f32.msk $0xffff, v1  }
0x7f: {  	v2 =	vld [tilespmem:$0x120];
	_ =	sdelay $0x7  }
0x80: {  	[tilespmem:v2+s11+$0x0] =	vst.idx.add.f32.msk $0xffff, v1  }
0x81: {  	v2 =	vld [tilespmem:$0x130];
	_ =	sdelay $0x7  }
0x82: {  	[tilespmem:v2+s11+$0x0] =	vst.idx.add.f32.msk $0xffff, v1  }
0x83: {  	[spmem:s3] =	stream.indirect.scatter.add.f32 [tilespmem:s31], [sflag:$0x4], $0x80, s29, s26, $0xb8;
	[tilespmem:$0x1E0F0] =	vst v63  }
0x84: {  	s23 =	rddreg [dreg:$0x15]  }
0x85: {  	[tilespmem:s22], [sflag:$0x7] =	stream.linear.gather [hbm4b:s23+s22], $0x50, $0x38;
	[tilespmem:$0x1E0F0] =	vst v63  }
0x86: {  	s25 =	rddreg [dreg:$0x16]  }
0x87: {  	[tilespmem:s8], [sflag:$0xC] =	stream.linear.gather [hbm4b:s25+s22], $0x50, $0x38;
	[tilespmem:$0x1E0F0] =	vst v63  }
0x88: {  	_ =	swait.ge [sflag:s12], $0x50  }
0x89: {  	[sflag:s12] =	ssyncset.done $0x0  }
0x8a: {  	[sflag:s12] =	ssyncadd.s32 $0xFFFFFFB0  }
0x8b: {  	[tilespmem:s13], [sflag:$0x3] =	stream.indirect.gather [hbm4b:s2+s26], $0x80, s28, s26, $0xb8;
	[tilespmem:$0x1E0F0] =	vst v63  }
0x8c: {  	_ =	swait.ge [sflag:s14], $0x2800  }
0x8d: {  	[sflag:s14] =	ssyncset.done $0x0  }
0x8e: {  	[sflag:s14] =	ssyncadd.s32 $0xFFFFD800  }
0x8f: {  	_ =	swait.ge [sflag:s15], $0x50  }
0x90: {  	[sflag:s15] =	ssyncset.done $0x0  }
0x91: {  	[sflag:s15] =	ssyncadd.s32 $0xFFFFFFB0  }
0x92: {  	v2 =	vld [tilespmem:$0x140];
	_ =	sdelay $0x7  }
0x93: {  	[tilespmem:v2+s11+$0x0] =	vst.idx.add.f32.msk $0xffff, v1  }
0x94: {  	v2 =	vld [tilespmem:$0x150];
	_ =	sdelay $0x7  }
0x95: {  	[tilespmem:v2+s11+$0x0] =	vst.idx.add.f32.msk $0xffff, v1  }
0x96: {  	v2 =	vld [tilespmem:$0x160];
	_ =	sdelay $0x7  }
0x97: {  	[tilespmem:v2+s11+$0x0] =	vst.idx.add.f32.msk $0xffff, v1  }
0x98: {  	v2 =	vld [tilespmem:$0x170];
	_ =	sdelay $0x7  }
0x99: {  	[tilespmem:v2+s11+$0x0] =	vst.idx.add.f32.msk $0xffff, v1  }
0x9a: {  	v2 =	vld [tilespmem:$0x180];
	_ =	sdelay $0x7  }
0x9b: {  	[tilespmem:v2+s11+$0x0] =	vst.idx.add.f32.msk $0xffff, v1  }
0x9c: {  	[spmem:s3] =	stream.indirect.scatter.add.f32 [tilespmem:s7], [sflag:$0x5], $0x80, s30, s26, $0xb8;
	[tilespmem:$0x1E0F0] =	vst v63  }
0x9d: {  	s25 =	rddreg [dreg:$0x18]  }
0x9e: {  	[tilespmem:s26], [sflag:$0x8] =	stream.linear.gather [hbm4b:s25+s22], $0x50, $0x38;
	[tilespmem:$0x1E0F0] =	vst v63  }
0x9f: {  	_ =	swait.ge [sflag:s16], $0x2800  }
0xa0: {  	[sflag:s16] =	ssyncset.done $0x0  }
0xa1: {  	s25 =	rddreg [dreg:$0x17];
	[sflag:s16] =	ssyncadd.s32 $0xFFFFD800  }
0xa2: {  	[tilespmem:s29], [sflag:$0xA] =	stream.linear.gather [hbm4b:s25+s22], $0x50, $0x38;
	[tilespmem:$0x1E0F0] =	vst v63  }
0xa3: {  	_ =	swait.ge [sflag:s1], $0x50  }
0xa4: {  	[sflag:s1] =	ssyncset.done $0x0  }
0xa5: {  	[sflag:s1] =	ssyncadd.s32 $0xFFFFFFB0  }
0xa6: {  	[tilespmem:s31], [sflag:$0x1] =	stream.indirect.gather [hbm4b:s2+s26], $0x80, s22, s26, $0xb8;
	[tilespmem:$0x1E0F0] =	vst v63  }
.LBB2_6:
0xa7: {  	_ =	swait.ge [sflag:s17], $0x2800  }
0xa8: {  	[sflag:s17] =	ssyncset.done $0x0  }
0xa9: {  	[sflag:s17] =	ssyncadd.s32 $0xFFFFD800  }
0xaa: {  	_ =	swait.ge [sflag:s18], $0x50  }
0xab: {  	[sflag:s18] =	ssyncset.done $0x0  }
0xac: {  	[sflag:s18] =	ssyncadd.s32 $0xFFFFFFB0  }
0xad: {  	v2 =	vld [tilespmem:$0x190];
	_ =	sdelay $0x7  }
0xae: {  	[tilespmem:v2+s11+$0x0] =	vst.idx.add.f32.msk $0xffff, v1  }
0xaf: {  	v2 =	vld [tilespmem:$0x1A0];
	_ =	sdelay $0x7  }
0xb0: {  	[tilespmem:v2+s11+$0x0] =	vst.idx.add.f32.msk $0xffff, v1  }
0xb1: {  	v2 =	vld [tilespmem:$0x1B0];
	_ =	sdelay $0x7  }
0xb2: {  	[tilespmem:v2+s11+$0x0] =	vst.idx.add.f32.msk $0xffff, v1  }
0xb3: {  	v2 =	vld [tilespmem:$0x1C0];
	_ =	sdelay $0x7  }
0xb4: {  	[tilespmem:v2+s11+$0x0] =	vst.idx.add.f32.msk $0xffff, v1  }
0xb5: {  	v2 =	vld [tilespmem:$0x1D0];
	_ =	sdelay $0x7  }
0xb6: {  	s23 =	rddreg [dreg:$0x9];
	[tilespmem:v2+s11+$0x0] =	vst.idx.add.f32.msk $0xffff, v1  }
0xb7: {  	[spmem:s3] =	stream.indirect.scatter.add.f32 [tilespmem:s13], [sflag:$0x6], $0x80, s8, s26, $0xb8;
	[tilespmem:$0x1E0F0] =	vst v63  }
0xb8: {  	s23 =	sadd.s32 s22, s23  }
0xb9: {  	[tilespmem:s28], [sflag:$0x9] =	stream.linear.gather [hbm4b:s23+s4], $0x50, $0x38;
	[tilespmem:$0x1E0F0] =	vst v63  }
0xba: {  	_ =	swait.ge [sflag:s19], $0x2800  }
0xbb: {  	s25 =	rddreg [dreg:$0x7];
	[sflag:s19] =	ssyncset.done $0x0  }
0xbc: {  	[sflag:s19] =	ssyncadd.s32 $0xFFFFD800;
	s23 =	sadd.s32 s22, s25  }
0xbd: {  	[tilespmem:s30], [sflag:$0xB] =	stream.linear.gather [hbm4b:s23+s4], $0x50, $0x38;
	[tilespmem:$0x1E0F0] =	vst v63  }
0xbe: {  	_ =	swait.ge [sflag:s6], $0x50  }
0xbf: {  	[sflag:s6] =	ssyncset.done $0x0  }
0xc0: {  	[sflag:s6] =	ssyncadd.s32 $0xFFFFFFB0  }
0xc1: {  	[tilespmem:s7], [sflag:$0x2] =	stream.indirect.gather [hbm4b:s2+s26], $0x80, s26, s26, $0xb8;
	[tilespmem:$0x1E0F0] =	vst v63  }
0xc2: {  	_ =	swait.ge [sflag:s9], $0x2800  }
0xc3: {  	[sflag:s9] =	ssyncset.done $0x0  }
0xc4: {  	[sflag:s9] =	ssyncadd.s32 $0xFFFFD800  }
0xc5: {  	_ =	swait.ge [sflag:s5], $0x50  }
0xc6: {  	[sflag:s5] =	ssyncset.done $0x0  }
0xc7: {  	[sflag:s5] =	ssyncadd.s32 $0xFFFFFFB0  }
0xc8: {  	v2 =	vld [tilespmem:$0xF0];
	_ =	sdelay $0x7  }
0xc9: {  	[tilespmem:v2+s11+$0x0] =	vst.idx.add.f32.msk $0xffff, v1  }
0xca: {  	v2 =	vld [tilespmem:$0x100];
	_ =	sdelay $0x7  }
0xcb: {  	[tilespmem:v2+s11+$0x0] =	vst.idx.add.f32.msk $0xffff, v1  }
0xcc: {  	v2 =	vld [tilespmem:$0x110];
	_ =	sdelay $0x7  }
0xcd: {  	[tilespmem:v2+s11+$0x0] =	vst.idx.add.f32.msk $0xffff, v1  }
0xce: {  	v2 =	vld [tilespmem:$0x120];
	_ =	sdelay $0x7  }
0xcf: {  	[tilespmem:v2+s11+$0x0] =	vst.idx.add.f32.msk $0xffff, v1  }
0xd0: {  	v2 =	vld [tilespmem:$0x130];
	_ =	sdelay $0x7  }
0xd1: {  	s25 =	rddreg [dreg:$0x6];
	[tilespmem:v2+s11+$0x0] =	vst.idx.add.f32.msk $0xffff, v1  }
0xd2: {  	[spmem:s3] =	stream.indirect.scatter.add.f32 [tilespmem:s31], [sflag:$0x4], $0x80, s29, s26, $0xb8;
	[tilespmem:$0x1E0F0] =	vst v63  }
0xd3: {  	s23 =	sadd.s32 s22, s25  }
0xd4: {  	[tilespmem:s4], [sflag:$0x7] =	stream.linear.gather [hbm4b:s23+s4], $0x50, $0x38;
	[tilespmem:$0x1E0F0] =	vst v63  }
0xd5: {  	_ =	swait.ge [sflag:s20], $0x2800  }
0xd6: {  	s25 =	rddreg [dreg:$0x8];
	[sflag:s20] =	ssyncset.done $0x0  }
0xd7: {  	[sflag:s20] =	ssyncadd.s32 $0xFFFFD800;
	s23 =	sadd.s32 s22, s25  }
0xd8: {  	[tilespmem:s8], [sflag:$0xC] =	stream.linear.gather [hbm4b:s23+s4], $0x50, $0x38;
	[tilespmem:$0x1E0F0] =	vst v63  }
0xd9: {  	_ =	swait.ge [sflag:s12], $0x50  }
0xda: {  	[sflag:s12] =	ssyncset.done $0x0  }
0xdb: {  	[sflag:s12] =	ssyncadd.s32 $0xFFFFFFB0  }
0xdc: {  	[tilespmem:s13], [sflag:$0x3] =	stream.indirect.gather [hbm4b:s2+s26], $0x80, s28, s26, $0xb8;
	[tilespmem:$0x1E0F0] =	vst v63  }
0xdd: {  	_ =	swait.ge [sflag:s14], $0x2800  }
0xde: {  	[sflag:s14] =	ssyncset.done $0x0  }
0xdf: {  	[sflag:s14] =	ssyncadd.s32 $0xFFFFD800  }
0xe0: {  	_ =	swait.ge [sflag:s15], $0x50  }
0xe1: {  	[sflag:s15] =	ssyncset.done $0x0  }
0xe2: {  	[sflag:s15] =	ssyncadd.s32 $0xFFFFFFB0  }
0xe3: {  	v2 =	vld [tilespmem:$0x140];
	_ =	sdelay $0x7  }
0xe4: {  	[tilespmem:v2+s11+$0x0] =	vst.idx.add.f32.msk $0xffff, v1  }
0xe5: {  	v2 =	vld [tilespmem:$0x150];
	_ =	sdelay $0x7  }
0xe6: {  	[tilespmem:v2+s11+$0x0] =	vst.idx.add.f32.msk $0xffff, v1  }
0xe7: {  	v2 =	vld [tilespmem:$0x160];
	_ =	sdelay $0x7  }
0xe8: {  	[tilespmem:v2+s11+$0x0] =	vst.idx.add.f32.msk $0xffff, v1  }
0xe9: {  	v2 =	vld [tilespmem:$0x170];
	_ =	sdelay $0x7  }
0xea: {  	[tilespmem:v2+s11+$0x0] =	vst.idx.add.f32.msk $0xffff, v1  }
0xeb: {  	v2 =	vld [tilespmem:$0x180];
	_ =	sdelay $0x7  }
0xec: {  	s25 =	rddreg [dreg:$0x4];
	[tilespmem:v2+s11+$0x0] =	vst.idx.add.f32.msk $0xffff, v1  }
0xed: {  	[spmem:s3] =	stream.indirect.scatter.add.f32 [tilespmem:s7], [sflag:$0x5], $0x80, s30, s26, $0xb8;
	[tilespmem:$0x1E0F0] =	vst v63  }
0xee: {  	s23 =	sadd.s32 s22, s25  }
0xef: {  	[tilespmem:s26], [sflag:$0x8] =	stream.linear.gather [hbm4b:s23+s4], $0x50, $0x38;
	[tilespmem:$0x1E0F0] =	vst v63  }
0xf0: {  	_ =	swait.ge [sflag:s16], $0x2800  }
0xf1: {  	s25 =	rddreg [dreg:$0x5];
	[sflag:s16] =	ssyncset.done $0x0  }
0xf2: {  	p0 =	sne.s32 s22, $0x492;
	[sflag:s16] =	ssyncadd.s32 $0xFFFFD800;
	s23 =	sadd.s32 s22, s25  }
0xf3: {  	[tilespmem:s29], [sflag:$0xA] =	stream.linear.gather [hbm4b:s23+s4], $0x50, $0x38;
	[tilespmem:$0x1E0F0] =	vst v63  }
.Ltmp2:
0xf4: {  	_ = 	snop;
	(pc) =	sbr.rel @p0 .LBB2_6-.Ltmp2, $4  }
0xf5: {  	_ =	swait.ge [sflag:s1], $0x50  }
0xf6: {  	[sflag:s1] =	ssyncset.done $0x0  }
0xf7: {  	s22 =	sadd.s32 $0x1E, s22;
	[sflag:s1] =	ssyncadd.s32 $0xFFFFFFB0  }
0xf8: {  	[tilespmem:s31], [sflag:$0x1] =	stream.indirect.gather [hbm4b:s2+s26], $0x80, s4, s26, $0xb8;
	[tilespmem:$0x1E0F0] =	vst v63  }
0xf9: {  	_ =	swait.ge [sflag:s17], $0x2800  }
0xfa: {  	[sflag:s17] =	ssyncset.done $0x0  }
0xfb: {  	[sflag:s17] =	ssyncadd.s32 $0xFFFFD800  }
0xfc: {  	_ =	swait.ge [sflag:s18], $0x50  }
0xfd: {  	[sflag:s18] =	ssyncset.done $0x0  }
0xfe: {  	[sflag:s18] =	ssyncadd.s32 $0xFFFFFFB0  }
0xff: {  	v2 =	vld [tilespmem:$0x190];
	_ =	sdelay $0x7  }
0x100: {  	[tilespmem:v2+s11+$0x0] =	vst.idx.add.f32.msk $0xffff, v1  }
0x101: {  	v2 =	vld [tilespmem:$0x1A0];
	_ =	sdelay $0x7  }
0x102: {  	[tilespmem:v2+s11+$0x0] =	vst.idx.add.f32.msk $0xffff, v1  }
0x103: {  	v2 =	vld [tilespmem:$0x1B0];
	_ =	sdelay $0x7  }
0x104: {  	[tilespmem:v2+s11+$0x0] =	vst.idx.add.f32.msk $0xffff, v1  }
0x105: {  	v2 =	vld [tilespmem:$0x1C0];
	_ =	sdelay $0x7  }
0x106: {  	[tilespmem:v2+s11+$0x0] =	vst.idx.add.f32.msk $0xffff, v1  }
0x107: {  	v2 =	vld [tilespmem:$0x1D0];
	_ =	sdelay $0x7  }
0x108: {  	[tilespmem:v2+s11+$0x0] =	vst.idx.add.f32.msk $0xffff, v1  }
0x109: {  	[spmem:s3] =	stream.indirect.scatter.add.f32 [tilespmem:s13], [sflag:$0x6], $0x80, s8, s26, $0xb8;
	[tilespmem:$0x1E0F0] =	vst v63  }
0x10a: {  	_ =	swait.ge [sflag:s19], $0x2800  }
0x10b: {  	[sflag:s19] =	ssyncset.done $0x0  }
0x10c: {  	s22 =	rddreg [dreg:$0x19];
	[sflag:s19] =	ssyncadd.s32 $0xFFFFD800  }
0x10d: {  	[tilespmem:s30], [sflag:$0xB] =	stream.linear.gather [hbm4b:s22+s4], $0x50, $0x38;
	[tilespmem:$0x1E0F0] =	vst v63  }
0x10e: {  	_ =	swait.ge [sflag:s6], $0x50  }
0x10f: {  	[sflag:s6] =	ssyncset.done $0x0  }
0x110: {  	[sflag:s6] =	ssyncadd.s32 $0xFFFFFFB0  }
0x111: {  	[tilespmem:s7], [sflag:$0x2] =	stream.indirect.gather [hbm4b:s2+s26], $0x80, s26, s26, $0xb8;
	[tilespmem:$0x1E0F0] =	vst v63  }
0x112: {  	_ =	swait.ge [sflag:s9], $0x2800  }
0x113: {  	[sflag:s9] =	ssyncset.done $0x0  }
0x114: {  	[sflag:s9] =	ssyncadd.s32 $0xFFFFD800  }
0x115: {  	_ =	swait.ge [sflag:s5], $0x50  }
0x116: {  	[sflag:s5] =	ssyncset.done $0x0  }
0x117: {  	[sflag:s5] =	ssyncadd.s32 $0xFFFFFFB0  }
0x118: {  	v2 =	vld [tilespmem:$0xF0];
	_ =	sdelay $0x7  }
0x119: {  	[tilespmem:v2+s11+$0x0] =	vst.idx.add.f32.msk $0xffff, v1  }
0x11a: {  	v2 =	vld [tilespmem:$0x100];
	_ =	sdelay $0x7  }
0x11b: {  	[tilespmem:v2+s11+$0x0] =	vst.idx.add.f32.msk $0xffff, v1  }
0x11c: {  	v2 =	vld [tilespmem:$0x110];
	_ =	sdelay $0x7  }
0x11d: {  	[tilespmem:v2+s11+$0x0] =	vst.idx.add.f32.msk $0xffff, v1  }
0x11e: {  	v2 =	vld [tilespmem:$0x120];
	_ =	sdelay $0x7  }
0x11f: {  	[tilespmem:v2+s11+$0x0] =	vst.idx.add.f32.msk $0xffff, v1  }
0x120: {  	v2 =	vld [tilespmem:$0x130];
	_ =	sdelay $0x7  }
0x121: {  	[tilespmem:v2+s11+$0x0] =	vst.idx.add.f32.msk $0xffff, v1  }
0x122: {  	[spmem:s3] =	stream.indirect.scatter.add.f32 [tilespmem:s31], [sflag:$0x4], $0x80, s29, s26, $0xb8;
	[tilespmem:$0x1E0F0] =	vst v63  }
0x123: {  	_ =	swait.ge [sflag:s20], $0x2800  }
0x124: {  	[sflag:s20] =	ssyncset.done $0x0  }
0x125: {  	[sflag:s20] =	ssyncadd.s32 $0xFFFFD800  }
0x126: {  	_ =	swait.ge [sflag:s14], $0x2800  }
0x127: {  	[sflag:s14] =	ssyncset.done $0x0  }
0x128: {  	[sflag:s14] =	ssyncadd.s32 $0xFFFFD800  }
0x129: {  	_ =	swait.ge [sflag:s15], $0x50  }
0x12a: {  	[sflag:s15] =	ssyncset.done $0x0  }
0x12b: {  	[sflag:s15] =	ssyncadd.s32 $0xFFFFFFB0  }
0x12c: {  	v2 =	vld [tilespmem:$0x140];
	_ =	sdelay $0x7  }
0x12d: {  	[tilespmem:v2+s11+$0x0] =	vst.idx.add.f32.msk $0xffff, v1  }
0x12e: {  	v2 =	vld [tilespmem:$0x150];
	_ =	sdelay $0x7  }
0x12f: {  	[tilespmem:v2+s11+$0x0] =	vst.idx.add.f32.msk $0xffff, v1  }
0x130: {  	v2 =	vld [tilespmem:$0x160];
	_ =	sdelay $0x7  }
0x131: {  	[tilespmem:v2+s11+$0x0] =	vst.idx.add.f32.msk $0xffff, v1  }
0x132: {  	v2 =	vld [tilespmem:$0x170];
	_ =	sdelay $0x7  }
0x133: {  	[tilespmem:v2+s11+$0x0] =	vst.idx.add.f32.msk $0xffff, v1  }
0x134: {  	v2 =	vld [tilespmem:$0x180];
	_ =	sdelay $0x7  }
0x135: {  	[tilespmem:v2+s11+$0x0] =	vst.idx.add.f32.msk $0xffff, v1  }
0x136: {  	[spmem:s3] =	stream.indirect.scatter.add.f32 [tilespmem:s7], [sflag:$0x5], $0x80, s30, s26, $0xb8;
	[tilespmem:$0x1E0F0] =	vst v63  }
0x137: {  	_ =	swait.ge [sflag:s16], $0x2800  }
0x138: {  	[sflag:s16] =	ssyncset.done $0x0  }
0x139: {  	[sflag:s16] =	ssyncadd.s32 $0xFFFFD800  }
0x13a: {  	_ =	swait.ge [sflag:s19], $0x2800  }
0x13b: {  	[sflag:s19] =	ssyncset.done $0x0  }
0x13c: {  	s25 =	stileid.u32;
	[sflag:s19] =	ssyncadd.s32 $0xFFFFD800  }
0x13d: {  	s22 =	sshll.u32 s25, $0x6;
	[bflag:$0x0] =	sbarrier.arrive $0xFFFF  }
0x13e: {  	s23 =	sshrl.u32 s10, $0x3;
	s22 =	sor.u32 $0x1C0D, s22;
	s25 =	rddreg [dreg:$0x1a]  }
0x13f: {  	[hbm:s25], [sflag:s22] =	dma.local [spmem:s23], $0x2800  }
0x140: {  	_ =	swait.ge [sflag:s0], $0x2800  }
0x141: {  	[sflag:s0] =	ssyncset.done $0x0  }
0x142: {  	s23 =	rddreg [dreg:$0x1b];
	[sflag:s0] =	ssyncadd.s32 $0xFFFFD800  }
0x143: {  	[hbm4b:s23+s4] =	stream.linear.scatter [tilespmem:s11], [sflag:$0xD], $0x2710, $0x38;
	[tilespmem:$0x1E0F0] =	vst v63  }
0x144: {  	_ =	swait.ge [sflag:s0], $0x2710  }
0x145: {  	s21 =	sadd.s32 $0x1, s21;
	s25 =	rddreg [dreg:$0x1c]  }
0x146: {  	p0 =	sne.s32 s21, s25  }
.Ltmp3:
0x147: {  	_ = 	snop;
	(pc) =	sbr.rel @p0 .LBB2_1-.Ltmp3, $3  }
0x148: {  	_ =	sdelay $0x1  }
0x149: {  	[sflag:s0] =	ssyncset.done $0x0  }
0x14a: {  	[sflag:s0] =	ssyncadd.s32 $0xFFFFD8F0  }
0x14b: {  	_ =	sfence.sel $0x180000  }
0x14c: {  	[bflag:$0x0] =	sbarrier.arrive $0xFFFF  }
0x14d: {  	_ =	strace $0x90000047  }
0x14e: {  	s0 =	stileid.u32;
	[bflag:$0x2] =	sbarrier.arrive $0xFFFF  }
0x14f: {  	p0 =	sne.s32 s0, $0x0;
	s0 =	rddreg [dreg:$0x3]  }
0x150: {  	s0 =	sadd.s32 @!p0 $0x100000, s0  }
0x151: {  	[sflag:s0] =	ssyncadd.tile.s32 @!p0 $0x1;
	_ =	shalt  }
.Lfunc_end2:
_tile_overlayer_lowered:
.L_overlay_start_2:
0x152: {  	(tag) =	ssettag $0x2  }
0x153: {  	s0 =	rddreg [dreg:$0x0];
	s2 =	stileid.u32  }
0x154: {  	s1 =	rddreg [dreg:$0x1];
	p0 =	sne.s32 s2, $0x0  }
0x155: {  	s3 =	rddreg [dreg:$0x2];
	[bflag:$0x3] =	sbarrier.arrive $0xFFFF;
	s2 =	simm.s32 @!p0 $0x1C0D  }
0x156: {  	[timem:s3], [sflag:s2] =	dma.local @!p0 [hbm:s0], s1  }
0x157: {  	s0 =	simm.s32 @!p0 $0xD  }
0x158: {  	_ =	swait.ge @!p0 [sflag:s0], s1  }
0x159: {  	s1 =	ssub.s32 @!p0 $0x0, s1;
	[sflag:s0] =	ssyncset.done @!p0 $0x0  }
0x15a: {  	[sflag:s0] =	ssyncadd.s32 @!p0 s1  }
0x15b: {  	[bflag:$0x3] =	sbarrier.arrive $0xFFFF  }
0x15c: {  	_ =	shalt  }

</sc_bundles>
